<compile_context>
chip_gen: v7x
topology: tpu7x:2x2x1
jax: 0.10.2.dev20260603
libtpu: 0.0.44.dev20260713+nightly
codegen_flags: <defaults>
</compile_context>

<pallas_src>
import jax
import jax.numpy as jnp
from jax import lax
from jax.experimental import pallas as pl
from jax.experimental.pallas import tpu as pltpu
from jax.experimental.pallas import tpu_sc as plsc

N_NODES = 100000
N_EDGES = 6400000
R_MAX = 4.0

NC = 2
NS = 16
NW = NC * NS
CHUNK = 2048
N_CHUNKS = N_EDGES // CHUNK
BIG = 21
CPW_HI = 98
NBUF = 3
UNROLL = 8
VEC_ITERS = CHUNK // (16 * UNROLL)

PACK_WORDS = N_NODES // 16
PACK_PAD = 6256

OUT_PAD = 100352
OUT_ROWS = OUT_PAD // 128

CA = 28.0 / 4096.0
CB = 48.0 / 16384.0
CC = 21.0 / 65536.0
RCP_MAGIC = 0x7EF311C3


def _sc_body(len_hbm, eidx_hbm, packed_hbm, sc13_hbm, out_hbm,
             acc, packed_v, sc13_v, len_bufs, idx_bufs, sems):
    cid = lax.axis_index("c")
    sid = lax.axis_index("s")
    wid = sid * NC + cid

    pltpu.sync_copy(packed_hbm, packed_v)
    pltpu.sync_copy(sc13_hbm, sc13_v)

    zeros = jnp.zeros((16,), jnp.float32)

    def zinit(i, _):
        for u in range(10):
            acc[pl.ds(i * 160 + u * 16, 16)] = zeros
        return 0

    lax.fori_loop(0, N_NODES // 160, zinit, 0)

    cnt = jnp.where(wid < BIG, CPW_HI, CPW_HI - 1)
    first = wid * (CPW_HI - 1) + jnp.minimum(wid, BIG)

    def start_chunk(j, buf):
        col = (first + j) * CHUNK
        pltpu.async_copy(len_hbm.at[pl.ds(col, CHUNK)], len_bufs[buf],
                         sems.at[buf])
        pltpu.async_copy(eidx_hbm.at[:, pl.ds(col, CHUNK)], idx_bufs[buf],
                         sems.at[buf])

    def wait_chunk(j, buf):
        col = (first + j) * CHUNK
        pltpu.make_async_copy(len_hbm.at[pl.ds(col, CHUNK)], len_bufs[buf],
                              sems.at[buf]).wait()
        pltpu.make_async_copy(eidx_hbm.at[:, pl.ds(col, CHUNK)],
                              idx_bufs[buf], sems.at[buf]).wait()

    for u in range(NBUF):
        @pl.when(u < cnt)
        def _(u=u):
            start_chunk(u, u)

    def compute_chunk(buf):
        len_v = len_bufs[buf]
        idx_v = idx_bufs[buf]

        @plsc.parallel_loop(0, CHUNK // 16, 1, unroll=UNROLL)
        def vec_body(vi):
            if True:
                off = vi * 16
                ln = len_v[pl.ds(off, 16)]
                c = idx_v[0, pl.ds(off, 16)]
                n = idx_v[1, pl.ds(off, 16)]
                wc = plsc.load_gather(packed_v, [c >> 4])
                wn = plsc.load_gather(packed_v, [n >> 4])
                spc = (wc >> ((c & 15) * 2)) & 3
                spn = (wn >> ((n & 15) * 2)) & 3
                l13 = plsc.load_gather(sc13_v, [spc * 4 + spn])
                y0 = lax.bitcast_convert_type(
                    RCP_MAGIC - lax.bitcast_convert_type(ln, jnp.int32),
                    jnp.float32)
                y1 = y0 * (2.0 - ln * y0)
                y = y1 * (2.0 - ln * y1)
                yy = y * y
                y4 = yy * yy
                y8 = y4 * y4
                inner = y8 - CA * yy + (CB * y - CC)
                eng = jnp.where(ln < R_MAX, y4 * inner * l13, 0.0)
                plsc.addupdate_scatter(acc, [c], eng)

    def tri_body(i, _):
        for u in range(NBUF):
            j = i * NBUF + u

            @pl.when(j < cnt)
            def _(j=j, u=u):
                wait_chunk(j, u)
                compute_chunk(u)

            @pl.when(j + NBUF < cnt)
            def _(j=j, u=u):
                start_chunk(j + NBUF, u)
        return 0

    lax.fori_loop(0, (CPW_HI + NBUF - 1) // NBUF, tri_body, 0)

    pltpu.sync_copy(acc, out_hbm.at[pl.ds(wid * OUT_PAD, N_NODES)])


@jax.jit
def _sc_edge_partials(edge_length, edge_index, packed, sc13):
    mesh = plsc.VectorSubcoreMesh(
        core_axis_name="c", subcore_axis_name="s",
        num_cores=NC, num_subcores=NS)

    def body(len_hbm, eidx_hbm, packed_hbm, sc13_hbm, out_hbm,
             acc, packed_v, sc13_v,
             len0, len1, len2, idx0, idx1, idx2, sems):
        _sc_body(len_hbm, eidx_hbm, packed_hbm, sc13_hbm, out_hbm,
                 acc, packed_v, sc13_v,
                 (len0, len1, len2), (idx0, idx1, idx2), sems)

    return pl.kernel(
        body,
        out_type=jax.ShapeDtypeStruct((NW * OUT_PAD,), jnp.float32),
        mesh=mesh,
        compiler_params=pltpu.CompilerParams(needs_layout_passes=False),
        scratch_types=[
            pltpu.VMEM((N_NODES,), jnp.float32),
            pltpu.VMEM((PACK_PAD,), jnp.int32),
            pltpu.VMEM((16,), jnp.float32),
            pltpu.VMEM((CHUNK,), jnp.float32),
            pltpu.VMEM((CHUNK,), jnp.float32),
            pltpu.VMEM((CHUNK,), jnp.float32),
            pltpu.VMEM((2, CHUNK), jnp.int32),
            pltpu.VMEM((2, CHUNK), jnp.int32),
            pltpu.VMEM((2, CHUNK), jnp.int32),
            pltpu.SemaphoreType.DMA((NBUF,)),
        ],
    )(edge_length, edge_index, packed, sc13)


def _tc_reduce_body(p_ref, pa_ref, o_ref):
    o_ref[...] = pa_ref[...] + jnp.sum(p_ref[...], axis=0)


@jax.jit
def _tc_reduce(partials, pa_pad):
    return pl.pallas_call(
        _tc_reduce_body,
        grid=(14,),
        in_specs=[
            pl.BlockSpec((NW, OUT_ROWS // 14, 128), lambda i: (0, i, 0)),
            pl.BlockSpec((OUT_ROWS // 14, 128), lambda i: (i, 0)),
        ],
        out_specs=pl.BlockSpec((OUT_ROWS // 14, 128), lambda i: (i, 0)),
        out_shape=jax.ShapeDtypeStruct((OUT_ROWS, 128), jnp.float32),
    )(partials, pa_pad)


def kernel(edge_length, edge_index, atom_type, per_atom_energy, per_edge_scales):
    species = atom_type[:, 0].astype(jnp.int32)
    packed = jnp.sum(
        species.reshape(PACK_WORDS, 16) << (2 * jnp.arange(16, dtype=jnp.int32)),
        axis=1, dtype=jnp.int32)
    packed = jnp.pad(packed, (0, PACK_PAD - PACK_WORDS))
    sc13 = (per_edge_scales.astype(jnp.float32) ** 13).reshape(16) / 24.0

    partials = _sc_edge_partials(
        edge_length, edge_index.astype(jnp.int32), packed, sc13)

    pa_pad = jnp.pad(per_atom_energy[:, 0], (0, OUT_PAD - N_NODES)).reshape(
        OUT_ROWS, 128)
    out = _tc_reduce(partials.reshape(NW, OUT_ROWS, 128), pa_pad)
    return out.reshape(OUT_PAD)[:N_NODES, None]

# --- scband reference (transcript-rebuilt; emitter-appended) ---
"""Pipeline reference for scband-nequip-wrap-71365176590610 (READ-ONLY COPY).

The authoritative reference and input builder live on the scoring server;
editing this copy changes nothing except your own understanding.
"""

import jax, jax.numpy as jnp
import numpy as np

N_NODES = 100000
N_EDGES = 6400000
NUM_TYPES = 4
R_MAX = 4.0
P = 6.0


def poly_cutoff(x, r_max, p):
    # nequip.nn.cutoffs.PolynomialCutoff with p=6
    x = x / r_max
    out = 1.0
    out = out - ((p + 1.0) * (p + 2.0) / 2.0) * jnp.power(x, p)
    out = out + p * (p + 2.0) * jnp.power(x, p + 1.0)
    out = out - (p * (p + 1.0) / 2.0) * jnp.power(x, p + 2.0)
    return out * (x < 1.0)


def setup_inputs(seed: int = 0) -> dict:
    key = jax.random.key(seed)
    k1, k2, k3, k4 = jax.random.split(key, 4)
    # edge lengths in [0.5, 4.0] (physical bond distances; avoids r^-12 overflow)
    edge_length = jax.random.uniform(k1, (N_EDGES,), dtype=jnp.float32, minval=0.5, maxval=4.0)
    edge_index = jax.random.randint(k2, (2, N_EDGES), 0, N_NODES)
    atom_type = jax.random.randint(k3, (N_NODES, 1), 0, NUM_TYPES)
    per_atom_energy = jax.random.normal(k4, (N_NODES, 1), dtype=jnp.float32)
    # non-trainable parameter: per-species-pair scales (default: all ones)
    per_edge_scales = jnp.ones((NUM_TYPES, NUM_TYPES), dtype=jnp.float32)
    return {
        "edge_length": edge_length,
        "edge_index": edge_index,
        "atom_type": atom_type,
        "per_atom_energy": per_atom_energy,
        "per_edge_scales": per_edge_scales,
    }


def reference(edge_length, edge_index, atom_type, per_atom_energy, per_edge_scales):
    edge_center = edge_index[0]
    edge_neighbor = edge_index[1]
    species = jnp.squeeze(atom_type, axis=-1)
    center_species = species[edge_center]
    neighbor_species = species[edge_neighbor]
    l0 = per_edge_scales[center_species, neighbor_species]
    edge_eng = jnp.power(edge_length / l0, -12.0) / 24.0 * l0 * poly_cutoff(edge_length, R_MAX, P)
    edge_eng = edge_eng[:, None]
    atom_eng = jax.ops.segment_sum(edge_eng, edge_center, num_segments=species.shape[0])
    return per_atom_energy + atom_eng

if __name__ == "__main__":
    import jax
    _d = setup_inputs()
    print(jax.jit(kernel)(*tuple(_d.values())))

</pallas_src>

<mosaic_0001>
#map = affine_map<(d0, d1) -> (0)>
#map1 = affine_map<(d0, d1) -> (0, 0)>
module attributes {stable_mosaic.version = 14 : i64} {
  func.func @body(%arg0: i32, %arg1: i32, %arg2: memref<6400000xf32, #tpu.memory_space<hbm>>, %arg3: memref<2x6400000xi32, #tpu.memory_space<hbm>>, %arg4: memref<6256xi32, #tpu.memory_space<hbm>>, %arg5: memref<16xf32, #tpu.memory_space<hbm>>, %arg6: memref<3211264xf32, #tpu.memory_space<hbm>>, %arg7: memref<100000xf32, #tpu.memory_space<vmem>>, %arg8: memref<6256xi32, #tpu.memory_space<vmem>>, %arg9: memref<16xf32, #tpu.memory_space<vmem>>, %arg10: memref<2048xf32, #tpu.memory_space<vmem>>, %arg11: memref<2048xf32, #tpu.memory_space<vmem>>, %arg12: memref<2048xf32, #tpu.memory_space<vmem>>, %arg13: memref<2x2048xi32, #tpu.memory_space<vmem>>, %arg14: memref<2x2048xi32, #tpu.memory_space<vmem>>, %arg15: memref<2x2048xi32, #tpu.memory_space<vmem>>, %arg16: memref<3x!tpu.dma_semaphore, #tpu.memory_space<semaphore_mem>>) attributes {dimension_semantics = [#tpu.dimension_semantics<core_parallel>, #tpu.dimension_semantics<subcore_parallel>], iteration_bounds = array<i64: 2, 16>, scalar_prefetch = 0 : i64, scratch_operands = 10 : i64, tpu.core_type = #tpu.core_type<sc_vector_subcore>, window_params = [{transform_indices = #map}, {transform_indices = #map1}, {transform_indices = #map}, {transform_indices = #map}, {transform_indices = #map}]} {
    %mul3A = arith.constant 2 : i32
    %mul3A_0 = arith.muli %arg1, %mul3A : i32
    %add3A = arith.addi %mul3A_0, %arg0 : i32
    "tpu.region"() ({
      %run_scoped3A = tpu.sem_alloc : memref<!tpu.dma_semaphore, #tpu.memory_space<semaphore_mem>>
      tpu.enqueue_dma source(%arg4 : memref<6256xi32, #tpu.memory_space<hbm>>) target(%arg8 : memref<6256xi32, #tpu.memory_space<vmem>>) target_semaphore(%run_scoped3A : memref<!tpu.dma_semaphore, #tpu.memory_space<semaphore_mem>>)
      tpu.wait_dma2 semaphore(%run_scoped3A : memref<!tpu.dma_semaphore, #tpu.memory_space<semaphore_mem>>) src(%arg4 : memref<6256xi32, #tpu.memory_space<hbm>>) dst(%arg8 : memref<6256xi32, #tpu.memory_space<vmem>>)
      tpu.yield
    }) : () -> ()
    "tpu.region"() ({
      %run_scoped3A = tpu.sem_alloc : memref<!tpu.dma_semaphore, #tpu.memory_space<semaphore_mem>>
      tpu.enqueue_dma source(%arg5 : memref<16xf32, #tpu.memory_space<hbm>>) target(%arg9 : memref<16xf32, #tpu.memory_space<vmem>>) target_semaphore(%run_scoped3A : memref<!tpu.dma_semaphore, #tpu.memory_space<semaphore_mem>>)
      tpu.wait_dma2 semaphore(%run_scoped3A : memref<!tpu.dma_semaphore, #tpu.memory_space<semaphore_mem>>) src(%arg5 : memref<16xf32, #tpu.memory_space<hbm>>) dst(%arg9 : memref<16xf32, #tpu.memory_space<vmem>>)
      tpu.yield
    }) : () -> ()
    %broadcast_in_dim3A = arith.constant 0.000000e+00 : f32
    %broadcast_in_dim3A_1 = vector.broadcast %broadcast_in_dim3A : f32 to vector<16xf32>
    %scan3A = arith.constant 0 : i32
    %scan3A_2 = arith.constant 0 : i32
    %scan3A_3 = arith.constant 625 : i32
    %scan3A_4 = arith.addi %scan3A_2, %scan3A_3 : i32
    %scan3A_5 = arith.constant 1 : i32
    %scan3A_6 = scf.for %scan3A_35 = %scan3A_2 to %scan3A_4 step %scan3A_5 iter_args(%scan3A_36 = %scan3A) -> (i32)  : i32 {
      %mul3A_37 = arith.constant 160 : i32
      %mul3A_38 = arith.muli %scan3A_35, %mul3A_37 : i32
      %add3A_39 = arith.constant 0 : i32
      %add3A_40 = arith.addi %mul3A_38, %add3A_39 : i32
      %swap3A = arith.index_cast %add3A_40 : i32 to index
      %swap3A_41 = tpu.vector_load %arg7[%swap3A] {strides = array<i32>} : memref<100000xf32, #tpu.memory_space<vmem>>, vector<16xf32>,
      tpu.vector_store %arg7[%swap3A], %broadcast_in_dim3A_1 {strides = array<i32>} : memref<100000xf32, #tpu.memory_space<vmem>>, vector<16xf32>,
      %mul3A_42 = arith.constant 160 : i32
      %mul3A_43 = arith.muli %scan3A_35, %mul3A_42 : i32
      %add3A_44 = arith.constant 16 : i32
      %add3A_45 = arith.addi %mul3A_43, %add3A_44 : i32
      %swap3A_46 = arith.index_cast %add3A_45 : i32 to index
      %swap3A_47 = tpu.vector_load %arg7[%swap3A_46] {strides = array<i32>} : memref<100000xf32, #tpu.memory_space<vmem>>, vector<16xf32>,
      tpu.vector_store %arg7[%swap3A_46], %broadcast_in_dim3A_1 {strides = array<i32>} : memref<100000xf32, #tpu.memory_space<vmem>>, vector<16xf32>,
      %mul3A_48 = arith.constant 160 : i32
      %mul3A_49 = arith.muli %scan3A_35, %mul3A_48 : i32
      %add3A_50 = arith.constant 32 : i32
      %add3A_51 = arith.addi %mul3A_49, %add3A_50 : i32
      %swap3A_52 = arith.index_cast %add3A_51 : i32 to index
      %swap3A_53 = tpu.vector_load %arg7[%swap3A_52] {strides = array<i32>} : memref<100000xf32, #tpu.memory_space<vmem>>, vector<16xf32>,
      tpu.vector_store %arg7[%swap3A_52], %broadcast_in_dim3A_1 {strides = array<i32>} : memref<100000xf32, #tpu.memory_space<vmem>>, vector<16xf32>,
      %mul3A_54 = arith.constant 160 : i32
      %mul3A_55 = arith.muli %scan3A_35, %mul3A_54 : i32
      %add3A_56 = arith.constant 48 : i32
      %add3A_57 = arith.addi %mul3A_55, %add3A_56 : i32
      %swap3A_58 = arith.index_cast %add3A_57 : i32 to index
      %swap3A_59 = tpu.vector_load %arg7[%swap3A_58] {strides = array<i32>} : memref<100000xf32, #tpu.memory_space<vmem>>, vector<16xf32>,
      tpu.vector_store %arg7[%swap3A_58], %broadcast_in_dim3A_1 {strides = array<i32>} : memref<100000xf32, #tpu.memory_space<vmem>>, vector<16xf32>,
      %mul3A_60 = arith.constant 160 : i32
      %mul3A_61 = arith.muli %scan3A_35, %mul3A_60 : i32
      %add3A_62 = arith.constant 64 : i32
      %add3A_63 = arith.addi %mul3A_61, %add3A_62 : i32
      %swap3A_64 = arith.index_cast %add3A_63 : i32 to index
      %swap3A_65 = tpu.vector_load %arg7[%swap3A_64] {strides = array<i32>} : memref<100000xf32, #tpu.memory_space<vmem>>, vector<16xf32>,
      tpu.vector_store %arg7[%swap3A_64], %broadcast_in_dim3A_1 {strides = array<i32>} : memref<100000xf32, #tpu.memory_space<vmem>>, vector<16xf32>,
      %mul3A_66 = arith.constant 160 : i32
      %mul3A_67 = arith.muli %scan3A_35, %mul3A_66 : i32
      %add3A_68 = arith.constant 80 : i32
      %add3A_69 = arith.addi %mul3A_67, %add3A_68 : i32
      %swap3A_70 = arith.index_cast %add3A_69 : i32 to index
      %swap3A_71 = tpu.vector_load %arg7[%swap3A_70] {strides = array<i32>} : memref<100000xf32, #tpu.memory_space<vmem>>, vector<16xf32>,
      tpu.vector_store %arg7[%swap3A_70], %broadcast_in_dim3A_1 {strides = array<i32>} : memref<100000xf32, #tpu.memory_space<vmem>>, vector<16xf32>,
      %mul3A_72 = arith.constant 160 : i32
      %mul3A_73 = arith.muli %scan3A_35, %mul3A_72 : i32
      %add3A_74 = arith.constant 96 : i32
      %add3A_75 = arith.addi %mul3A_73, %add3A_74 : i32
      %swap3A_76 = arith.index_cast %add3A_75 : i32 to index
      %swap3A_77 = tpu.vector_load %arg7[%swap3A_76] {strides = array<i32>} : memref<100000xf32, #tpu.memory_space<vmem>>, vector<16xf32>,
      tpu.vector_store %arg7[%swap3A_76], %broadcast_in_dim3A_1 {strides = array<i32>} : memref<100000xf32, #tpu.memory_space<vmem>>, vector<16xf32>,
      %mul3A_78 = arith.constant 160 : i32
      %mul3A_79 = arith.muli %scan3A_35, %mul3A_78 : i32
      %add3A_80 = arith.constant 112 : i32
      %add3A_81 = arith.addi %mul3A_79, %add3A_80 : i32
      %swap3A_82 = arith.index_cast %add3A_81 : i32 to index
      %swap3A_83 = tpu.vector_load %arg7[%swap3A_82] {strides = array<i32>} : memref<100000xf32, #tpu.memory_space<vmem>>, vector<16xf32>,
      tpu.vector_store %arg7[%swap3A_82], %broadcast_in_dim3A_1 {strides = array<i32>} : memref<100000xf32, #tpu.memory_space<vmem>>, vector<16xf32>,
      %mul3A_84 = arith.constant 160 : i32
      %mul3A_85 = arith.muli %scan3A_35, %mul3A_84 : i32
      %add3A_86 = arith.constant 128 : i32
      %add3A_87 = arith.addi %mul3A_85, %add3A_86 : i32
      %swap3A_88 = arith.index_cast %add3A_87 : i32 to index
      %swap3A_89 = tpu.vector_load %arg7[%swap3A_88] {strides = array<i32>} : memref<100000xf32, #tpu.memory_space<vmem>>, vector<16xf32>,
      tpu.vector_store %arg7[%swap3A_88], %broadcast_in_dim3A_1 {strides = array<i32>} : memref<100000xf32, #tpu.memory_space<vmem>>, vector<16xf32>,
      %mul3A_90 = arith.constant 160 : i32
      %mul3A_91 = arith.muli %scan3A_35, %mul3A_90 : i32
      %add3A_92 = arith.constant 144 : i32
      %add3A_93 = arith.addi %mul3A_91, %add3A_92 : i32
      %swap3A_94 = arith.index_cast %add3A_93 : i32 to index
      %swap3A_95 = tpu.vector_load %arg7[%swap3A_94] {strides = array<i32>} : memref<100000xf32, #tpu.memory_space<vmem>>, vector<16xf32>,
      tpu.vector_store %arg7[%swap3A_94], %broadcast_in_dim3A_1 {strides = array<i32>} : memref<100000xf32, #tpu.memory_space<vmem>>, vector<16xf32>,
      %scan3A_96 = arith.constant 0 : i32
      scf.yield %scan3A_96 : i32
    }
    %scan3A_7 = arith.constant 625 : i32
    %lt3A = arith.constant 21 : i32
    %lt3A_8 = arith.cmpi slt, %add3A, %lt3A : i32
    %jit3A = arith.constant 98 : i32
    %jit3A_9 = arith.constant 97 : i32
    %select_n3A = arith.select %lt3A_8, %jit3A, %jit3A_9 : i32
    %mul3A_10 = arith.constant 97 : i32
    %mul3A_11 = arith.muli %add3A, %mul3A_10 : i32
    %min3A = arith.constant 21 : i32
    %min3A_12 = arith.minsi %add3A, %min3A : i32
    %add3A_13 = arith.addi %mul3A_11, %min3A_12 : i32
    %gt3A = arith.constant 0 : i32
    %gt3A_14 = arith.cmpi sgt, %select_n3A, %gt3A : i32
    %convert_element_type3A = arith.extui %gt3A_14 : i1 to i32
    %cond3A = arith.constant 0 : i32
    %cond3A_15 = arith.cmpi ne, %convert_element_type3A, %cond3A : i32
    scf.if %cond3A_15 {
      %add3A_35 = arith.constant 0 : i32
      %add3A_36 = arith.addi %add3A_13, %add3A_35 : i32
      %mul3A_37 = arith.constant 2048 : i32
      %mul3A_38 = arith.muli %add3A_36, %mul3A_37 : i32
      %dma_start3A = arith.constant 0 : i32
      %dma_start3A_39 = tpu.memref_slice %arg2[%mul3A_38] : memref<6400000xf32, #tpu.memory_space<hbm>> -> memref<2048xf32, #tpu.memory_space<hbm>>
      %dma_start3A_40 = tpu.memref_slice %arg16[%dma_start3A] : memref<3x!tpu.dma_semaphore, #tpu.memory_space<semaphore_mem>> -> memref<1x!tpu.dma_semaphore, #tpu.memory_space<semaphore_mem>>
      %dma_start3A_41 = tpu.memref_squeeze %dma_start3A_40 : memref<1x!tpu.dma_semaphore, #tpu.memory_space<semaphore_mem>> -> memref<!tpu.dma_semaphore, #tpu.memory_space<semaphore_mem>>
      %dma_start3A_42 = tpu.memref_slice %arg2[%mul3A_38] : memref<6400000xf32, #tpu.memory_space<hbm>> -> memref<2048xf32, #tpu.memory_space<hbm>>
      tpu.enqueue_dma source(%dma_start3A_42 : memref<2048xf32, #tpu.memory_space<hbm>>) target(%arg10 : memref<2048xf32, #tpu.memory_space<vmem>>) target_semaphore(%dma_start3A_41 : memref<!tpu.dma_semaphore, #tpu.memory_space<semaphore_mem>>)
      %dma_start3A_43 = arith.constant 0 : i32
      %dma_start3A_44 = arith.constant 0 : i32
      %dma_start3A_45 = tpu.memref_slice %arg3[%dma_start3A_44, %mul3A_38] : memref<2x6400000xi32, #tpu.memory_space<hbm>> -> memref<2x2048xi32, #tpu.memory_space<hbm>>
      %dma_start3A_46 = tpu.memref_slice %arg16[%dma_start3A_43] : memref<3x!tpu.dma_semaphore, #tpu.memory_space<semaphore_mem>> -> memref<1x!tpu.dma_semaphore, #tpu.memory_space<semaphore_mem>>
      %dma_start3A_47 = tpu.memref_squeeze %dma_start3A_46 : memref<1x!tpu.dma_semaphore, #tpu.memory_space<semaphore_mem>> -> memref<!tpu.dma_semaphore, #tpu.memory_space<semaphore_mem>>
      %dma_start3A_48 = arith.constant 0 : i32
      %dma_start3A_49 = tpu.memref_slice %arg3[%dma_start3A_48, %mul3A_38] : memref<2x6400000xi32, #tpu.memory_space<hbm>> -> memref<2x2048xi32, #tpu.memory_space<hbm>>
      tpu.enqueue_dma source(%dma_start3A_49 : memref<2x2048xi32, #tpu.memory_space<hbm>>) target(%arg13 : memref<2x2048xi32, #tpu.memory_space<vmem>>) target_semaphore(%dma_start3A_47 : memref<!tpu.dma_semaphore, #tpu.memory_space<semaphore_mem>>)
    } else {
    }
    %gt3A_16 = arith.constant 1 : i32
    %gt3A_17 = arith.cmpi sgt, %select_n3A, %gt3A_16 : i32
    %convert_element_type3A_18 = arith.extui %gt3A_17 : i1 to i32
    %cond3A_19 = arith.constant 0 : i32
    %cond3A_20 = arith.cmpi ne, %convert_element_type3A_18, %cond3A_19 : i32
    scf.if %cond3A_20 {
      %add3A_35 = arith.constant 1 : i32
      %add3A_36 = arith.addi %add3A_13, %add3A_35 : i32
      %mul3A_37 = arith.constant 2048 : i32
      %mul3A_38 = arith.muli %add3A_36, %mul3A_37 : i32
      %dma_start3A = arith.constant 1 : i32
      %dma_start3A_39 = tpu.memref_slice %arg2[%mul3A_38] : memref<6400000xf32, #tpu.memory_space<hbm>> -> memref<2048xf32, #tpu.memory_space<hbm>>
      %dma_start3A_40 = tpu.memref_slice %arg16[%dma_start3A] : memref<3x!tpu.dma_semaphore, #tpu.memory_space<semaphore_mem>> -> memref<1x!tpu.dma_semaphore, #tpu.memory_space<semaphore_mem>>
      %dma_start3A_41 = tpu.memref_squeeze %dma_start3A_40 : memref<1x!tpu.dma_semaphore, #tpu.memory_space<semaphore_mem>> -> memref<!tpu.dma_semaphore, #tpu.memory_space<semaphore_mem>>
      %dma_start3A_42 = tpu.memref_slice %arg2[%mul3A_38] : memref<6400000xf32, #tpu.memory_space<hbm>> -> memref<2048xf32, #tpu.memory_space<hbm>>
      tpu.enqueue_dma source(%dma_start3A_42 : memref<2048xf32, #tpu.memory_space<hbm>>) target(%arg11 : memref<2048xf32, #tpu.memory_space<vmem>>) target_semaphore(%dma_start3A_41 : memref<!tpu.dma_semaphore, #tpu.memory_space<semaphore_mem>>)
      %dma_start3A_43 = arith.constant 1 : i32
      %dma_start3A_44 = arith.constant 0 : i32
      %dma_start3A_45 = tpu.memref_slice %arg3[%dma_start3A_44, %mul3A_38] : memref<2x6400000xi32, #tpu.memory_space<hbm>> -> memref<2x2048xi32, #tpu.memory_space<hbm>>
      %dma_start3A_46 = tpu.memref_slice %arg16[%dma_start3A_43] : memref<3x!tpu.dma_semaphore, #tpu.memory_space<semaphore_mem>> -> memref<1x!tpu.dma_semaphore, #tpu.memory_space<semaphore_mem>>
      %dma_start3A_47 = tpu.memref_squeeze %dma_start3A_46 : memref<1x!tpu.dma_semaphore, #tpu.memory_space<semaphore_mem>> -> memref<!tpu.dma_semaphore, #tpu.memory_space<semaphore_mem>>
      %dma_start3A_48 = arith.constant 0 : i32
      %dma_start3A_49 = tpu.memref_slice %arg3[%dma_start3A_48, %mul3A_38] : memref<2x6400000xi32, #tpu.memory_space<hbm>> -> memref<2x2048xi32, #tpu.memory_space<hbm>>
      tpu.enqueue_dma source(%dma_start3A_49 : memref<2x2048xi32, #tpu.memory_space<hbm>>) target(%arg14 : memref<2x2048xi32, #tpu.memory_space<vmem>>) target_semaphore(%dma_start3A_47 : memref<!tpu.dma_semaphore, #tpu.memory_space<semaphore_mem>>)
    } else {
    }
    %gt3A_21 = arith.constant 2 : i32
    %gt3A_22 = arith.cmpi sgt, %select_n3A, %gt3A_21 : i32
    %convert_element_type3A_23 = arith.extui %gt3A_22 : i1 to i32
    %cond3A_24 = arith.constant 0 : i32
    %cond3A_25 = arith.cmpi ne, %convert_element_type3A_23, %cond3A_24 : i32
    scf.if %cond3A_25 {
      %add3A_35 = arith.constant 2 : i32
      %add3A_36 = arith.addi %add3A_13, %add3A_35 : i32
      %mul3A_37 = arith.constant 2048 : i32
      %mul3A_38 = arith.muli %add3A_36, %mul3A_37 : i32
      %dma_start3A = arith.constant 2 : i32
      %dma_start3A_39 = tpu.memref_slice %arg2[%mul3A_38] : memref<6400000xf32, #tpu.memory_space<hbm>> -> memref<2048xf32, #tpu.memory_space<hbm>>
      %dma_start3A_40 = tpu.memref_slice %arg16[%dma_start3A] : memref<3x!tpu.dma_semaphore, #tpu.memory_space<semaphore_mem>> -> memref<1x!tpu.dma_semaphore, #tpu.memory_space<semaphore_mem>>
      %dma_start3A_41 = tpu.memref_squeeze %dma_start3A_40 : memref<1x!tpu.dma_semaphore, #tpu.memory_space<semaphore_mem>> -> memref<!tpu.dma_semaphore, #tpu.memory_space<semaphore_mem>>
      %dma_start3A_42 = tpu.memref_slice %arg2[%mul3A_38] : memref<6400000xf32, #tpu.memory_space<hbm>> -> memref<2048xf32, #tpu.memory_space<hbm>>
      tpu.enqueue_dma source(%dma_start3A_42 : memref<2048xf32, #tpu.memory_space<hbm>>) target(%arg12 : memref<2048xf32, #tpu.memory_space<vmem>>) target_semaphore(%dma_start3A_41 : memref<!tpu.dma_semaphore, #tpu.memory_space<semaphore_mem>>)
      %dma_start3A_43 = arith.constant 2 : i32
      %dma_start3A_44 = arith.constant 0 : i32
      %dma_start3A_45 = tpu.memref_slice %arg3[%dma_start3A_44, %mul3A_38] : memref<2x6400000xi32, #tpu.memory_space<hbm>> -> memref<2x2048xi32, #tpu.memory_space<hbm>>
      %dma_start3A_46 = tpu.memref_slice %arg16[%dma_start3A_43] : memref<3x!tpu.dma_semaphore, #tpu.memory_space<semaphore_mem>> -> memref<1x!tpu.dma_semaphore, #tpu.memory_space<semaphore_mem>>
      %dma_start3A_47 = tpu.memref_squeeze %dma_start3A_46 : memref<1x!tpu.dma_semaphore, #tpu.memory_space<semaphore_mem>> -> memref<!tpu.dma_semaphore, #tpu.memory_space<semaphore_mem>>
      %dma_start3A_48 = arith.constant 0 : i32
      %dma_start3A_49 = tpu.memref_slice %arg3[%dma_start3A_48, %mul3A_38] : memref<2x6400000xi32, #tpu.memory_space<hbm>> -> memref<2x2048xi32, #tpu.memory_space<hbm>>
      tpu.enqueue_dma source(%dma_start3A_49 : memref<2x2048xi32, #tpu.memory_space<hbm>>) target(%arg15 : memref<2x2048xi32, #tpu.memory_space<vmem>>) target_semaphore(%dma_start3A_47 : memref<!tpu.dma_semaphore, #tpu.memory_space<semaphore_mem>>)
    } else {
    }
    %scan3A_26 = arith.constant 0 : i32
    %scan3A_27 = arith.constant 0 : i32
    %scan3A_28 = arith.constant 33 : i32
    %scan3A_29 = arith.addi %scan3A_27, %scan3A_28 : i32
    %scan3A_30 = arith.constant 1 : i32
    %scan3A_31 = scf.for %scan3A_35 = %scan3A_27 to %scan3A_29 step %scan3A_30 iter_args(%scan3A_36 = %scan3A_26) -> (i32)  : i32 {
      %mul3A_37 = arith.constant 3 : i32
      %mul3A_38 = arith.muli %scan3A_35, %mul3A_37 : i32
      %add3A_39 = arith.constant 0 : i32
      %add3A_40 = arith.addi %mul3A_38, %add3A_39 : i32
      %lt3A_41 = arith.cmpi slt, %add3A_40, %select_n3A : i32
      %convert_element_type3A_42 = arith.extui %lt3A_41 : i1 to i32
      %cond3A_43 = arith.constant 0 : i32
      %cond3A_44 = arith.cmpi ne, %convert_element_type3A_42, %cond3A_43 : i32
      scf.if %cond3A_44 {
        %add3A_80 = arith.addi %add3A_13, %add3A_40 : i32
        %mul3A_81 = arith.constant 2048 : i32
        %mul3A_82 = arith.muli %add3A_80, %mul3A_81 : i32
        %dma_wait3A = arith.constant 0 : i32
        %dma_wait3A_83 = tpu.memref_slice %arg2[%mul3A_82] : memref<6400000xf32, #tpu.memory_space<hbm>> -> memref<2048xf32, #tpu.memory_space<hbm>>
        %dma_wait3A_84 = tpu.memref_slice %arg16[%dma_wait3A] : memref<3x!tpu.dma_semaphore, #tpu.memory_space<semaphore_mem>> -> memref<1x!tpu.dma_semaphore, #tpu.memory_space<semaphore_mem>>
        %dma_wait3A_85 = tpu.memref_squeeze %dma_wait3A_84 : memref<1x!tpu.dma_semaphore, #tpu.memory_space<semaphore_mem>> -> memref<!tpu.dma_semaphore, #tpu.memory_space<semaphore_mem>>
        %dma_wait3A_86 = tpu.memref_slice %arg2[%mul3A_82] : memref<6400000xf32, #tpu.memory_space<hbm>> -> memref<2048xf32, #tpu.memory_space<hbm>>
        tpu.wait_dma2 semaphore(%dma_wait3A_85 : memref<!tpu.dma_semaphore, #tpu.memory_space<semaphore_mem>>) src(%dma_wait3A_86 : memref<2048xf32, #tpu.memory_space<hbm>>) dst(%arg10 : memref<2048xf32, #tpu.memory_space<vmem>>)
        %dma_wait3A_87 = arith.constant 0 : i32
        %dma_wait3A_88 = arith.constant 0 : i32
        %dma_wait3A_89 = tpu.memref_slice %arg3[%dma_wait3A_88, %mul3A_82] : memref<2x6400000xi32, #tpu.memory_space<hbm>> -> memref<2x2048xi32, #tpu.memory_space<hbm>>
        %dma_wait3A_90 = tpu.memref_slice %arg16[%dma_wait3A_87] : memref<3x!tpu.dma_semaphore, #tpu.memory_space<semaphore_mem>> -> memref<1x!tpu.dma_semaphore, #tpu.memory_space<semaphore_mem>>
        %dma_wait3A_91 = tpu.memref_squeeze %dma_wait3A_90 : memref<1x!tpu.dma_semaphore, #tpu.memory_space<semaphore_mem>> -> memref<!tpu.dma_semaphore, #tpu.memory_space<semaphore_mem>>
        %dma_wait3A_92 = arith.constant 0 : i32
        %dma_wait3A_93 = tpu.memref_slice %arg3[%dma_wait3A_92, %mul3A_82] : memref<2x6400000xi32, #tpu.memory_space<hbm>> -> memref<2x2048xi32, #tpu.memory_space<hbm>>
        tpu.wait_dma2 semaphore(%dma_wait3A_91 : memref<!tpu.dma_semaphore, #tpu.memory_space<semaphore_mem>>) src(%dma_wait3A_93 : memref<2x2048xi32, #tpu.memory_space<hbm>>) dst(%arg13 : memref<2x2048xi32, #tpu.memory_space<vmem>>)
        %parallel_loop3A = arith.constant 0 : i32
        %parallel_loop3A_94 = arith.constant 128 : i32
        %parallel_loop3A_95 = arith.constant 1 : i32
        scf.for %parallel_loop3A_96 = %parallel_loop3A to %parallel_loop3A_94 step %parallel_loop3A_95  : i32 {
          %parallel_loop3A_97 = arith.constant 16 : i32
          %parallel_loop3A_98 = arith.muli %parallel_loop3A_96, %parallel_loop3A_97 : i32
          %parallel_loop3A_99 = arith.index_cast %parallel_loop3A_98 : i32 to index
          %parallel_loop3A_100 = tpu.vector_load %arg10[%parallel_loop3A_99] {strides = array<i32>} : memref<2048xf32, #tpu.memory_space<vmem>>, vector<16xf32>,
          %parallel_loop3A_101 = arith.constant 0 : i32
          %parallel_loop3A_102 = arith.index_cast %parallel_loop3A_101 : i32 to index
          %parallel_loop3A_103 = arith.index_cast %parallel_loop3A_98 : i32 to index
          %parallel_loop3A_104 = tpu.vector_load %arg13[%parallel_loop3A_102, %parallel_loop3A_103] {strides = array<i32>} : memref<2x2048xi32, #tpu.memory_space<vmem>>, vector<16xi32>,
          %parallel_loop3A_105 = arith.constant 1 : i32
          %parallel_loop3A_106 = arith.index_cast %parallel_loop3A_105 : i32 to index
          %parallel_loop3A_107 = arith.index_cast %parallel_loop3A_98 : i32 to index
          %parallel_loop3A_108 = tpu.vector_load %arg13[%parallel_loop3A_106, %parallel_loop3A_107] {strides = array<i32>} : memref<2x2048xi32, #tpu.memory_space<vmem>>, vector<16xi32>,
          %parallel_loop3A_109 = arith.constant 4 : i32
          %parallel_loop3A_110 = vector.broadcast %parallel_loop3A_109 : i32 to vector<16xi32>
          %parallel_loop3A_111 = arith.shrsi %parallel_loop3A_104, %parallel_loop3A_110 : vector<16xi32>
          %parallel_loop3A_112 = tpu.vector_load_idx %arg8[%parallel_loop3A_111] : memref<6256xi32, #tpu.memory_space<vmem>>[vector<16xi32>], vector<16xi32>,
          %parallel_loop3A_113 = arith.constant 4 : i32
          %parallel_loop3A_114 = vector.broadcast %parallel_loop3A_113 : i32 to vector<16xi32>
          %parallel_loop3A_115 = arith.shrsi %parallel_loop3A_108, %parallel_loop3A_114 : vector<16xi32>
          %parallel_loop3A_116 = tpu.vector_load_idx %arg8[%parallel_loop3A_115] : memref<6256xi32, #tpu.memory_space<vmem>>[vector<16xi32>], vector<16xi32>,
          %parallel_loop3A_117 = arith.constant 15 : i32
          %parallel_loop3A_118 = vector.broadcast %parallel_loop3A_117 : i32 to vector<16xi32>
          %parallel_loop3A_119 = arith.andi %parallel_loop3A_104, %parallel_loop3A_118 : vector<16xi32>
          %parallel_loop3A_120 = arith.constant 2 : i32
          %parallel_loop3A_121 = vector.broadcast %parallel_loop3A_120 : i32 to vector<16xi32>
          %parallel_loop3A_122 = arith.muli %parallel_loop3A_119, %parallel_loop3A_121 : vector<16xi32>
          %parallel_loop3A_123 = arith.shrsi %parallel_loop3A_112, %parallel_loop3A_122 : vector<16xi32>
          %parallel_loop3A_124 = arith.constant 3 : i32
          %parallel_loop3A_125 = vector.broadcast %parallel_loop3A_124 : i32 to vector<16xi32>
          %parallel_loop3A_126 = arith.andi %parallel_loop3A_123, %parallel_loop3A_125 : vector<16xi32>
          %parallel_loop3A_127 = arith.constant 15 : i32
          %parallel_loop3A_128 = vector.broadcast %parallel_loop3A_127 : i32 to vector<16xi32>
          %parallel_loop3A_129 = arith.andi %parallel_loop3A_108, %parallel_loop3A_128 : vector<16xi32>
          %parallel_loop3A_130 = arith.constant 2 : i32
          %parallel_loop3A_131 = vector.broadcast %parallel_loop3A_130 : i32 to vector<16xi32>
          %parallel_loop3A_132 = arith.muli %parallel_loop3A_129, %parallel_loop3A_131 : vector<16xi32>
          %parallel_loop3A_133 = arith.shrsi %parallel_loop3A_116, %parallel_loop3A_132 : vector<16xi32>
          %parallel_loop3A_134 = arith.constant 3 : i32
          %parallel_loop3A_135 = vector.broadcast %parallel_loop3A_134 : i32 to vector<16xi32>
          %parallel_loop3A_136 = arith.andi %parallel_loop3A_133, %parallel_loop3A_135 : vector<16xi32>
          %parallel_loop3A_137 = arith.constant 4 : i32
          %parallel_loop3A_138 = vector.broadcast %parallel_loop3A_137 : i32 to vector<16xi32>
          %parallel_loop3A_139 = arith.muli %parallel_loop3A_126, %parallel_loop3A_138 : vector<16xi32>
          %parallel_loop3A_140 = arith.addi %parallel_loop3A_139, %parallel_loop3A_136 : vector<16xi32>
          %parallel_loop3A_141 = tpu.vector_load_idx %arg9[%parallel_loop3A_140] : memref<16xf32, #tpu.memory_space<vmem>>[vector<16xi32>], vector<16xf32>,
          %parallel_loop3A_142 = tpu.bitcast %parallel_loop3A_100 : vector<16xf32> -> vector<16xi32>
          %parallel_loop3A_143 = arith.constant 2129859011 : i32
          %parallel_loop3A_144 = vector.broadcast %parallel_loop3A_143 : i32 to vector<16xi32>
          %parallel_loop3A_145 = arith.subi %parallel_loop3A_144, %parallel_loop3A_142 : vector<16xi32>
          %parallel_loop3A_146 = tpu.bitcast %parallel_loop3A_145 : vector<16xi32> -> vector<16xf32>
          %parallel_loop3A_147 = arith.mulf %parallel_loop3A_100, %parallel_loop3A_146 : vector<16xf32>
          %parallel_loop3A_148 = arith.constant 2.000000e+00 : f32
          %parallel_loop3A_149 = vector.broadcast %parallel_loop3A_148 : f32 to vector<16xf32>
          %parallel_loop3A_150 = arith.subf %parallel_loop3A_149, %parallel_loop3A_147 : vector<16xf32>
          %parallel_loop3A_151 = arith.mulf %parallel_loop3A_146, %parallel_loop3A_150 : vector<16xf32>
          %parallel_loop3A_152 = arith.mulf %parallel_loop3A_100, %parallel_loop3A_151 : vector<16xf32>
          %parallel_loop3A_153 = arith.constant 2.000000e+00 : f32
          %parallel_loop3A_154 = vector.broadcast %parallel_loop3A_153 : f32 to vector<16xf32>
          %parallel_loop3A_155 = arith.subf %parallel_loop3A_154, %parallel_loop3A_152 : vector<16xf32>
          %parallel_loop3A_156 = arith.mulf %parallel_loop3A_151, %parallel_loop3A_155 : vector<16xf32>
          %parallel_loop3A_157 = arith.mulf %parallel_loop3A_156, %parallel_loop3A_156 : vector<16xf32>
          %parallel_loop3A_158 = arith.mulf %parallel_loop3A_157, %parallel_loop3A_157 : vector<16xf32>
          %parallel_loop3A_159 = arith.mulf %parallel_loop3A_158, %parallel_loop3A_158 : vector<16xf32>
          %parallel_loop3A_160 = arith.constant 0.0068359375 : f32
          %parallel_loop3A_161 = vector.broadcast %parallel_loop3A_160 : f32 to vector<16xf32>
          %parallel_loop3A_162 = arith.mulf %parallel_loop3A_161, %parallel_loop3A_157 : vector<16xf32>
          %parallel_loop3A_163 = arith.subf %parallel_loop3A_159, %parallel_loop3A_162 : vector<16xf32>
          %parallel_loop3A_164 = arith.constant 0.0029296875 : f32
          %parallel_loop3A_165 = vector.broadcast %parallel_loop3A_164 : f32 to vector<16xf32>
          %parallel_loop3A_166 = arith.mulf %parallel_loop3A_165, %parallel_loop3A_156 : vector<16xf32>
          %parallel_loop3A_167 = arith.constant 3.2043457E-4 : f32
          %parallel_loop3A_168 = vector.broadcast %parallel_loop3A_167 : f32 to vector<16xf32>
          %parallel_loop3A_169 = arith.subf %parallel_loop3A_166, %parallel_loop3A_168 : vector<16xf32>
          %parallel_loop3A_170 = arith.addf %parallel_loop3A_163, %parallel_loop3A_169 : vector<16xf32>
          %parallel_loop3A_171 = arith.constant 4.000000e+00 : f32
          %parallel_loop3A_172 = vector.broadcast %parallel_loop3A_171 : f32 to vector<16xf32>
          %parallel_loop3A_173 = arith.cmpf olt, %parallel_loop3A_100, %parallel_loop3A_172 : vector<16xf32>
          %parallel_loop3A_174 = arith.mulf %parallel_loop3A_158, %parallel_loop3A_170 : vector<16xf32>
          %parallel_loop3A_175 = arith.mulf %parallel_loop3A_174, %parallel_loop3A_141 : vector<16xf32>
          %parallel_loop3A_176 = arith.constant 0.000000e+00 : f32
          %parallel_loop3A_177 = vector.broadcast %parallel_loop3A_176 : f32 to vector<16xf32>
          %parallel_loop3A_178 = arith.select %parallel_loop3A_173, %parallel_loop3A_175, %parallel_loop3A_177 : vector<16xi1>, vector<16xf32>
          tpu.vector_store_idx %arg7[%parallel_loop3A_104], %parallel_loop3A_178 {add = true} : memref<100000xf32, #tpu.memory_space<vmem>>[vector<16xi32>], vector<16xf32>,
        } {sc.loop_unroll_factor = 8 : i64, sc.parallel_access}
      } else {
      }
      %add3A_45 = arith.constant 3 : i32
      %add3A_46 = arith.addi %add3A_40, %add3A_45 : i32
      %lt3A_47 = arith.cmpi slt, %add3A_46, %select_n3A : i32
      %convert_element_type3A_48 = arith.extui %lt3A_47 : i1 to i32
      %cond3A_49 = arith.constant 0 : i32
      %cond3A_50 = arith.cmpi ne, %convert_element_type3A_48, %cond3A_49 : i32
      scf.if %cond3A_50 {
        %add3A_80 = arith.constant 3 : i32
        %add3A_81 = arith.addi %add3A_40, %add3A_80 : i32
        %add3A_82 = arith.addi %add3A_13, %add3A_81 : i32
        %mul3A_83 = arith.constant 2048 : i32
        %mul3A_84 = arith.muli %add3A_82, %mul3A_83 : i32
        %dma_start3A = arith.constant 0 : i32
        %dma_start3A_85 = tpu.memref_slice %arg2[%mul3A_84] : memref<6400000xf32, #tpu.memory_space<hbm>> -> memref<2048xf32, #tpu.memory_space<hbm>>
        %dma_start3A_86 = tpu.memref_slice %arg16[%dma_start3A] : memref<3x!tpu.dma_semaphore, #tpu.memory_space<semaphore_mem>> -> memref<1x!tpu.dma_semaphore, #tpu.memory_space<semaphore_mem>>
        %dma_start3A_87 = tpu.memref_squeeze %dma_start3A_86 : memref<1x!tpu.dma_semaphore, #tpu.memory_space<semaphore_mem>> -> memref<!tpu.dma_semaphore, #tpu.memory_space<semaphore_mem>>
        %dma_start3A_88 = tpu.memref_slice %arg2[%mul3A_84] : memref<6400000xf32, #tpu.memory_space<hbm>> -> memref<2048xf32, #tpu.memory_space<hbm>>
        tpu.enqueue_dma source(%dma_start3A_88 : memref<2048xf32, #tpu.memory_space<hbm>>) target(%arg10 : memref<2048xf32, #tpu.memory_space<vmem>>) target_semaphore(%dma_start3A_87 : memref<!tpu.dma_semaphore, #tpu.memory_space<semaphore_mem>>)
        %dma_start3A_89 = arith.constant 0 : i32
        %dma_start3A_90 = arith.constant 0 : i32
        %dma_start3A_91 = tpu.memref_slice %arg3[%dma_start3A_90, %mul3A_84] : memref<2x6400000xi32, #tpu.memory_space<hbm>> -> memref<2x2048xi32, #tpu.memory_space<hbm>>
        %dma_start3A_92 = tpu.memref_slice %arg16[%dma_start3A_89] : memref<3x!tpu.dma_semaphore, #tpu.memory_space<semaphore_mem>> -> memref<1x!tpu.dma_semaphore, #tpu.memory_space<semaphore_mem>>
        %dma_start3A_93 = tpu.memref_squeeze %dma_start3A_92 : memref<1x!tpu.dma_semaphore, #tpu.memory_space<semaphore_mem>> -> memref<!tpu.dma_semaphore, #tpu.memory_space<semaphore_mem>>
        %dma_start3A_94 = arith.constant 0 : i32
        %dma_start3A_95 = tpu.memref_slice %arg3[%dma_start3A_94, %mul3A_84] : memref<2x6400000xi32, #tpu.memory_space<hbm>> -> memref<2x2048xi32, #tpu.memory_space<hbm>>
        tpu.enqueue_dma source(%dma_start3A_95 : memref<2x2048xi32, #tpu.memory_space<hbm>>) target(%arg13 : memref<2x2048xi32, #tpu.memory_space<vmem>>) target_semaphore(%dma_start3A_93 : memref<!tpu.dma_semaphore, #tpu.memory_space<semaphore_mem>>)
      } else {
      }
      %mul3A_51 = arith.constant 3 : i32
      %mul3A_52 = arith.muli %scan3A_35, %mul3A_51 : i32
      %add3A_53 = arith.constant 1 : i32
      %add3A_54 = arith.addi %mul3A_52, %add3A_53 : i32
      %lt3A_55 = arith.cmpi slt, %add3A_54, %select_n3A : i32
      %convert_element_type3A_56 = arith.extui %lt3A_55 : i1 to i32
      %cond3A_57 = arith.constant 0 : i32
      %cond3A_58 = arith.cmpi ne, %convert_element_type3A_56, %cond3A_57 : i32
      scf.if %cond3A_58 {
        %add3A_80 = arith.addi %add3A_13, %add3A_54 : i32
        %mul3A_81 = arith.constant 2048 : i32
        %mul3A_82 = arith.muli %add3A_80, %mul3A_81 : i32
        %dma_wait3A = arith.constant 1 : i32
        %dma_wait3A_83 = tpu.memref_slice %arg2[%mul3A_82] : memref<6400000xf32, #tpu.memory_space<hbm>> -> memref<2048xf32, #tpu.memory_space<hbm>>
        %dma_wait3A_84 = tpu.memref_slice %arg16[%dma_wait3A] : memref<3x!tpu.dma_semaphore, #tpu.memory_space<semaphore_mem>> -> memref<1x!tpu.dma_semaphore, #tpu.memory_space<semaphore_mem>>
        %dma_wait3A_85 = tpu.memref_squeeze %dma_wait3A_84 : memref<1x!tpu.dma_semaphore, #tpu.memory_space<semaphore_mem>> -> memref<!tpu.dma_semaphore, #tpu.memory_space<semaphore_mem>>
        %dma_wait3A_86 = tpu.memref_slice %arg2[%mul3A_82] : memref<6400000xf32, #tpu.memory_space<hbm>> -> memref<2048xf32, #tpu.memory_space<hbm>>
        tpu.wait_dma2 semaphore(%dma_wait3A_85 : memref<!tpu.dma_semaphore, #tpu.memory_space<semaphore_mem>>) src(%dma_wait3A_86 : memref<2048xf32, #tpu.memory_space<hbm>>) dst(%arg11 : memref<2048xf32, #tpu.memory_space<vmem>>)
        %dma_wait3A_87 = arith.constant 1 : i32
        %dma_wait3A_88 = arith.constant 0 : i32
        %dma_wait3A_89 = tpu.memref_slice %arg3[%dma_wait3A_88, %mul3A_82] : memref<2x6400000xi32, #tpu.memory_space<hbm>> -> memref<2x2048xi32, #tpu.memory_space<hbm>>
        %dma_wait3A_90 = tpu.memref_slice %arg16[%dma_wait3A_87] : memref<3x!tpu.dma_semaphore, #tpu.memory_space<semaphore_mem>> -> memref<1x!tpu.dma_semaphore, #tpu.memory_space<semaphore_mem>>
        %dma_wait3A_91 = tpu.memref_squeeze %dma_wait3A_90 : memref<1x!tpu.dma_semaphore, #tpu.memory_space<semaphore_mem>> -> memref<!tpu.dma_semaphore, #tpu.memory_space<semaphore_mem>>
        %dma_wait3A_92 = arith.constant 0 : i32
        %dma_wait3A_93 = tpu.memref_slice %arg3[%dma_wait3A_92, %mul3A_82] : memref<2x6400000xi32, #tpu.memory_space<hbm>> -> memref<2x2048xi32, #tpu.memory_space<hbm>>
        tpu.wait_dma2 semaphore(%dma_wait3A_91 : memref<!tpu.dma_semaphore, #tpu.memory_space<semaphore_mem>>) src(%dma_wait3A_93 : memref<2x2048xi32, #tpu.memory_space<hbm>>) dst(%arg14 : memref<2x2048xi32, #tpu.memory_space<vmem>>)
        %parallel_loop3A = arith.constant 0 : i32
        %parallel_loop3A_94 = arith.constant 128 : i32
        %parallel_loop3A_95 = arith.constant 1 : i32
        scf.for %parallel_loop3A_96 = %parallel_loop3A to %parallel_loop3A_94 step %parallel_loop3A_95  : i32 {
          %parallel_loop3A_97 = arith.constant 16 : i32
          %parallel_loop3A_98 = arith.muli %parallel_loop3A_96, %parallel_loop3A_97 : i32
          %parallel_loop3A_99 = arith.index_cast %parallel_loop3A_98 : i32 to index
          %parallel_loop3A_100 = tpu.vector_load %arg11[%parallel_loop3A_99] {strides = array<i32>} : memref<2048xf32, #tpu.memory_space<vmem>>, vector<16xf32>,
          %parallel_loop3A_101 = arith.constant 0 : i32
          %parallel_loop3A_102 = arith.index_cast %parallel_loop3A_101 : i32 to index
          %parallel_loop3A_103 = arith.index_cast %parallel_loop3A_98 : i32 to index
          %parallel_loop3A_104 = tpu.vector_load %arg14[%parallel_loop3A_102, %parallel_loop3A_103] {strides = array<i32>} : memref<2x2048xi32, #tpu.memory_space<vmem>>, vector<16xi32>,
          %parallel_loop3A_105 = arith.constant 1 : i32
          %parallel_loop3A_106 = arith.index_cast %parallel_loop3A_105 : i32 to index
          %parallel_loop3A_107 = arith.index_cast %parallel_loop3A_98 : i32 to index
          %parallel_loop3A_108 = tpu.vector_load %arg14[%parallel_loop3A_106, %parallel_loop3A_107] {strides = array<i32>} : memref<2x2048xi32, #tpu.memory_space<vmem>>, vector<16xi32>,
          %parallel_loop3A_109 = arith.constant 4 : i32
          %parallel_loop3A_110 = vector.broadcast %parallel_loop3A_109 : i32 to vector<16xi32>
          %parallel_loop3A_111 = arith.shrsi %parallel_loop3A_104, %parallel_loop3A_110 : vector<16xi32>
          %parallel_loop3A_112 = tpu.vector_load_idx %arg8[%parallel_loop3A_111] : memref<6256xi32, #tpu.memory_space<vmem>>[vector<16xi32>], vector<16xi32>,
          %parallel_loop3A_113 = arith.constant 4 : i32
          %parallel_loop3A_114 = vector.broadcast %parallel_loop3A_113 : i32 to vector<16xi32>
          %parallel_loop3A_115 = arith.shrsi %parallel_loop3A_108, %parallel_loop3A_114 : vector<16xi32>
          %parallel_loop3A_116 = tpu.vector_load_idx %arg8[%parallel_loop3A_115] : memref<6256xi32, #tpu.memory_space<vmem>>[vector<16xi32>], vector<16xi32>,
          %parallel_loop3A_117 = arith.constant 15 : i32
          %parallel_loop3A_118 = vector.broadcast %parallel_loop3A_117 : i32 to vector<16xi32>
          %parallel_loop3A_119 = arith.andi %parallel_loop3A_104, %parallel_loop3A_118 : vector<16xi32>
          %parallel_loop3A_120 = arith.constant 2 : i32
          %parallel_loop3A_121 = vector.broadcast %parallel_loop3A_120 : i32 to vector<16xi32>
          %parallel_loop3A_122 = arith.muli %parallel_loop3A_119, %parallel_loop3A_121 : vector<16xi32>
          %parallel_loop3A_123 = arith.shrsi %parallel_loop3A_112, %parallel_loop3A_122 : vector<16xi32>
          %parallel_loop3A_124 = arith.constant 3 : i32
          %parallel_loop3A_125 = vector.broadcast %parallel_loop3A_124 : i32 to vector<16xi32>
          %parallel_loop3A_126 = arith.andi %parallel_loop3A_123, %parallel_loop3A_125 : vector<16xi32>
          %parallel_loop3A_127 = arith.constant 15 : i32
          %parallel_loop3A_128 = vector.broadcast %parallel_loop3A_127 : i32 to vector<16xi32>
          %parallel_loop3A_129 = arith.andi %parallel_loop3A_108, %parallel_loop3A_128 : vector<16xi32>
          %parallel_loop3A_130 = arith.constant 2 : i32
          %parallel_loop3A_131 = vector.broadcast %parallel_loop3A_130 : i32 to vector<16xi32>
          %parallel_loop3A_132 = arith.muli %parallel_loop3A_129, %parallel_loop3A_131 : vector<16xi32>
          %parallel_loop3A_133 = arith.shrsi %parallel_loop3A_116, %parallel_loop3A_132 : vector<16xi32>
          %parallel_loop3A_134 = arith.constant 3 : i32
          %parallel_loop3A_135 = vector.broadcast %parallel_loop3A_134 : i32 to vector<16xi32>
          %parallel_loop3A_136 = arith.andi %parallel_loop3A_133, %parallel_loop3A_135 : vector<16xi32>
          %parallel_loop3A_137 = arith.constant 4 : i32
          %parallel_loop3A_138 = vector.broadcast %parallel_loop3A_137 : i32 to vector<16xi32>
          %parallel_loop3A_139 = arith.muli %parallel_loop3A_126, %parallel_loop3A_138 : vector<16xi32>
          %parallel_loop3A_140 = arith.addi %parallel_loop3A_139, %parallel_loop3A_136 : vector<16xi32>
          %parallel_loop3A_141 = tpu.vector_load_idx %arg9[%parallel_loop3A_140] : memref<16xf32, #tpu.memory_space<vmem>>[vector<16xi32>], vector<16xf32>,
          %parallel_loop3A_142 = tpu.bitcast %parallel_loop3A_100 : vector<16xf32> -> vector<16xi32>
          %parallel_loop3A_143 = arith.constant 2129859011 : i32
          %parallel_loop3A_144 = vector.broadcast %parallel_loop3A_143 : i32 to vector<16xi32>
          %parallel_loop3A_145 = arith.subi %parallel_loop3A_144, %parallel_loop3A_142 : vector<16xi32>
          %parallel_loop3A_146 = tpu.bitcast %parallel_loop3A_145 : vector<16xi32> -> vector<16xf32>
          %parallel_loop3A_147 = arith.mulf %parallel_loop3A_100, %parallel_loop3A_146 : vector<16xf32>
          %parallel_loop3A_148 = arith.constant 2.000000e+00 : f32
          %parallel_loop3A_149 = vector.broadcast %parallel_loop3A_148 : f32 to vector<16xf32>
          %parallel_loop3A_150 = arith.subf %parallel_loop3A_149, %parallel_loop3A_147 : vector<16xf32>
          %parallel_loop3A_151 = arith.mulf %parallel_loop3A_146, %parallel_loop3A_150 : vector<16xf32>
          %parallel_loop3A_152 = arith.mulf %parallel_loop3A_100, %parallel_loop3A_151 : vector<16xf32>
          %parallel_loop3A_153 = arith.constant 2.000000e+00 : f32
          %parallel_loop3A_154 = vector.broadcast %parallel_loop3A_153 : f32 to vector<16xf32>
          %parallel_loop3A_155 = arith.subf %parallel_loop3A_154, %parallel_loop3A_152 : vector<16xf32>
          %parallel_loop3A_156 = arith.mulf %parallel_loop3A_151, %parallel_loop3A_155 : vector<16xf32>
          %parallel_loop3A_157 = arith.mulf %parallel_loop3A_156, %parallel_loop3A_156 : vector<16xf32>
          %parallel_loop3A_158 = arith.mulf %parallel_loop3A_157, %parallel_loop3A_157 : vector<16xf32>
          %parallel_loop3A_159 = arith.mulf %parallel_loop3A_158, %parallel_loop3A_158 : vector<16xf32>
          %parallel_loop3A_160 = arith.constant 0.0068359375 : f32
          %parallel_loop3A_161 = vector.broadcast %parallel_loop3A_160 : f32 to vector<16xf32>
          %parallel_loop3A_162 = arith.mulf %parallel_loop3A_161, %parallel_loop3A_157 : vector<16xf32>
          %parallel_loop3A_163 = arith.subf %parallel_loop3A_159, %parallel_loop3A_162 : vector<16xf32>
          %parallel_loop3A_164 = arith.constant 0.0029296875 : f32
          %parallel_loop3A_165 = vector.broadcast %parallel_loop3A_164 : f32 to vector<16xf32>
          %parallel_loop3A_166 = arith.mulf %parallel_loop3A_165, %parallel_loop3A_156 : vector<16xf32>
          %parallel_loop3A_167 = arith.constant 3.2043457E-4 : f32
          %parallel_loop3A_168 = vector.broadcast %parallel_loop3A_167 : f32 to vector<16xf32>
          %parallel_loop3A_169 = arith.subf %parallel_loop3A_166, %parallel_loop3A_168 : vector<16xf32>
          %parallel_loop3A_170 = arith.addf %parallel_loop3A_163, %parallel_loop3A_169 : vector<16xf32>
          %parallel_loop3A_171 = arith.constant 4.000000e+00 : f32
          %parallel_loop3A_172 = vector.broadcast %parallel_loop3A_171 : f32 to vector<16xf32>
          %parallel_loop3A_173 = arith.cmpf olt, %parallel_loop3A_100, %parallel_loop3A_172 : vector<16xf32>
          %parallel_loop3A_174 = arith.mulf %parallel_loop3A_158, %parallel_loop3A_170 : vector<16xf32>
          %parallel_loop3A_175 = arith.mulf %parallel_loop3A_174, %parallel_loop3A_141 : vector<16xf32>
          %parallel_loop3A_176 = arith.constant 0.000000e+00 : f32
          %parallel_loop3A_177 = vector.broadcast %parallel_loop3A_176 : f32 to vector<16xf32>
          %parallel_loop3A_178 = arith.select %parallel_loop3A_173, %parallel_loop3A_175, %parallel_loop3A_177 : vector<16xi1>, vector<16xf32>
          tpu.vector_store_idx %arg7[%parallel_loop3A_104], %parallel_loop3A_178 {add = true} : memref<100000xf32, #tpu.memory_space<vmem>>[vector<16xi32>], vector<16xf32>,
        } {sc.loop_unroll_factor = 8 : i64, sc.parallel_access}
      } else {
      }
      %add3A_59 = arith.constant 3 : i32
      %add3A_60 = arith.addi %add3A_54, %add3A_59 : i32
      %lt3A_61 = arith.cmpi slt, %add3A_60, %select_n3A : i32
      %convert_element_type3A_62 = arith.extui %lt3A_61 : i1 to i32
      %cond3A_63 = arith.constant 0 : i32
      %cond3A_64 = arith.cmpi ne, %convert_element_type3A_62, %cond3A_63 : i32
      scf.if %cond3A_64 {
        %add3A_80 = arith.constant 3 : i32
        %add3A_81 = arith.addi %add3A_54, %add3A_80 : i32
        %add3A_82 = arith.addi %add3A_13, %add3A_81 : i32
        %mul3A_83 = arith.constant 2048 : i32
        %mul3A_84 = arith.muli %add3A_82, %mul3A_83 : i32
        %dma_start3A = arith.constant 1 : i32
        %dma_start3A_85 = tpu.memref_slice %arg2[%mul3A_84] : memref<6400000xf32, #tpu.memory_space<hbm>> -> memref<2048xf32, #tpu.memory_space<hbm>>
        %dma_start3A_86 = tpu.memref_slice %arg16[%dma_start3A] : memref<3x!tpu.dma_semaphore, #tpu.memory_space<semaphore_mem>> -> memref<1x!tpu.dma_semaphore, #tpu.memory_space<semaphore_mem>>
        %dma_start3A_87 = tpu.memref_squeeze %dma_start3A_86 : memref<1x!tpu.dma_semaphore, #tpu.memory_space<semaphore_mem>> -> memref<!tpu.dma_semaphore, #tpu.memory_space<semaphore_mem>>
        %dma_start3A_88 = tpu.memref_slice %arg2[%mul3A_84] : memref<6400000xf32, #tpu.memory_space<hbm>> -> memref<2048xf32, #tpu.memory_space<hbm>>
        tpu.enqueue_dma source(%dma_start3A_88 : memref<2048xf32, #tpu.memory_space<hbm>>) target(%arg11 : memref<2048xf32, #tpu.memory_space<vmem>>) target_semaphore(%dma_start3A_87 : memref<!tpu.dma_semaphore, #tpu.memory_space<semaphore_mem>>)
        %dma_start3A_89 = arith.constant 1 : i32
        %dma_start3A_90 = arith.constant 0 : i32
        %dma_start3A_91 = tpu.memref_slice %arg3[%dma_start3A_90, %mul3A_84] : memref<2x6400000xi32, #tpu.memory_space<hbm>> -> memref<2x2048xi32, #tpu.memory_space<hbm>>
        %dma_start3A_92 = tpu.memref_slice %arg16[%dma_start3A_89] : memref<3x!tpu.dma_semaphore, #tpu.memory_space<semaphore_mem>> -> memref<1x!tpu.dma_semaphore, #tpu.memory_space<semaphore_mem>>
        %dma_start3A_93 = tpu.memref_squeeze %dma_start3A_92 : memref<1x!tpu.dma_semaphore, #tpu.memory_space<semaphore_mem>> -> memref<!tpu.dma_semaphore, #tpu.memory_space<semaphore_mem>>
        %dma_start3A_94 = arith.constant 0 : i32
        %dma_start3A_95 = tpu.memref_slice %arg3[%dma_start3A_94, %mul3A_84] : memref<2x6400000xi32, #tpu.memory_space<hbm>> -> memref<2x2048xi32, #tpu.memory_space<hbm>>
        tpu.enqueue_dma source(%dma_start3A_95 : memref<2x2048xi32, #tpu.memory_space<hbm>>) target(%arg14 : memref<2x2048xi32, #tpu.memory_space<vmem>>) target_semaphore(%dma_start3A_93 : memref<!tpu.dma_semaphore, #tpu.memory_space<semaphore_mem>>)
      } else {
      }
      %mul3A_65 = arith.constant 3 : i32
      %mul3A_66 = arith.muli %scan3A_35, %mul3A_65 : i32
      %add3A_67 = arith.constant 2 : i32
      %add3A_68 = arith.addi %mul3A_66, %add3A_67 : i32
      %lt3A_69 = arith.cmpi slt, %add3A_68, %select_n3A : i32
      %convert_element_type3A_70 = arith.extui %lt3A_69 : i1 to i32
      %cond3A_71 = arith.constant 0 : i32
      %cond3A_72 = arith.cmpi ne, %convert_element_type3A_70, %cond3A_71 : i32
      scf.if %cond3A_72 {
        %add3A_80 = arith.addi %add3A_13, %add3A_68 : i32
        %mul3A_81 = arith.constant 2048 : i32
        %mul3A_82 = arith.muli %add3A_80, %mul3A_81 : i32
        %dma_wait3A = arith.constant 2 : i32
        %dma_wait3A_83 = tpu.memref_slice %arg2[%mul3A_82] : memref<6400000xf32, #tpu.memory_space<hbm>> -> memref<2048xf32, #tpu.memory_space<hbm>>
        %dma_wait3A_84 = tpu.memref_slice %arg16[%dma_wait3A] : memref<3x!tpu.dma_semaphore, #tpu.memory_space<semaphore_mem>> -> memref<1x!tpu.dma_semaphore, #tpu.memory_space<semaphore_mem>>
        %dma_wait3A_85 = tpu.memref_squeeze %dma_wait3A_84 : memref<1x!tpu.dma_semaphore, #tpu.memory_space<semaphore_mem>> -> memref<!tpu.dma_semaphore, #tpu.memory_space<semaphore_mem>>
        %dma_wait3A_86 = tpu.memref_slice %arg2[%mul3A_82] : memref<6400000xf32, #tpu.memory_space<hbm>> -> memref<2048xf32, #tpu.memory_space<hbm>>
        tpu.wait_dma2 semaphore(%dma_wait3A_85 : memref<!tpu.dma_semaphore, #tpu.memory_space<semaphore_mem>>) src(%dma_wait3A_86 : memref<2048xf32, #tpu.memory_space<hbm>>) dst(%arg12 : memref<2048xf32, #tpu.memory_space<vmem>>)
        %dma_wait3A_87 = arith.constant 2 : i32
        %dma_wait3A_88 = arith.constant 0 : i32
        %dma_wait3A_89 = tpu.memref_slice %arg3[%dma_wait3A_88, %mul3A_82] : memref<2x6400000xi32, #tpu.memory_space<hbm>> -> memref<2x2048xi32, #tpu.memory_space<hbm>>
        %dma_wait3A_90 = tpu.memref_slice %arg16[%dma_wait3A_87] : memref<3x!tpu.dma_semaphore, #tpu.memory_space<semaphore_mem>> -> memref<1x!tpu.dma_semaphore, #tpu.memory_space<semaphore_mem>>
        %dma_wait3A_91 = tpu.memref_squeeze %dma_wait3A_90 : memref<1x!tpu.dma_semaphore, #tpu.memory_space<semaphore_mem>> -> memref<!tpu.dma_semaphore, #tpu.memory_space<semaphore_mem>>
        %dma_wait3A_92 = arith.constant 0 : i32
        %dma_wait3A_93 = tpu.memref_slice %arg3[%dma_wait3A_92, %mul3A_82] : memref<2x6400000xi32, #tpu.memory_space<hbm>> -> memref<2x2048xi32, #tpu.memory_space<hbm>>
        tpu.wait_dma2 semaphore(%dma_wait3A_91 : memref<!tpu.dma_semaphore, #tpu.memory_space<semaphore_mem>>) src(%dma_wait3A_93 : memref<2x2048xi32, #tpu.memory_space<hbm>>) dst(%arg15 : memref<2x2048xi32, #tpu.memory_space<vmem>>)
        %parallel_loop3A = arith.constant 0 : i32
        %parallel_loop3A_94 = arith.constant 128 : i32
        %parallel_loop3A_95 = arith.constant 1 : i32
        scf.for %parallel_loop3A_96 = %parallel_loop3A to %parallel_loop3A_94 step %parallel_loop3A_95  : i32 {
          %parallel_loop3A_97 = arith.constant 16 : i32
          %parallel_loop3A_98 = arith.muli %parallel_loop3A_96, %parallel_loop3A_97 : i32
          %parallel_loop3A_99 = arith.index_cast %parallel_loop3A_98 : i32 to index
          %parallel_loop3A_100 = tpu.vector_load %arg12[%parallel_loop3A_99] {strides = array<i32>} : memref<2048xf32, #tpu.memory_space<vmem>>, vector<16xf32>,
          %parallel_loop3A_101 = arith.constant 0 : i32
          %parallel_loop3A_102 = arith.index_cast %parallel_loop3A_101 : i32 to index
          %parallel_loop3A_103 = arith.index_cast %parallel_loop3A_98 : i32 to index
          %parallel_loop3A_104 = tpu.vector_load %arg15[%parallel_loop3A_102, %parallel_loop3A_103] {strides = array<i32>} : memref<2x2048xi32, #tpu.memory_space<vmem>>, vector<16xi32>,
          %parallel_loop3A_105 = arith.constant 1 : i32
          %parallel_loop3A_106 = arith.index_cast %parallel_loop3A_105 : i32 to index
          %parallel_loop3A_107 = arith.index_cast %parallel_loop3A_98 : i32 to index
          %parallel_loop3A_108 = tpu.vector_load %arg15[%parallel_loop3A_106, %parallel_loop3A_107] {strides = array<i32>} : memref<2x2048xi32, #tpu.memory_space<vmem>>, vector<16xi32>,
          %parallel_loop3A_109 = arith.constant 4 : i32
          %parallel_loop3A_110 = vector.broadcast %parallel_loop3A_109 : i32 to vector<16xi32>
          %parallel_loop3A_111 = arith.shrsi %parallel_loop3A_104, %parallel_loop3A_110 : vector<16xi32>
          %parallel_loop3A_112 = tpu.vector_load_idx %arg8[%parallel_loop3A_111] : memref<6256xi32, #tpu.memory_space<vmem>>[vector<16xi32>], vector<16xi32>,
          %parallel_loop3A_113 = arith.constant 4 : i32
          %parallel_loop3A_114 = vector.broadcast %parallel_loop3A_113 : i32 to vector<16xi32>
          %parallel_loop3A_115 = arith.shrsi %parallel_loop3A_108, %parallel_loop3A_114 : vector<16xi32>
          %parallel_loop3A_116 = tpu.vector_load_idx %arg8[%parallel_loop3A_115] : memref<6256xi32, #tpu.memory_space<vmem>>[vector<16xi32>], vector<16xi32>,
          %parallel_loop3A_117 = arith.constant 15 : i32
          %parallel_loop3A_118 = vector.broadcast %parallel_loop3A_117 : i32 to vector<16xi32>
          %parallel_loop3A_119 = arith.andi %parallel_loop3A_104, %parallel_loop3A_118 : vector<16xi32>
          %parallel_loop3A_120 = arith.constant 2 : i32
          %parallel_loop3A_121 = vector.broadcast %parallel_loop3A_120 : i32 to vector<16xi32>
          %parallel_loop3A_122 = arith.muli %parallel_loop3A_119, %parallel_loop3A_121 : vector<16xi32>
          %parallel_loop3A_123 = arith.shrsi %parallel_loop3A_112, %parallel_loop3A_122 : vector<16xi32>
          %parallel_loop3A_124 = arith.constant 3 : i32
          %parallel_loop3A_125 = vector.broadcast %parallel_loop3A_124 : i32 to vector<16xi32>
          %parallel_loop3A_126 = arith.andi %parallel_loop3A_123, %parallel_loop3A_125 : vector<16xi32>
          %parallel_loop3A_127 = arith.constant 15 : i32
          %parallel_loop3A_128 = vector.broadcast %parallel_loop3A_127 : i32 to vector<16xi32>
          %parallel_loop3A_129 = arith.andi %parallel_loop3A_108, %parallel_loop3A_128 : vector<16xi32>
          %parallel_loop3A_130 = arith.constant 2 : i32
          %parallel_loop3A_131 = vector.broadcast %parallel_loop3A_130 : i32 to vector<16xi32>
          %parallel_loop3A_132 = arith.muli %parallel_loop3A_129, %parallel_loop3A_131 : vector<16xi32>
          %parallel_loop3A_133 = arith.shrsi %parallel_loop3A_116, %parallel_loop3A_132 : vector<16xi32>
          %parallel_loop3A_134 = arith.constant 3 : i32
          %parallel_loop3A_135 = vector.broadcast %parallel_loop3A_134 : i32 to vector<16xi32>
          %parallel_loop3A_136 = arith.andi %parallel_loop3A_133, %parallel_loop3A_135 : vector<16xi32>
          %parallel_loop3A_137 = arith.constant 4 : i32
          %parallel_loop3A_138 = vector.broadcast %parallel_loop3A_137 : i32 to vector<16xi32>
          %parallel_loop3A_139 = arith.muli %parallel_loop3A_126, %parallel_loop3A_138 : vector<16xi32>
          %parallel_loop3A_140 = arith.addi %parallel_loop3A_139, %parallel_loop3A_136 : vector<16xi32>
          %parallel_loop3A_141 = tpu.vector_load_idx %arg9[%parallel_loop3A_140] : memref<16xf32, #tpu.memory_space<vmem>>[vector<16xi32>], vector<16xf32>,
          %parallel_loop3A_142 = tpu.bitcast %parallel_loop3A_100 : vector<16xf32> -> vector<16xi32>
          %parallel_loop3A_143 = arith.constant 2129859011 : i32
          %parallel_loop3A_144 = vector.broadcast %parallel_loop3A_143 : i32 to vector<16xi32>
          %parallel_loop3A_145 = arith.subi %parallel_loop3A_144, %parallel_loop3A_142 : vector<16xi32>
          %parallel_loop3A_146 = tpu.bitcast %parallel_loop3A_145 : vector<16xi32> -> vector<16xf32>
          %parallel_loop3A_147 = arith.mulf %parallel_loop3A_100, %parallel_loop3A_146 : vector<16xf32>
          %parallel_loop3A_148 = arith.constant 2.000000e+00 : f32
          %parallel_loop3A_149 = vector.broadcast %parallel_loop3A_148 : f32 to vector<16xf32>
          %parallel_loop3A_150 = arith.subf %parallel_loop3A_149, %parallel_loop3A_147 : vector<16xf32>
          %parallel_loop3A_151 = arith.mulf %parallel_loop3A_146, %parallel_loop3A_150 : vector<16xf32>
          %parallel_loop3A_152 = arith.mulf %parallel_loop3A_100, %parallel_loop3A_151 : vector<16xf32>
          %parallel_loop3A_153 = arith.constant 2.000000e+00 : f32
          %parallel_loop3A_154 = vector.broadcast %parallel_loop3A_153 : f32 to vector<16xf32>
          %parallel_loop3A_155 = arith.subf %parallel_loop3A_154, %parallel_loop3A_152 : vector<16xf32>
          %parallel_loop3A_156 = arith.mulf %parallel_loop3A_151, %parallel_loop3A_155 : vector<16xf32>
          %parallel_loop3A_157 = arith.mulf %parallel_loop3A_156, %parallel_loop3A_156 : vector<16xf32>
          %parallel_loop3A_158 = arith.mulf %parallel_loop3A_157, %parallel_loop3A_157 : vector<16xf32>
          %parallel_loop3A_159 = arith.mulf %parallel_loop3A_158, %parallel_loop3A_158 : vector<16xf32>
          %parallel_loop3A_160 = arith.constant 0.0068359375 : f32
          %parallel_loop3A_161 = vector.broadcast %parallel_loop3A_160 : f32 to vector<16xf32>
          %parallel_loop3A_162 = arith.mulf %parallel_loop3A_161, %parallel_loop3A_157 : vector<16xf32>
          %parallel_loop3A_163 = arith.subf %parallel_loop3A_159, %parallel_loop3A_162 : vector<16xf32>
          %parallel_loop3A_164 = arith.constant 0.0029296875 : f32
          %parallel_loop3A_165 = vector.broadcast %parallel_loop3A_164 : f32 to vector<16xf32>
          %parallel_loop3A_166 = arith.mulf %parallel_loop3A_165, %parallel_loop3A_156 : vector<16xf32>
          %parallel_loop3A_167 = arith.constant 3.2043457E-4 : f32
          %parallel_loop3A_168 = vector.broadcast %parallel_loop3A_167 : f32 to vector<16xf32>
          %parallel_loop3A_169 = arith.subf %parallel_loop3A_166, %parallel_loop3A_168 : vector<16xf32>
          %parallel_loop3A_170 = arith.addf %parallel_loop3A_163, %parallel_loop3A_169 : vector<16xf32>
          %parallel_loop3A_171 = arith.constant 4.000000e+00 : f32
          %parallel_loop3A_172 = vector.broadcast %parallel_loop3A_171 : f32 to vector<16xf32>
          %parallel_loop3A_173 = arith.cmpf olt, %parallel_loop3A_100, %parallel_loop3A_172 : vector<16xf32>
          %parallel_loop3A_174 = arith.mulf %parallel_loop3A_158, %parallel_loop3A_170 : vector<16xf32>
          %parallel_loop3A_175 = arith.mulf %parallel_loop3A_174, %parallel_loop3A_141 : vector<16xf32>
          %parallel_loop3A_176 = arith.constant 0.000000e+00 : f32
          %parallel_loop3A_177 = vector.broadcast %parallel_loop3A_176 : f32 to vector<16xf32>
          %parallel_loop3A_178 = arith.select %parallel_loop3A_173, %parallel_loop3A_175, %parallel_loop3A_177 : vector<16xi1>, vector<16xf32>
          tpu.vector_store_idx %arg7[%parallel_loop3A_104], %parallel_loop3A_178 {add = true} : memref<100000xf32, #tpu.memory_space<vmem>>[vector<16xi32>], vector<16xf32>,
        } {sc.loop_unroll_factor = 8 : i64, sc.parallel_access}
      } else {
      }
      %add3A_73 = arith.constant 3 : i32
      %add3A_74 = arith.addi %add3A_68, %add3A_73 : i32
      %lt3A_75 = arith.cmpi slt, %add3A_74, %select_n3A : i32
      %convert_element_type3A_76 = arith.extui %lt3A_75 : i1 to i32
      %cond3A_77 = arith.constant 0 : i32
      %cond3A_78 = arith.cmpi ne, %convert_element_type3A_76, %cond3A_77 : i32
      scf.if %cond3A_78 {
        %add3A_80 = arith.constant 3 : i32
        %add3A_81 = arith.addi %add3A_68, %add3A_80 : i32
        %add3A_82 = arith.addi %add3A_13, %add3A_81 : i32
        %mul3A_83 = arith.constant 2048 : i32
        %mul3A_84 = arith.muli %add3A_82, %mul3A_83 : i32
        %dma_start3A = arith.constant 2 : i32
        %dma_start3A_85 = tpu.memref_slice %arg2[%mul3A_84] : memref<6400000xf32, #tpu.memory_space<hbm>> -> memref<2048xf32, #tpu.memory_space<hbm>>
        %dma_start3A_86 = tpu.memref_slice %arg16[%dma_start3A] : memref<3x!tpu.dma_semaphore, #tpu.memory_space<semaphore_mem>> -> memref<1x!tpu.dma_semaphore, #tpu.memory_space<semaphore_mem>>
        %dma_start3A_87 = tpu.memref_squeeze %dma_start3A_86 : memref<1x!tpu.dma_semaphore, #tpu.memory_space<semaphore_mem>> -> memref<!tpu.dma_semaphore, #tpu.memory_space<semaphore_mem>>
        %dma_start3A_88 = tpu.memref_slice %arg2[%mul3A_84] : memref<6400000xf32, #tpu.memory_space<hbm>> -> memref<2048xf32, #tpu.memory_space<hbm>>
        tpu.enqueue_dma source(%dma_start3A_88 : memref<2048xf32, #tpu.memory_space<hbm>>) target(%arg12 : memref<2048xf32, #tpu.memory_space<vmem>>) target_semaphore(%dma_start3A_87 : memref<!tpu.dma_semaphore, #tpu.memory_space<semaphore_mem>>)
        %dma_start3A_89 = arith.constant 2 : i32
        %dma_start3A_90 = arith.constant 0 : i32
        %dma_start3A_91 = tpu.memref_slice %arg3[%dma_start3A_90, %mul3A_84] : memref<2x6400000xi32, #tpu.memory_space<hbm>> -> memref<2x2048xi32, #tpu.memory_space<hbm>>
        %dma_start3A_92 = tpu.memref_slice %arg16[%dma_start3A_89] : memref<3x!tpu.dma_semaphore, #tpu.memory_space<semaphore_mem>> -> memref<1x!tpu.dma_semaphore, #tpu.memory_space<semaphore_mem>>
        %dma_start3A_93 = tpu.memref_squeeze %dma_start3A_92 : memref<1x!tpu.dma_semaphore, #tpu.memory_space<semaphore_mem>> -> memref<!tpu.dma_semaphore, #tpu.memory_space<semaphore_mem>>
        %dma_start3A_94 = arith.constant 0 : i32
        %dma_start3A_95 = tpu.memref_slice %arg3[%dma_start3A_94, %mul3A_84] : memref<2x6400000xi32, #tpu.memory_space<hbm>> -> memref<2x2048xi32, #tpu.memory_space<hbm>>
        tpu.enqueue_dma source(%dma_start3A_95 : memref<2x2048xi32, #tpu.memory_space<hbm>>) target(%arg15 : memref<2x2048xi32, #tpu.memory_space<vmem>>) target_semaphore(%dma_start3A_93 : memref<!tpu.dma_semaphore, #tpu.memory_space<semaphore_mem>>)
      } else {
      }
      %scan3A_79 = arith.constant 0 : i32
      scf.yield %scan3A_79 : i32
    }
    %scan3A_32 = arith.constant 33 : i32
    %mul3A_33 = arith.constant 100352 : i32
    %mul3A_34 = arith.muli %add3A, %mul3A_33 : i32
    "tpu.region"() ({
      %run_scoped3A = tpu.sem_alloc : memref<!tpu.dma_semaphore, #tpu.memory_space<semaphore_mem>>
      %dma_start3A = tpu.memref_slice %arg6[%mul3A_34] : memref<3211264xf32, #tpu.memory_space<hbm>> -> memref<100000xf32, #tpu.memory_space<hbm>>
      %dma_start3A_35 = tpu.memref_slice %arg6[%mul3A_34] : memref<3211264xf32, #tpu.memory_space<hbm>> -> memref<100000xf32, #tpu.memory_space<hbm>>
      tpu.enqueue_dma source(%arg7 : memref<100000xf32, #tpu.memory_space<vmem>>) target(%dma_start3A_35 : memref<100000xf32, #tpu.memory_space<hbm>>) target_semaphore(%run_scoped3A : memref<!tpu.dma_semaphore, #tpu.memory_space<semaphore_mem>>)
      %dma_wait3A = tpu.memref_slice %arg6[%mul3A_34] : memref<3211264xf32, #tpu.memory_space<hbm>> -> memref<100000xf32, #tpu.memory_space<hbm>>
      %dma_wait3A_36 = tpu.memref_slice %arg6[%mul3A_34] : memref<3211264xf32, #tpu.memory_space<hbm>> -> memref<100000xf32, #tpu.memory_space<hbm>>
      tpu.wait_dma2 semaphore(%run_scoped3A : memref<!tpu.dma_semaphore, #tpu.memory_space<semaphore_mem>>) src(%arg7 : memref<100000xf32, #tpu.memory_space<vmem>>) dst(%dma_wait3A_36 : memref<100000xf32, #tpu.memory_space<hbm>>)
      tpu.yield
    }) : () -> ()
    return
  }
}

</mosaic_0001>

<sc_bundles>
// kernel: _sc_edge_partials.3.cloned.1.call-start
scs
__scs_entry_jumppad:
0x0: {  	(pc) =	sbr.rel $0x88, $3  }
0x1: {  	(tag) =	ssettag $0x0;
	lr =	simm.s32 $0x1  }
0x2: {  	[smem:$0x3F9D] =	sst lr;
	_ =	strace $0xD0000000  }
0x3: {  	_ = 	snop  }
0x4: {  	_ = 	snop  }
0x5: {  	_ = 	snop  }
0x6: {  	_ = 	snop  }
0x7: {  	_ = 	snop  }
__scs_overlays_trampoline_lowered:
0x8: {  	[smem:$0x3FAC] =	sst s0  }
0x9: {  	[smem:$0x3FAD] =	sst s1  }
0xa: {  	[smem:$0x3FAE] =	sst s2  }
0xb: {  	[smem:$0x3FAF] =	sst s3  }
0xc: {  	[smem:$0x3FB0] =	sst s4  }
0xd: {  	[smem:$0x3FB1] =	sst s5  }
0xe: {  	[smem:$0x3FB2] =	sst s6  }
0xf: {  	[smem:$0x3FB3] =	sst s7  }
0x10: {  	[smem:$0x3FB4] =	sst s8  }
0x11: {  	[smem:$0x3FB5] =	sst s9;
	s0 =	simm.s32 @!p0 $0x0  }
0x12: {  	s1 =	sld [smem:$0x3F9B];
	s0 =	simm.s32 @p0 $0x1  }
0x13: {  	[smem:$0x3FB6] =	sst s0;
	s0 =	simm.s32 @!p1 $0x0  }
0x14: {  	s2 =	sld [smem:$0x3F9A];
	s0 =	simm.s32 @p1 $0x1  }
0x15: {  	[smem:$0x3FB7] =	sst s0;
	s0 =	simm.s32 @!p2 $0x0  }
0x16: {  	s3 =	sld [smem:$0x3FDB];
	s0 =	simm.s32 @p2 $0x1  }
0x17: {  	s4 =	simm.s32 $0x1BF5;
	[smem:$0x3FB9] =	sst s0  }
0x18: {  	s0 =	sld [smem:$0x3F9C];
	_ =	swait.ge [sflag:s4], $0x0  }
0x19: {  	s7 =	sld [smem:$0x3F9D]  }
0x1a: {  	s8 =	sadd.s32 $0xFFFFE003, lr  }
0x1b: {  	s9 =	sadd.s32 $0xFFFFFEF7, lr;
	s5 =	simm.s32 $0xFFFFFFFF;
	p2 =	slt.u32 s8, $0xFFFFF086  }
0x1c: {  	p1 =	slt.u32 s9, $0xF7A;
	s5 =	simm.s32 @!p2 $0x0  }
0x1d: {  	s5 =	simm.s32 @p1 $0x1;
	p0 =	seq.s32 s7, s2  }
0x1e: {  	s7 =	smul.u32 @!p0 $0xF7A, s2;
	p2 =	seq.s32 @!p0 s5, $0x0  }
0x1f: {  	s9 =	smul.u32 $0xF7A, s1;
	s8 =	simm.s32 @!p0 $0x1BF5;
	p2 =	por !p2, p0  }
0x20: {  	[sflag:s8] =	ssyncset.s32 @!p0 $0xFFFFF086;
	s6 =	sadd.s32 @!p0 s3, s7;
	s7 =	simm.s32 @!p0 $0x108  }
0x21: {  	s3 =	sadd.s32 s3, s9;
	s6 =	sadd.s32 @!p0 $0x88, s6;
	s7 =	simm.s32 @p2 $0x1082  }
0x22: {  	[simem:s7], [sflag:s8] =	dma.local @!p0 [hbm:s6], $0xF7A  }
0x23: {  	s9 =	sor.u32 $0xD0000000, s2;
	s6 =	simm.s32 $0x108;
	_ =	swait.ge @!p0 [sflag:s8], $0x0  }
0x24: {  	s3 =	sadd.s32 $0x88, s3;
	s6 =	simm.s32 @!p1 $0x1082;
	[sflag:s4] =	ssyncset.s32 $0xFFFFF086  }
0x25: {  	[simem:s6], [sflag:s4] =	dma.local [hbm:s3], $0xF7A  }
0x26: {  	[smem:$0x3F9D] =	sst s1;
	(tag) =	ssettag s2;
	_ =	strace s9  }
0x27: {  	s1 =	sld [smem:$0x3FAD]  }
0x28: {  	s2 =	sld [smem:$0x3FAE]  }
0x29: {  	s4 =	sld [smem:$0x3FB0]  }
0x2a: {  	p0 =	seq.s32 s5, $0x0;
	s5 =	sld [smem:$0x3FB1]  }
0x2b: {  	s6 =	sld [smem:$0x3FB2]  }
0x2c: {  	s7 =	sld [smem:$0x3FB3]  }
0x2d: {  	s3 =	simm.s32 $0x108;
	s8 =	sld [smem:$0x3FB4]  }
0x2e: {  	s3 =	simm.s32 @!p0 $0x1082;
	s9 =	sld [smem:$0x3FB5]  }
0x2f: {  	lr =	sadd.s32 s0, s3;
	s0 =	sld [smem:$0x3FAC]  }
0x30: {  	s3 =	sld [smem:$0x3FAF]  }
0x31: {  	[smem:$0x3FB8] =	sst s10  }
0x32: {  	s10 =	sld [smem:$0x3FB6];
	_ =	sdelay $0x3  }
0x33: {  	p0 =	seq.s32 s10, $0x1;
	s10 =	sld [smem:$0x3FB8];
	_ =	sdelay $0x3  }
0x34: {  	[smem:$0x3FB8] =	sst s10  }
0x35: {  	s10 =	sld [smem:$0x3FB7];
	_ =	sdelay $0x3  }
0x36: {  	p1 =	seq.s32 s10, $0x1;
	s10 =	sld [smem:$0x3FB8];
	_ =	sdelay $0x3  }
0x37: {  	[smem:$0x3FB8] =	sst s10  }
0x38: {  	s10 =	sld [smem:$0x3FB9]  }
0x39: {  	_ = 	snop;
	(pc) =	sbr.ind lr, $3  }
0x3a: {  	_ = 	snop  }
0x3b: {  	_ = 	snop  }
0x3c: {  	p2 =	seq.s32 s10, $0x1;
	s10 =	sld [smem:$0x3FB8]  }
0x3d: {  	_ =	shalt  }
0x3e: {  	_ =	shalt  }
0x3f: {  	_ =	shalt  }
0x40: {  	_ =	shalt  }
0x41: {  	_ =	shalt  }
0x42: {  	_ =	shalt  }
0x43: {  	_ =	shalt  }
0x44: {  	_ =	shalt  }
0x45: {  	_ =	shalt  }
0x46: {  	_ =	shalt  }
0x47: {  	_ =	shalt  }
0x48: {  	_ =	shalt  }
0x49: {  	_ =	shalt  }
0x4a: {  	_ =	shalt  }
0x4b: {  	_ =	shalt  }
0x4c: {  	_ =	shalt  }
0x4d: {  	_ =	shalt  }
0x4e: {  	_ =	shalt  }
0x4f: {  	_ =	shalt  }
0x50: {  	_ =	shalt  }
0x51: {  	_ =	shalt  }
0x52: {  	_ =	shalt  }
0x53: {  	_ =	shalt  }
0x54: {  	_ =	shalt  }
0x55: {  	_ =	shalt  }
0x56: {  	_ =	shalt  }
0x57: {  	_ =	shalt  }
0x58: {  	_ =	shalt  }
0x59: {  	_ =	shalt  }
0x5a: {  	_ =	shalt  }
0x5b: {  	_ =	shalt  }
0x5c: {  	_ =	shalt  }
0x5d: {  	_ =	shalt  }
0x5e: {  	_ =	shalt  }
0x5f: {  	_ =	shalt  }
0x60: {  	_ =	shalt  }
0x61: {  	_ =	shalt  }
0x62: {  	_ =	shalt  }
0x63: {  	_ =	shalt  }
0x64: {  	_ =	shalt  }
0x65: {  	_ =	shalt  }
0x66: {  	_ =	shalt  }
0x67: {  	_ =	shalt  }
0x68: {  	_ =	shalt  }
0x69: {  	_ =	shalt  }
0x6a: {  	_ =	shalt  }
0x6b: {  	_ =	shalt  }
0x6c: {  	_ =	shalt  }
0x6d: {  	_ =	shalt  }
0x6e: {  	_ =	shalt  }
0x6f: {  	_ =	shalt  }
0x70: {  	_ =	shalt  }
0x71: {  	_ =	shalt  }
0x72: {  	_ =	shalt  }
0x73: {  	_ =	shalt  }
0x74: {  	_ =	shalt  }
0x75: {  	_ =	shalt  }
0x76: {  	_ =	shalt  }
0x77: {  	_ =	shalt  }
0x78: {  	_ =	shalt  }
0x79: {  	_ =	shalt  }
0x7a: {  	_ =	shalt  }
0x7b: {  	_ =	shalt  }
0x7c: {  	_ =	shalt  }
0x7d: {  	_ =	shalt  }
0x7e: {  	_ =	shalt  }
0x7f: {  	_ =	shalt  }
0x80: {  	_ =	shalt  }
0x81: {  	_ =	shalt  }
0x82: {  	_ =	shalt  }
0x83: {  	_ =	shalt  }
0x84: {  	_ =	shalt  }
0x85: {  	_ =	shalt  }
0x86: {  	_ =	shalt  }
0x87: {  	_ =	shalt  }
.Lfunc_end0:
.L_simem_size_0:
called_computation_lowered:
.L_overlay_start_0:
0x88: {  	s2 =	sld [smem:$0x3FD9]  }
0x89: {  	s3 =	sld [smem:$0x3FFE];
	_ =	sdelay $0x1  }
0x8a: {  	s1 =	srdreg.scid  }
0x8b: {  	s0 =	sand.u32 $0x1, s1  }
0x8c: {  	s18 =	sshll.u32 s0, $0xA;
	s2 =	sadd.s32 s3, s2  }
0x8d: {  	s2 =	sadd.s32 s2, s18  }
0x8e: {  	[smem:$0x3FC4] =	sst s2  }
0x8f: {  	_ = 	snop  }
0x90: {  	s2 =	sld [smem:$0x3FC9]  }
0x91: {  	s19 =	sld [smem:$0x3FC8]  }
0x92: {  	s4 =	sld [smem:$0x3FC7]  }
0x93: {  	s5 =	sld [smem:$0x3FC6]  }
0x94: {  	s6 =	sld [smem:$0x3FD0];
	(tm) =	ssettm $0x1  }
0x95: {  	s7 =	sld [smem:$0x3FFB];
	_ =	sdelay $0x3  }
0x96: {  	_ =	strace s7  }
0x97: {  	s7 =	sld [smem:$0x3FFC];
	_ =	sdelay $0x3  }
0x98: {  	_ =	strace s7  }
0x99: {  	s7 =	sld [smem:$0x3FFD];
	_ =	sdelay $0x3  }
0x9a: {  	_ =	strace s7  }
0x9b: {  	_ =	strace $0x8FFFFFFF  }
0x9c: {  	s20 =	sld [smem:$0x3FDB];
	_ =	sdelay $0x1  }
0x9d: {  	s8 =	simm.s32 $_scs_section_size  }
0x9e: {  	s9 =	simm.s32 $_size__tile_overlayer_lowered;
	s10 =	simm.s32 $_tile_overlayer_lowered  }
0x9f: {  	s23 =	simm.s32 $0x1BFF;
	s22 =	sshll.u32 s10, $0x1;
	s7 =	sadd.s32 s8, s20  }
0xa0: {  	s11 =	simm.s32 $0x0;
	s21 =	sshll.u32 s9, $0x1;
	s9 =	sadd.s32 s22, s7  }
0xa1: {  	[timem:s11], [sflag:s23] =	dma.local [hbm:s9], s21  }
0xa2: {  	_ =	swait.ge [sflag:s23], s21  }
0xa3: {  	s8 =	ssub.s32 $0x0, s21;
	[sflag:s23] =	ssyncset.done $0x0  }
0xa4: {  	[sflag:s23] =	ssyncadd.s32 s8;
	_ =	sdelay $0x1  }
0xa5: {  	s24 =	simm.s32 $0x1B8B  }
0xa6: {  	_ =	swait.ge [sflag:s24], $0x1  }
0xa7: {  	[sflag:s24] =	ssyncset.done $0x0  }
0xa8: {  	s25 =	simm.s32 $0x1B8E;
	[sflag:s24] =	ssyncadd.s32 $0xFFFFFFFF  }
0xa9: {  	s26 =	simm.s32 $execute0_lowered;
	[smem:$0x3FD2] =	sst s25  }
0xaa: {  	s8 =	sshll.u32 s26, $0x1;
	_ =	strace $0x80000046;
	[dreg:$0x1] =	wrdreg $0xFFFFFFFF  }
0xab: {  	s28 =	simm.s32 $_size_execute0_lowered;
	s7 =	sadd.s32 s7, s8;
	[dreg:$0x0] =	wrdreg $0x0  }
0xac: {  	s8 =	sshll.u32 s28, $0x1;
	[dreg:$0x2] =	wrdreg s7  }
0xad: {  	[dreg:$0x3] =	wrdreg s8  }
0xae: {  	[dreg:$0x4] =	wrdreg $0xC0  }
0xaf: {  	_ =	task [dreg:s11], $0x5FFFF  }
0xb0: {  	[dreg:$0x1] =	wrdreg $0xFFFFFFFF  }
0xb1: {  	[dreg:$0x0] =	wrdreg $0x60  }
0xb2: {  	[dreg:$0x2] =	wrdreg s2  }
0xb3: {  	[dreg:$0x3] =	wrdreg s19  }
0xb4: {  	[dreg:$0x4] =	wrdreg s4  }
0xb5: {  	[dreg:$0x5] =	wrdreg s5  }
0xb6: {  	[dreg:$0x6] =	wrdreg s6  }
0xb7: {  	[dreg:$0x7] =	wrdreg $0x9  }
0xb8: {  	_ =	task.clear_ibuf [dreg:s11], $0x8FFFF;
	_ =	strace $0x90000046  }
0xb9: {  	s29 =	simm.s32 $0x9;
	_ =	strace $0x80000048  }
0xba: {  	_ =	swait.ge [sflag:s29], $0x1  }
0xbb: {  	[sflag:s29] =	ssyncadd.s32 $0xFFFFFFFF  }
0xbc: {  	_ =	strace $0x90000048  }
0xbd: {  	_ =	sfence  }
0xbe: {  	s30 =	sld [smem:$0x0];
	_ =	sdelay $0x2  }
0xbf: {  	s31 =	sshll.u32 s1, $0xD;
	s1 =	sshrl.u32 s1, $0x2  }
0xc0: {  	s3 =	sand.u32 $0x4000, s31;
	s1 =	sadd.s32 s1, s30  }
0xc1: {  	s0 =	sor.u32 s3, s0;
	s1 =	sshll.u32 s1, $0x11  }
0xc2: {  	s0 =	sor.u32 s1, s0  }
0xc3: {  	s0 =	sadd.s32 $0x8F2B, s0  }
0xc4: {  	[sflag:s0] =	ssyncadd.remote.s32 $0x1  }
0xc5: {  	_ =	sfence.sel $0xFFFF  }
0xc6: {  	[dreg:$0x0] =	wrdreg $0xFFFFFFFF;
	(pc) =	sbr.abs _section_cstart, $3  }
0xc7: {  	[dreg:$0x1] =	wrdreg $0xFFFFFFFF  }
0xc8: {  	_ =	task.clear_ibuf [dreg:s11], $0x2FFFF;
	_ =	strace $0x9FFFFFFF  }
0xc9: {  	(tm) =	ssettm $0x7FFFFFFF  }
tec
execute0_lowered:
.L_overlay_start_1:
0x0: {  	(tag) =	ssettag $0x1  }
0x1: {  	s1 =	rddreg [dreg:$0x0]  }
0x2: {  	s2 =	rddreg [dreg:$0x1]  }
0x3: {  	s0 =	rddreg [dreg:$0x4]  }
0x4: {  	s3 =	srdreg.scid;
	s4 =	stileid.u32;
	s6 =	simm.s32 $0x0  }
0x5: {  	s7 =	simm.s32 $0x62;
	s19 =	simm.s32 $0x18700;
	s20 =	simm.s32 $0x4  }
0x6: {  	s21 =	simm.s32 $0x19F80;
	s28 =	simm.s32 $0x1D800;
	s29 =	simm.s32 $0x1  }
0x7: {  	s30 =	simm.s32 $0x2;
	s31 =	simm.s32 $0x3;
	s3 =	sand.u32 $0x1, s3  }
0x8: {  	s4 =	sshll.u32 s4, $0x1;
	[smem:$0x7FF] =	sst s6;
	s5 =	ssub.s32 $0x2, s3  }
0x9: {  	s3 =	sor.u32 s3, s4;
	_ =	strace $0x80000047;
	s22 =	sshrl.u32 s5, $0x1  }
0xa: {  	s8 =	smul.u32 $0x61, s3;
	p0 =	slt.u32 s3, $0x15;
	s9 =	smin.u32 s3, $0x15  }
0xb: {  	s3 =	smul.u32 $0x3100, s3;
	s4 =	ssub.s32 s5, s22;
	s7 =	simm.s32 @!p0 $0x61  }
0xc: {  	s8 =	sadd.s32 s9, s8;
	s15 =	sadd.s32 $0xFFFFFFFF, s7;
	s16 =	sadd.s32 $0xFFFFFFFE, s7  }
0xd: {  	s17 =	sadd.s32 s0, s3;
	s18 =	smax.u32 s4, $0x1;
	s0 =	simm.s32 $0x0  }
0xe: {  	s23 =	sshll.u32 s8, $0x8;
	s10 =	sshll.u32 s8, $0x9;
	s11 =	sshll.u32 s8, $0xB  }
.Ltmp0:
0xf: {  	s9 =	sadd.s32 s1, s23;
	s24 =	sadd.s32 $0x800, s11;
	(pc) =	sbr.rel .LBB2_1-.Ltmp0, $4  }
0x10: {  	s10 =	sadd.s32 s2, s10;
	s14 =	sadd.s32 $0x1000, s11;
	s12 =	sshrl.u32 s24, $0x3  }
0x11: {  	s5 =	sshrl.u32 s24, $0x2;
	s25 =	sshrl.u32 s14, $0x3;
	s26 =	sshrl.u32 s14, $0x2  }
0x12: {  	s11 =	sadd.s32 s1, s12;
	s12 =	sadd.s32 s2, s5;
	s13 =	sadd.s32 s1, s25  }
0x13: {  	v0 =	vimm.f32 $0.0e+00;
	s14 =	sadd.s32 s2, s26;
	s25 =	simm.s32 $0x1C800;
	s26 =	simm.s32 $0x1B000  }
.LBB2_17:
0x14: {  	s0 =	sadd.s32 $0x1, s0  }
0x15: {  	p0 =	sne.s32 s0, s18  }
.Ltmp1:
0x16: {  	_ = 	snop;
	(pc) =	sbr.rel @!p0 .LBB2_18-.Ltmp1, $4  }
0x17: {  	[hbm4b:s17+s6] =	stream.linear.scatter [tilespmem:s6], [sflag:$0x4], $0x186A0, $0x38;
	[tilespmem:$0x1E800] =	vst v63  }
0x18: {  	_ =	swait.ge [sflag:s20], $0x186A0  }
0x19: {  	[sflag:s20] =	ssyncset.done $0x0  }
0x1a: {  	[sflag:s20] =	ssyncadd.s32 $0xFFFE7960  }
.LBB2_1:
0x1b: {  	s3 =	rddreg [dreg:$0x2]  }
0x1c: {  	[tilespmem:s19], [sflag:$0x4] =	stream.linear.gather [hbm4b:s3+s6], $0x1880, $0x38;
	[tilespmem:$0x1E800] =	vst v63  }
0x1d: {  	_ =	swait.ge [sflag:s20], $0x1880  }
0x1e: {  	[sflag:s20] =	ssyncset.done $0x0  }
0x1f: {  	[sflag:s20] =	ssyncadd.s32 $0xFFFFE780  }
0x20: {  	s24 =	rddreg [dreg:$0x3]  }
0x21: {  	[tilespmem:s21], [sflag:$0x4] =	stream.linear.gather [hbm4b:s24+s6], $0x80, $0x38;
	[tilespmem:$0x1E800] =	vst v63  }
0x22: {  	_ =	swait.ge [sflag:s20], $0x80  }
0x23: {  	[sflag:s20] =	ssyncset.done $0x0  }
0x24: {  	s3 =	simm.s32 $0x50;
	[sflag:s20] =	ssyncadd.s32 $0xFFFFFF80  }
0x25: {  	[tilespmem:s3+$0xFFFFFFC0] =	vst v0  }
0x26: {  	[tilespmem:s3+$0xFFFFFFD0] =	vst v0  }
0x27: {  	[tilespmem:s3+$0xFFFFFFE0] =	vst v0  }
0x28: {  	[tilespmem:s3+$0xFFFFFFF0] =	vst v0  }
0x29: {  	[tilespmem:s3+$0x0] =	vst v0  }
0x2a: {  	[tilespmem:s3+$0x10] =	vst v0  }
0x2b: {  	[tilespmem:s3+$0x20] =	vst v0  }
0x2c: {  	s5 =	sand.u32 $0x3FFE0, s6;
	s4 =	simm.s32 $0xA0;
	[tilespmem:s3+$0xFFFFFFB0] =	vst v0  }
.LBB2_2:
0x2d: {  	p0 =	sne.s32 s4, $0x18600;
	[tilespmem:s5+$0x80] =	vst v0  }
0x2e: {  	[tilespmem:s3+$0x40] =	vst v0;
	s3 =	sadd.s32 $0xA0, s3  }
0x2f: {  	[tilespmem:s3+$0xFFFFFFC0] =	vst v0  }
0x30: {  	[tilespmem:s3+$0xFFFFFFD0] =	vst v0  }
0x31: {  	[tilespmem:s3+$0xFFFFFFE0] =	vst v0  }
.Ltmp2:
0x32: {  	[tilespmem:s3+$0xFFFFFFF0] =	vst v0;
	(pc) =	sbr.rel @p0 .LBB2_2-.Ltmp2, $4  }
0x33: {  	[tilespmem:s3+$0x0] =	vst v0  }
0x34: {  	[tilespmem:s3+$0x10] =	vst v0  }
0x35: {  	[tilespmem:s3+$0x20] =	vst v0  }
0x36: {  	s5 =	sand.u32 $0x3FFE0, s4;
	s4 =	sadd.s32 $0xA0, s4;
	[tilespmem:s3+$0xFFFFFFB0] =	vst v0  }
0x37: {  	[tilespmem:s5+$0x80] =	vst v0  }
0x38: {  	s4 =	simm.s32 $0x0;
	s22 =	simm.s32 $0x1A000;
	[tilespmem:s3+$0x40] =	vst v0  }
0x39: {  	[tilespmem:s22], [sflag:$0x1] =	stream.linear.gather [hbm4b:s9+s4], $0x800, $0x38;
	[tilespmem:$0x1E800] =	vst v63  }
0x3a: {  	s23 =	simm.s32 $0x1B800  }
0x3b: {  	[tilespmem:s23], [sflag:$0x1] =	stream.linear.gather [hbm4b:s10+s4], $0x1000, $0x38;
	[tilespmem:$0x1E800] =	vst v63  }
0x3c: {  	s24 =	simm.s32 $0x1A800  }
0x3d: {  	[tilespmem:s24], [sflag:$0x2] =	stream.linear.gather [hbm4b:s11+s4], $0x800, $0x38;
	[tilespmem:$0x1E800] =	vst v63  }
0x3e: {  	_ = 	snop  }
0x3f: {  	[tilespmem:s25], [sflag:$0x2] =	stream.linear.gather [hbm4b:s12+s4], $0x1000, $0x38;
	[tilespmem:$0x1E800] =	vst v63  }
.Ltmp3:
0x40: {  	_ = 	snop;
	(pc) =	sbr.rel .LBB2_4-.Ltmp3, $4  }
0x41: {  	_ = 	snop  }
0x42: {  	[tilespmem:s26], [sflag:$0x3] =	stream.linear.gather [hbm4b:s13+s4], $0x800, $0x38;
	[tilespmem:$0x1E800] =	vst v63  }
0x43: {  	_ = 	snop  }
0x44: {  	[tilespmem:s28], [sflag:$0x3] =	stream.linear.gather [hbm4b:s14+s4], $0x1000, $0x38;
	[tilespmem:$0x1E800] =	vst v63  }
.LBB2_16:
0x45: {  	s3 =	sadd.s32 $0x5, s3  }
0x46: {  	p0 =	sge.u32 s3, s7  }
0x47: {  	s3 =	sadd.s32 @!p0 s8, s3  }
0x48: {  	s5 =	sshll.u32 @!p0 s3, $0x8  }
0x49: {  	s22 =	simm.s32 @!p0 $0x0;
	s3 =	sshll.u32 @!p0 s3, $0x9;
	s5 =	sand.u32 @!p0 $0x1FFFFF00, s5  }
0x4a: {  	s23 =	simm.s32 @!p0 $0x1B000;
	s3 =	sand.u32 @!p0 $0x1FFFFE00, s3;
	s5 =	sadd.s32 @!p0 s1, s5  }
0x4b: {  	[tilespmem:s23], [sflag:$0x3] =	stream.linear.gather @!p0 [hbm4b:s5+s22], $0x800, $0x38;
	[tilespmem:$0x1E800] =	vst v63  }
0x4c: {  	s4 =	sadd.s32 $0x1, s4;
	s3 =	sadd.s32 @!p0 s2, s3;
	s5 =	simm.s32 @!p0 $0x1D800  }
0x4d: {  	[tilespmem:s5], [sflag:$0x3] =	stream.linear.gather @!p0 [hbm4b:s3+s22], $0x1000, $0x38;
	[tilespmem:$0x1E800] =	vst v63  }
0x4e: {  	p0 =	sne.s32 s4, $0x21  }
.Ltmp4:
0x4f: {  	_ = 	snop;
	(pc) =	sbr.rel @!p0 .LBB2_17-.Ltmp4, $1  }
0x50: {  	_ =	sdelay $0x3  }
.LBB2_4:
0x51: {  	s3 =	smul.u32 $0x3, s4;
	_ =	sdelay $0x1  }
0x52: {  	p0 =	sge.u32 s3, s7  }
.Ltmp5:
0x53: {  	_ = 	snop;
	(pc) =	sbr.rel @p0 .LBB2_8-.Ltmp5, $1  }
0x54: {  	_ =	sdelay $0x3  }
0x55: {  	_ =	swait.ge [sflag:s29], $0x800  }
0x56: {  	[sflag:s29] =	ssyncset.done $0x0  }
0x57: {  	[sflag:s29] =	ssyncadd.s32 $0xFFFFF800  }
0x58: {  	_ =	swait.ge [sflag:s29], $0x1000  }
0x59: {  	[sflag:s29] =	ssyncset.done $0x0  }
0x5a: {  	s22 =	simm.s32 $0x1A040;
	[sflag:s29] =	ssyncadd.s32 $0xFFFFF000  }
0x5b: {  	s5 =	simm.s32 $0x1B880;
	v7 =	vld [tilespmem:s22+$0x30]  }
0x5c: {  	v9 =	vld [tilespmem:s5+$0xFFFFFFF0]  }
0x5d: {  	v1 =	vld [tilespmem:s5+$0x70]  }
0x5e: {  	v8 =	vld [tilespmem:s22+$0xFFFFFFD0]  }
0x5f: {  	v16 =	vld [tilespmem:s22+$0xFFFFFFE0]  }
0x60: {  	v5 =	vld [tilespmem:s22+$0xFFFFFFF0]  }
0x61: {  	v4 =	vld [tilespmem:s22+$0x0]  }
0x62: {  	v2 =	vld [tilespmem:s22+$0x10]  }
0x63: {  	v3 =	vld [tilespmem:s22+$0x20]  }
0x64: {  	v6 =	vld [tilespmem:s22+$0xFFFFFFC0]  }
0x65: {  	v0 =	vld [tilespmem:s5+$0xFFFFFFE0]  }
0x66: {  	v38 =	vld [tilespmem:s5+$0x30];
	v10 =	vsub.s32 $0x7EF311C3, v7;
	v11 =	vshra.s32 v9, $0x4  }
0x67: {  	v41 =	vld [tilespmem:s5+$0x40];
	v13 =	vshra.s32 v1, $0x4;
	v14 =	vsub.s32 $0x7EF311C3, v8;
	vm3 =	vlt.f32 v8, $4.000000000e+00  }
0x68: {  	v15 =	vsub.s32 $0x7EF311C3, v16;
	vm2 =	vlt.f32 v16, $4.000000000e+00;
	v19 =	vsub.s32 $0x7EF311C3, v5  }
0x69: {  	v20 =	vsub.s32 $0x7EF311C3, v4;
	v23 =	vsub.s32 $0x7EF311C3, v2;
	v25 =	vsub.s32 $0x7EF311C3, v3  }
0x6a: {  	v26 =	vsub.s32 $0x7EF311C3, v6;
	v30 =	vshll.u32 v9, $0x1;
	v1 =	vshll.u32 v1, $0x1  }
0x6b: {  	vm0 =	vlt.f32 v7, $4.000000000e+00;
	v42 =	vshra.s32 v0, $0x4;
	v46 =	vshra.s32 v38, $0x4  }
0x6c: {  	v47 =	vshra.s32 v41, $0x4;
	v59 =	vshll.u32 v0, $0x1;
	v38 =	vshll.u32 v38, $0x1  }
0x6d: {  	v41 =	vshll.u32 v41, $0x1;
	vm5 =	vlt.f32 v5, $4.000000000e+00;
	v12 =	vmul.f32 v10, v7  }
0x6e: {  	vm6 =	vlt.f32 v4, $4.000000000e+00;
	v17 =	vmul.f32 v14, v8;
	v18 =	vmul.f32 v15, v16  }
0x6f: {  	vm4 =	vlt.f32 v3, $4.000000000e+00;
	v22 =	vmul.f32 v20, v4;
	v24 =	vmul.f32 v23, v2  }
0x70: {  	v27 =	vmul.f32 v25, v3;
	v28 =	vmul.f32 v26, v6;
	v12 =	vsub.f32 $2.000000000e+00, v12  }
0x71: {  	v30 =	vand.u32 $0x1E, v30;
	v17 =	vsub.f32 $2.000000000e+00, v17;
	v18 =	vsub.f32 $2.000000000e+00, v18  }
0x72: {  	v1 =	vand.u32 $0x1E, v1;
	v28 =	vsub.f32 $2.000000000e+00, v28;
	v22 =	vsub.f32 $2.000000000e+00, v22  }
0x73: {  	v24 =	vsub.f32 $2.000000000e+00, v24;
	v10 =	vmul.f32 v10, v12;
	v12 =	vmul.f32 v19, v5  }
0x74: {  	v27 =	vsub.f32 $2.000000000e+00, v27;
	v21 =	vld.idx.msk [tilespmem:v11+s19+$0x0], $0xffff;
	v26 =	vmul.f32 v26, v28;
	v17 =	vmul.f32 v14, v17  }
0x75: {  	v59 =	vand.u32 $0x1E, v59;
	v13 =	vld.idx.msk [tilespmem:v13+s19+$0x0], $0xffff;
	v18 =	vmul.f32 v15, v18;
	v20 =	vmul.f32 v20, v22  }
0x76: {  	v38 =	vand.u32 $0x1E, v38;
	v14 =	vld [tilespmem:s5+$0xFFFFFFC0];
	v23 =	vmul.f32 v23, v24;
	v24 =	vmul.f32 v25, v27  }
0x77: {  	v41 =	vand.u32 $0x1E, v41;
	v15 =	vld [tilespmem:s5+$0xFFFFFFD0];
	v11 =	vmul.f32 v10, v7;
	v8 =	vmul.f32 v17, v8  }
0x78: {  	v31 =	vsub.f32 $2.000000000e+00, v12;
	v16 =	vmul.f32 v18, v16;
	v39 =	vmul.f32 v24, v3  }
0x79: {  	v36 =	vmul.f32 v20, v4;
	v29 =	vsub.f32 $2.000000000e+00, v11;
	v8 =	vsub.f32 $2.000000000e+00, v8  }
0x7a: {  	v12 =	vld [tilespmem:s5+$0xFFFFFF90];
	v19 =	vmul.f32 v19, v31;
	v40 =	vsub.f32 $2.000000000e+00, v16;
	v7 =	vsub.f32 $2.000000000e+00, v39  }
0x7b: {  	v21 =	vshra.s32 v21, v30;
	v1 =	vshra.s32 v13, v1;
	v35 =	vshra.s32 v14, $0x4  }
0x7c: {  	v11 =	vld [tilespmem:s5+$0xFFFFFF80];
	v56 =	vshll.u32 v14, $0x1;
	v58 =	vshll.u32 v15, $0x1;
	v29 =	vmul.f32 v29, v10  }
0x7d: {  	v31 =	vld [tilespmem:s5+$0x10];
	v13 =	vshll.u32 v21, $0x2;
	v1 =	vand.u32 $0x3, v1;
	v40 =	vmul.f32 v40, v18  }
0x7e: {  	v39 =	vld [tilespmem:s5+$0x60];
	v7 =	vmul.f32 v7, v24;
	v56 =	vand.u32 $0x1E, v56;
	v58 =	vand.u32 $0x1E, v58  }
0x7f: {  	v13 =	vand.u32 $0xC, v13;
	v33 =	vshra.s32 v12, $0x4;
	v18 =	vshll.u32 v12, $0x1  }
0x80: {  	v21 =	vmul.f32 v29, v29;
	v30 =	vor.u32 v1, v13;
	v29 =	vmul.f32 $2.929687500e-03, v29  }
0x81: {  	v52 =	vmul.f32 v40, v40;
	v57 =	vmul.f32 v7, v7;
	v61 =	vand.u32 $0x1E, v18  }
0x82: {  	v10 =	vld [tilespmem:s5+$0xFFFFFFA0];
	v40 =	vmul.f32 $2.929687500e-03, v40;
	v7 =	vmul.f32 $2.929687500e-03, v7;
	v32 =	vshra.s32 v11, $0x4  }
0x83: {  	v13 =	vld [tilespmem:s5+$0xFFFFFFB0];
	v44 =	vshra.s32 v31, $0x4;
	v49 =	vshra.s32 v39, $0x4;
	v31 =	vshll.u32 v31, $0x1  }
0x84: {  	v39 =	vshll.u32 v39, $0x1;
	v28 =	vmul.f32 v21, v21;
	v21 =	vmul.f32 $6.835937500e-03, v21  }
0x85: {  	v22 =	vadd.f32 $-3.204345700e-04, v29;
	v29 =	vmul.f32 v26, v6;
	v31 =	vand.u32 $0x1E, v31  }
0x86: {  	v39 =	vand.u32 $0x1E, v39;
	v40 =	vadd.f32 $-3.204345700e-04, v40;
	v1 =	vmul.f32 v28, v28  }
0x87: {  	v34 =	vshra.s32 v10, $0x4;
	v24 =	vshll.u32 v10, $0x1;
	v29 =	vsub.f32 $2.000000000e+00, v29;
	v33 =	vld.idx.msk [tilespmem:v33+s19+$0x0], $0xffff  }
0x88: {  	v62 =	vand.u32 $0x1E, v24;
	v25 =	vld.idx.msk [tilespmem:v30+s21+$0x0], $0xffff;
	v27 =	vshra.s32 v13, $0x4;
	v21 =	vsub.f32 v1, v21  }
0x89: {  	v30 =	vld [tilespmem:s5+$0x0];
	v55 =	vshll.u32 v13, $0x1;
	v26 =	vmul.f32 v29, v26;
	v29 =	vmul.f32 v8, v17  }
0x8a: {  	v17 =	vshll.u32 v11, $0x1;
	v21 =	vadd.f32 v21, v22;
	v22 =	vmul.f32 v19, v5  }
0x8b: {  	v55 =	vand.u32 $0x1E, v55;
	v50 =	vmul.f32 v26, v26;
	v51 =	vmul.f32 v29, v29  }
0x8c: {  	v60 =	vand.u32 $0x1E, v17;
	v26 =	vmul.f32 $2.929687500e-03, v26;
	v29 =	vmul.f32 $2.929687500e-03, v29  }
0x8d: {  	v5 =	vadd.f32 $-3.204345700e-04, v7;
	v33 =	vshra.s32 v33, v61;
	v21 =	vmul.f32 v21, v28  }
0x8e: {  	v34 =	vld.idx.msk [tilespmem:v34+s19+$0x0], $0xffff;
	v28 =	vmul.f32 v23, v2;
	v22 =	vsub.f32 $2.000000000e+00, v22;
	v43 =	vshra.s32 v30, $0x4  }
0x8f: {  	v37 =	vld [tilespmem:s5+$0x20];
	v8 =	vmul.f32 v50, v50;
	v17 =	vmul.f32 v51, v51;
	v30 =	vshll.u32 v30, $0x1  }
0x90: {  	v33 =	vshll.u32 v33, $0x2;
	v26 =	vadd.f32 $-3.204345700e-04, v26;
	v29 =	vadd.f32 $-3.204345700e-04, v29  }
0x91: {  	v30 =	vand.u32 $0x1E, v30;
	v33 =	vand.u32 $0xC, v33;
	v16 =	vmul.f32 v21, v25  }
0x92: {  	v21 =	vsub.f32 $2.000000000e+00, v36;
	v25 =	vsub.f32 $2.000000000e+00, v28;
	v28 =	vld [tilespmem:s5+$0x50];
	v36 =	vshra.s32 v15, $0x4  }
0x93: {  	v22 =	vmul.f32 v22, v19;
	v19 =	vld.idx.msk [tilespmem:v32+s19+$0x0], $0xffff;
	[tilespmem:$0x1FFD0] =	vst v0;
	v34 =	vshra.s32 v34, v62;
	v16 =	vnsel vm0, $0x0, v16  }
0x94: {  	v27 =	vld.idx.msk [tilespmem:v27+s19+$0x0], $0xffff;
	v45 =	vmul.f32 v21, v20;
	v20 =	vmul.f32 v25, v23;
	v25 =	vshra.s32 v37, $0x4  }
0x95: {  	v35 =	vld.idx.msk [tilespmem:v35+s19+$0x0], $0xffff;
	v32 =	vmul.f32 v22, v22;
	v21 =	vmul.f32 v52, v52;
	v37 =	vshll.u32 v37, $0x1  }
0x96: {  	v42 =	vld.idx.msk [tilespmem:v42+s19+$0x0], $0xffff;
	v34 =	vshll.u32 v34, $0x2;
	vm0 =	vlt.f32 v6, $4.000000000e+00;
	v53 =	vmul.f32 v45, v45  }
0x97: {  	v44 =	vld.idx.msk [tilespmem:v44+s19+$0x0], $0xffff;
	v37 =	vand.u32 $0x1E, v37;
	v54 =	vmul.f32 v20, v20;
	v18 =	vmul.f32 v32, v32  }
0x98: {  	v47 =	vld.idx.msk [tilespmem:v47+s19+$0x0], $0xffff;
	v34 =	vand.u32 $0xC, v34;
	v45 =	vmul.f32 $2.929687500e-03, v45;
	v20 =	vmul.f32 $2.929687500e-03, v20  }
0x99: {  	v49 =	vld.idx.msk [tilespmem:v49+s19+$0x0], $0xffff;
	v48 =	vshra.s32 v28, $0x4;
	v60 =	vshra.s32 v19, v60;
	v19 =	vmul.f32 v57, v57  }
0x9a: {  	v28 =	vshll.u32 v28, $0x1;
	v23 =	vmul.f32 v53, v53;
	v24 =	vmul.f32 v54, v54  }
0x9b: {  	v27 =	vshra.s32 v27, v55;
	v35 =	vshra.s32 v35, v56;
	v42 =	vshra.s32 v42, v59  }
0x9c: {  	v28 =	vand.u32 $0x1E, v28;
	v55 =	vshll.u32 v60, $0x2;
	v56 =	vmul.f32 v8, v8  }
0x9d: {  	v59 =	vmul.f32 v21, v21;
	v31 =	vshra.s32 v44, v31;
	v62 =	vshra.s32 v47, v41  }
0x9e: {  	v43 =	vld.idx.msk [tilespmem:v43+s19+$0x0], $0xffff;
	v41 =	vmul.f32 $6.835937500e-03, v50;
	v39 =	vshra.s32 v49, v39;
	v47 =	vmul.f32 $6.835937500e-03, v52  }
0x9f: {  	v49 =	vmul.f32 $6.835937500e-03, v53;
	v54 =	vmul.f32 $6.835937500e-03, v54;
	v6 =	vadd.f32 $-3.204345700e-04, v45  }
0xa0: {  	v20 =	vadd.f32 $-3.204345700e-04, v20;
	v27 =	vshll.u32 v27, $0x2;
	v35 =	vshll.u32 v35, $0x2  }
0xa1: {  	v36 =	vld.idx.msk [tilespmem:v36+s19+$0x0], $0xffff;
	v42 =	vshll.u32 v42, $0x2;
	v44 =	vmul.f32 v19, v19;
	v63 =	vand.u32 $0xC, v55  }
0xa2: {  	v46 =	vld.idx.msk [tilespmem:v46+s19+$0x0], $0xffff;
	v55 =	vmul.f32 $6.835937500e-03, v57;
	v31 =	vand.u32 $0x3, v31;
	v57 =	vand.u32 $0x3, v62  }
0xa3: {  	v25 =	vld.idx.msk [tilespmem:v25+s19+$0x0], $0xffff;
	v62 =	vand.u32 $0x3, v39;
	v61 =	vmul.f32 v23, v23;
	v30 =	vshra.s32 v43, v30  }
0xa4: {  	v43 =	vmul.f32 v24, v24;
	v35 =	vand.u32 $0xC, v35;
	v31 =	vor.u32 v31, v33  }
0xa5: {  	v27 =	vand.u32 $0xC, v27;
	v42 =	vand.u32 $0xC, v42;
	v33 =	vor.u32 v57, v35  }
0xa6: {  	s24 =	simm.s32 $0x1A0C0;
	v30 =	vand.u32 $0x3, v30;
	v36 =	vshra.s32 v36, v58;
	v58 =	vmul.f32 v17, v17  }
0xa7: {  	v35 =	vld [tilespmem:s24+$0x30];
	v30 =	vor.u32 v30, v63;
	v63 =	vsub.f32 v56, v41;
	v50 =	vsub.f32 v43, v54  }
0xa8: {  	v48 =	vld.idx.msk [tilespmem:v48+s19+$0x0], $0xffff;
	v25 =	vshra.s32 v25, v37;
	v37 =	vshra.s32 v46, v38;
	v46 =	vmul.f32 $6.835937500e-03, v51  }
0xa9: {  	v51 =	vsub.f32 v44, v55;
	v7 =	vadd.f32 v63, v26;
	v25 =	vand.u32 $0x3, v25;
	v31 =	vld.idx.msk [tilespmem:v31+s21+$0x0], $0xffff  }
0xaa: {  	v49 =	vsub.f32 v61, v49;
	v37 =	vand.u32 $0x3, v37;
	v25 =	vor.u32 v25, v34;
	v33 =	vld.idx.msk [tilespmem:v33+s21+$0x0], $0xffff  }
0xab: {  	v7 =	vmul.f32 v7, v8;
	v8 =	vadd.f32 v50, v20;
	v5 =	vadd.f32 v51, v5;
	v20 =	vld [tilespmem:s24+$0x20]  }
0xac: {  	v36 =	vshll.u32 v36, $0x2;
	v27 =	vor.u32 v37, v27;
	v46 =	vsub.f32 v58, v46;
	v30 =	vld.idx.msk [tilespmem:v30+s21+$0x0], $0xffff  }
0xad: {  	v34 =	vor.u32 v62, v42;
	v28 =	vshra.s32 v48, v28;
	v3 =	vmul.f32 v5, v19;
	v19 =	vld [tilespmem:s24+$0xFFFFFFE0]  }
0xae: {  	v36 =	vand.u32 $0xC, v36;
	v28 =	vand.u32 $0x3, v28;
	v4 =	vadd.f32 v46, v29;
	v29 =	vld [tilespmem:s24+$0x0]  }
0xaf: {  	v22 =	vmul.f32 $2.929687500e-03, v22;
	v48 =	vsub.f32 v59, v47;
	v28 =	vor.u32 v28, v36;
	v36 =	vld [tilespmem:s24+$0xFFFFFFD0]  }
0xb0: {  	v32 =	vmul.f32 $6.835937500e-03, v32;
	v60 =	vmul.f32 v18, v18;
	v6 =	vadd.f32 v49, v6;
	v25 =	vld.idx.msk [tilespmem:v25+s21+$0x0], $0xffff  }
0xb1: {  	vm7 =	vlt.f32 v2, $4.000000000e+00;
	v22 =	vadd.f32 $-3.204345700e-04, v22;
	v26 =	vadd.f32 v48, v40;
	v27 =	vld.idx.msk [tilespmem:v27+s21+$0x0], $0xffff  }
0xb2: {  	s5 =	simm.s32 $0x1B980;
	v32 =	vsub.f32 v60, v32;
	v6 =	vmul.f32 v6, v23;
	v2 =	vmul.f32 v8, v24;
	v34 =	vld.idx.msk [tilespmem:v34+s21+$0x0], $0xffff  }
0xb3: {  	vm8 =	vlt.f32 v35, $4.000000000e+00;
	v4 =	vmul.f32 v4, v17;
	v17 =	vmul.f32 v26, v21;
	v21 =	vld [tilespmem:s5+$0x70]  }
0xb4: {  	v26 =	vmul.f32 v6, v33;
	v41 =	vsub.s32 $0x7EF311C3, v20;
	v7 =	vmul.f32 v7, v30;
	v30 =	vld [tilespmem:s24+$0xFFFFFFF0]  }
0xb5: {  	v23 =	vmul.f32 v4, v31;
	vm1 =	vlt.f32 v19, $4.000000000e+00;
	v52 =	vld.idx.msk [tilespmem:v28+s21+$0x0], $0xffff;
	v28 =	vadd.f32 v32, v22  }
0xb6: {  	v37 =	vsub.s32 $0x7EF311C3, v29;
	v31 =	vnsel vm0, $0x0, v7;
	v6 =	vsub.s32 $0x7EF311C3, v36  }
0xb7: {  	v22 =	vld [tilespmem:s5+$0xFFFFFFF0];
	vm0 =	vlt.f32 v36, $4.000000000e+00;
	v7 =	vmul.f32 v6, v36;
	v18 =	vmul.f32 v28, v18  }
0xb8: {  	v32 =	vld [tilespmem:s24+$0xFFFFFFC0];
	v28 =	vmul.f32 v17, v25;
	v17 =	vmul.f32 v3, v34;
	v5 =	vshra.s32 v21, $0x4  }
0xb9: {  	v21 =	vshll.u32 v21, $0x1;
	v33 =	vsub.s32 $0x7EF311C3, v30;
	v54 =	vsub.f32 $2.000000000e+00, v7  }
0xba: {  	v25 =	vld [tilespmem:s24+$0x10];
	v7 =	vmul.f32 v37, v29;
	v21 =	vand.u32 $0x1E, v21;
	v27 =	vmul.f32 v18, v27  }
0xbb: {  	v18 =	vsub.s32 $0x7EF311C3, v19;
	v24 =	vmul.f32 v2, v52;
	v2 =	vsub.s32 $0x7EF311C3, v35  }
0xbc: {  	v53 =	vmul.f32 v33, v30;
	v3 =	vshra.s32 v22, $0x4;
	v4 =	vmul.f32 v2, v35  }
0xbd: {  	v8 =	vmul.f32 v18, v19;
	v56 =	vsub.s32 $0x7EF311C3, v32;
	v58 =	vshll.u32 v22, $0x1  }
0xbe: {  	v61 =	vsub.f32 $2.000000000e+00, v7;
	v38 =	vmul.f32 v6, v54;
	v4 =	vsub.f32 $2.000000000e+00, v4  }
0xbf: {  	v57 =	vmul.f32 v56, v32;
	v34 =	vsub.f32 $2.000000000e+00, v53;
	v39 =	vsub.s32 $0x7EF311C3, v25  }
0xc0: {  	v43 =	vsub.f32 $2.000000000e+00, v8;
	v8 =	vmul.f32 v41, v20;
	v2 =	vmul.f32 v2, v4  }
0xc1: {  	v45 =	vand.u32 $0x1E, v58;
	v5 =	vld.idx.msk [tilespmem:v5+s19+$0x0], $0xffff;
	v36 =	vmul.f32 v38, v36;
	v55 =	vmul.f32 v39, v25  }
0xc2: {  	v44 =	vsub.f32 $2.000000000e+00, v57;
	v33 =	vmul.f32 v33, v34;
	v4 =	vld.idx.msk [tilespmem:v3+s19+$0x0], $0xffff;
	v3 =	vmul.f32 v2, v35  }
0xc3: {  	v34 =	vmul.f32 v37, v61;
	v62 =	vsub.f32 $2.000000000e+00, v8;
	v18 =	vmul.f32 v18, v43  }
0xc4: {  	v8 =	vld [tilespmem:s5+$0xFFFFFFC0];
	v36 =	vsub.f32 $2.000000000e+00, v36;
	v42 =	vmul.f32 v56, v44;
	v59 =	vsub.f32 $2.000000000e+00, v3  }
0xc5: {  	v7 =	vld [tilespmem:s5+$0xFFFFFFB0];
	v40 =	vsub.f32 $2.000000000e+00, v55;
	v61 =	vmul.f32 v34, v29;
	v41 =	vmul.f32 v41, v62  }
0xc6: {  	v19 =	vmul.f32 v18, v19;
	v5 =	vshra.s32 v5, v21;
	v3 =	vld [tilespmem:s5+$0xFFFFFF80];
	v60 =	vmul.f32 v59, v2  }
0xc7: {  	v54 =	vsub.f32 $2.000000000e+00, v61;
	v5 =	vand.u32 $0x3, v5;
	v4 =	vshra.s32 v4, v45;
	v2 =	vld [tilespmem:s5+$0xFFFFFF90]  }
0xc8: {  	v19 =	vsub.f32 $2.000000000e+00, v19;
	v21 =	vshll.u32 v4, $0x2;
	v4 =	vld [tilespmem:s5+$0xFFFFFFA0];
	v46 =	vmul.f32 v60, v60  }
0xc9: {  	v47 =	vshra.s32 v8, $0x4;
	v59 =	vmul.f32 v42, v32;
	v21 =	vand.u32 $0xC, v21  }
0xca: {  	v21 =	vor.u32 v5, v21;
	v45 =	vmul.f32 $2.929687500e-03, v60;
	v63 =	vmul.f32 v46, v46  }
0xcb: {  	v44 =	vld [tilespmem:s5+$0x0];
	v60 =	vmul.f32 v33, v30;
	v53 =	vsub.f32 $2.000000000e+00, v59;
	v49 =	vshra.s32 v3, $0x4  }
0xcc: {  	v1 =	vld [tilespmem:s5+$0xFFFFFFE0];
	v46 =	vmul.f32 $6.835937500e-03, v46;
	v58 =	vadd.f32 $-3.204345700e-04, v45;
	v56 =	vmul.f32 v63, v63  }
0xcd: {  	v0 =	vld [tilespmem:s5+$0xFFFFFFD0];
	v45 =	vshra.s32 v7, $0x4;
	v50 =	vshra.s32 v2, $0x4;
	v52 =	vshra.s32 v4, $0x4  }
0xce: {  	v51 =	vld [tilespmem:s5+$0x20];
	v61 =	vshll.u32 v2, $0x1;
	v57 =	vsub.f32 v56, v46;
	v46 =	vmul.f32 v39, v40  }
0xcf: {  	v61 =	vand.u32 $0x1E, v61;
	v21 =	vld.idx.msk [tilespmem:v21+s21+$0x0], $0xffff;
	v56 =	vmul.f32 v41, v20;
	v40 =	vmul.f32 v53, v42  }
0xd0: {  	v43 =	vld [tilespmem:s5+$0x10];
	v53 =	vshra.s32 v44, $0x4;
	v44 =	vshll.u32 v44, $0x1;
	v37 =	vadd.f32 v57, v58  }
0xd1: {  	v48 =	vld [tilespmem:s5+$0x30];
	v42 =	vshra.s32 v1, $0x4;
	v44 =	vand.u32 $0x1E, v44;
	v58 =	vsub.f32 $2.000000000e+00, v60  }
0xd2: {  	v59 =	vld [tilespmem:s5+$0x60];
	v62 =	vmul.f32 v46, v25;
	v60 =	vshra.s32 v0, $0x4;
	v37 =	vmul.f32 v37, v63  }
0xd3: {  	v49 =	vld.idx.msk [tilespmem:v49+s19+$0x0], $0xffff;
	v56 =	vsub.f32 $2.000000000e+00, v56;
	v35 =	vmul.f32 v58, v33;
	v58 =	vmul.f32 v40, v40  }
0xd4: {  	v57 =	vld [tilespmem:s5+$0x40];
	v55 =	vsub.f32 $2.000000000e+00, v62;
	v39 =	vmul.f32 v37, v21;
	v37 =	vmul.f32 v36, v38  }
0xd5: {  	v38 =	vmul.f32 v19, v18;
	v18 =	vshra.s32 v43, $0x4;
	v19 =	vld.idx.msk [tilespmem:v50+s19+$0x0], $0xffff;
	v36 =	vmul.f32 v54, v34  }
0xd6: {  	v33 =	vmul.f32 v55, v46;
	v46 =	vshra.s32 v51, $0x4;
	v50 =	vld.idx.msk [tilespmem:v52+s19+$0x0], $0xffff;
	v52 =	vshra.s32 v48, $0x4  }
0xd7: {  	v53 =	vld.idx.msk [tilespmem:v53+s19+$0x0], $0xffff;
	v34 =	vmul.f32 v56, v41;
	v55 =	vshra.s32 v59, $0x4;
	v56 =	vshll.u32 v3, $0x1  }
0xd8: {  	v21 =	vld [tilespmem:s5+$0x50];
	v43 =	vshll.u32 v43, $0x1;
	v51 =	vshll.u32 v51, $0x1;
	v48 =	vshll.u32 v48, $0x1  }
0xd9: {  	v41 =	vshra.s32 v57, $0x4;
	v56 =	vand.u32 $0x1E, v56;
	v43 =	vand.u32 $0x1E, v43  }
0xda: {  	v51 =	vand.u32 $0x1E, v51;
	v63 =	vshll.u32 v57, $0x1;
	v57 =	vmul.f32 v58, v58  }
0xdb: {  	v45 =	vld.idx.msk [tilespmem:v45+s19+$0x0], $0xffff;
	v49 =	vshra.s32 v49, v56;
	v56 =	vshll.u32 v4, $0x1;
	v62 =	vmul.f32 v36, v36  }
0xdc: {  	v47 =	vld.idx.msk [tilespmem:v47+s19+$0x0], $0xffff;
	v56 =	vand.u32 $0x1E, v56;
	v49 =	vshll.u32 v49, $0x2;
	v44 =	vshra.s32 v53, v44  }
0xdd: {  	v53 =	vmul.f32 v35, v35;
	v54 =	vshra.s32 v21, $0x4;
	v19 =	vshra.s32 v19, v61  }
0xde: {  	v42 =	vld.idx.msk [tilespmem:v42+s19+$0x0], $0xffff;
	v61 =	vshll.u32 v7, $0x1;
	v50 =	vshra.s32 v50, v56;
	v56 =	vshll.u32 v8, $0x1  }
0xdf: {  	v60 =	vld.idx.msk [tilespmem:v60+s19+$0x0], $0xffff;
	v44 =	vand.u32 $0x3, v44;
	v61 =	vand.u32 $0x1E, v61;
	v56 =	vand.u32 $0x1E, v56  }
0xe0: {  	[tilespmem:$0x1FFE0] =	vst v0;
	v19 =	vshll.u32 v19, $0x2;
	v50 =	vshll.u32 v50, $0x2;
	v45 =	vshra.s32 v45, v61  }
0xe1: {  	v18 =	vld.idx.msk [tilespmem:v18+s19+$0x0], $0xffff;
	[tilespmem:$0x1FFF0] =	vst v1;
	v61 =	vshll.u32 v0, $0x1;
	v47 =	vshra.s32 v47, v56;
	v56 =	vshll.u32 v1, $0x1  }
0xe2: {  	v46 =	vld.idx.msk [tilespmem:v46+s19+$0x0], $0xffff;
	v19 =	vand.u32 $0xC, v19;
	v50 =	vand.u32 $0xC, v50;
	v61 =	vand.u32 $0x1E, v61  }
0xe3: {  	v52 =	vld.idx.msk [tilespmem:v52+s19+$0x0], $0xffff;
	v56 =	vand.u32 $0x1E, v56;
	v45 =	vshll.u32 v45, $0x2;
	v47 =	vshll.u32 v47, $0x2  }
0xe4: {  	v60 =	vshra.s32 v60, v61;
	v61 =	vmul.f32 v37, v37;
	v42 =	vshra.s32 v42, v56  }
0xe5: {  	v41 =	vld.idx.msk [tilespmem:v41+s19+$0x0], $0xffff;
	v56 =	vmul.f32 v38, v38;
	v45 =	vand.u32 $0xC, v45;
	v47 =	vand.u32 $0xC, v47  }
0xe6: {  	v43 =	vshra.s32 v18, v43;
	v18 =	vand.u32 $0x1E, v48;
	v48 =	vmul.f32 v33, v33  }
0xe7: {  	v60 =	vshll.u32 v60, $0x2;
	v42 =	vshll.u32 v42, $0x2;
	v46 =	vshra.s32 v46, v51  }
0xe8: {  	[tilespmem:v11+s6+$0x0] =	vst.idx.add.f32.msk $0xffff, v31;
	v52 =	vshra.s32 v52, v18;
	v18 =	vshll.u32 v21, $0x1;
	v21 =	vand.u32 $0x1E, v63  }
0xe9: {  	v51 =	vld.idx.msk [tilespmem:v55+s19+$0x0], $0xffff;
	v55 =	vmul.f32 v61, v61;
	v63 =	vmul.f32 v57, v57;
	v43 =	vand.u32 $0x3, v43  }
0xea: {  	v54 =	vld.idx.msk [tilespmem:v54+s19+$0x0], $0xffff;
	v31 =	vand.u32 $0xC, v42;
	v41 =	vshra.s32 v41, v21;
	v18 =	vand.u32 $0x1E, v18  }
0xeb: {  	v43 =	vor.u32 v43, v19;
	v19 =	vmul.f32 v62, v62;
	v46 =	vand.u32 $0x3, v46  }
0xec: {  	v21 =	vshll.u32 v59, $0x1;
	v52 =	vand.u32 $0x3, v52;
	v46 =	vor.u32 v46, v50  }
0xed: {  	v45 =	vor.u32 v52, v45;
	v41 =	vand.u32 $0x3, v41;
	v52 =	vmul.f32 v19, v19  }
0xee: {  	v41 =	vor.u32 v41, v47;
	v47 =	vand.u32 $0xC, v60;
	v60 =	vmul.f32 $6.835937500e-03, v48  }
0xef: {  	v54 =	vshra.s32 v54, v18;
	v18 =	vand.u32 $0x1E, v21;
	v21 =	vmul.f32 $6.835937500e-03, v58  }
0xf0: {  	v51 =	vshra.s32 v51, v18;
	v18 =	vand.u32 $0xC, v49;
	v49 =	vmul.f32 v56, v56  }
0xf1: {  	v58 =	vsub.f32 v63, v21;
	v21 =	vmul.f32 v55, v55;
	v63 =	vmul.f32 $6.835937500e-03, v61  }
0xf2: {  	v56 =	vmul.f32 $6.835937500e-03, v56;
	v44 =	vor.u32 v44, v18;
	v18 =	vmul.f32 v53, v53  }
0xf3: {  	v61 =	vmul.f32 v34, v34;
	v59 =	vsub.f32 v21, v63;
	v21 =	vmul.f32 v49, v49  }
0xf4: {  	v54 =	vand.u32 $0x3, v54;
	v53 =	vmul.f32 $6.835937500e-03, v53;
	v50 =	vmul.f32 v18, v18  }
0xf5: {  	[tilespmem:v9+s6+$0x0] =	vst.idx.add.f32.msk $0xffff, v16;
	v9 =	vor.u32 v54, v47;
	v11 =	vmul.f32 $6.835937500e-03, v61;
	v56 =	vsub.f32 v21, v56  }
0xf6: {  	v21 =	vmul.f32 v48, v48;
	v50 =	vsub.f32 v50, v53;
	v53 =	vmul.f32 $6.835937500e-03, v62  }
0xf7: {  	v62 =	vnsel vm3, $0x0, v23;
	v23 =	vmul.f32 v61, v61;
	v61 =	vand.u32 $0x3, v51  }
0xf8: {  	vm3 =	vlt.f32 v30, $4.000000000e+00;
	[tilespmem:v12+s6+$0x0] =	vst.idx.add.f32.msk $0xffff, v62;
	v12 =	vnsel vm8, $0x0, v39;
	v63 =	vmul.f32 v21, v21  }
0xf9: {  	v31 =	vor.u32 v61, v31;
	v16 =	vmul.f32 v23, v23;
	[tilespmem:v22+s6+$0x0] =	vst.idx.add.f32.msk $0xffff, v12;
	v12 =	vmul.f32 $2.929687500e-03, v37  }
0xfa: {  	vm8 =	vlt.f32 v32, $4.000000000e+00;
	v52 =	vsub.f32 v52, v53;
	v47 =	vsub.f32 v63, v60  }
0xfb: {  	v63 =	vsub.f32 v16, v11;
	v11 =	vnsel vm2, $0x0, v28;
	v12 =	vadd.f32 $-3.204345700e-04, v12;
	v16 =	vld.idx.msk [tilespmem:v44+s21+$0x0], $0xffff  }
0xfc: {  	vm2 =	vmmov vm4;
	[tilespmem:v10+s6+$0x0] =	vst.idx.add.f32.msk $0xffff, v11;
	v10 =	vnsel vm5, $0x0, v27;
	v11 =	vmul.f32 $2.929687500e-03, v40  }
0xfd: {  	[tilespmem:v13+s6+$0x0] =	vst.idx.add.f32.msk $0xffff, v10;
	v10 =	vnsel vm6, $0x0, v26;
	v13 =	vmul.f32 $2.929687500e-03, v38;
	v22 =	vadd.f32 v59, v12  }
0xfe: {  	v12 =	vmul.f32 $2.929687500e-03, v33;
	[tilespmem:v14+s6+$0x0] =	vst.idx.add.f32.msk $0xffff, v10;
	v10 =	vnsel vm7, $0x0, v24;
	v11 =	vadd.f32 $-3.204345700e-04, v11  }
0xff: {  	vm7 =	vlt.f32 v20, $4.000000000e+00;
	[tilespmem:v15+s6+$0x0] =	vst.idx.add.f32.msk $0xffff, v10;
	v10 =	vmul.f32 $2.929687500e-03, v35;
	v13 =	vadd.f32 $-3.204345700e-04, v13  }
0x100: {  	v14 =	vld.idx.msk [tilespmem:v43+s21+$0x0], $0xffff;
	v20 =	vadd.f32 $-3.204345700e-04, v12;
	v15 =	vadd.f32 v58, v11;
	v11 =	vmul.f32 $2.929687500e-03, v36  }
0x101: {  	v12 =	vld.idx.msk [tilespmem:v41+s21+$0x0], $0xffff;
	v24 =	vadd.f32 $-3.204345700e-04, v10;
	v27 =	vadd.f32 v56, v13;
	v13 =	vmul.f32 $2.929687500e-03, v34  }
0x102: {  	vm5 =	vlt.f32 v29, $4.000000000e+00;
	vm6 =	vlt.f32 v25, $4.000000000e+00;
	v10 =	vld.idx.msk [tilespmem:v46+s21+$0x0], $0xffff;
	v26 =	vadd.f32 $-3.204345700e-04, v11  }
0x103: {  	v11 =	vld.idx.msk [tilespmem:v45+s21+$0x0], $0xffff;
	v25 =	vadd.f32 v50, v24;
	v24 =	vmul.f32 v15, v57;
	v15 =	vadd.f32 $-3.204345700e-04, v13  }
0x104: {  	v28 =	vmul.f32 v22, v55;
	v13 =	vld.idx.msk [tilespmem:v9+s21+$0x0], $0xffff;
	v22 =	vmul.f32 v27, v49;
	v29 =	vadd.f32 v52, v26  }
0x105: {  	s23 =	simm.s32 $0x1A140;
	s22 =	simm.s32 $0x8;
	v9 =	vld.idx.msk [tilespmem:v31+s21+$0x0], $0xffff;
	v26 =	vadd.f32 v47, v20;
	v27 =	vadd.f32 v63, v15;
	v15 =	vnsel vm2, $0x0, v17  }
.LBB2_6:
0x106: {  	v20 =	vld [tilespmem:s23+$0x30]  }
0x107: {  	s5 =	sadd.s32 $0x100, s5;
	v30 =	vld [tilespmem:s23+$0xFFFFFFE0]  }
0x108: {  	v18 =	vmul.f32 v25, v18;
	v19 =	vmul.f32 v29, v19;
	v17 =	vld [tilespmem:s5+$0xFFFFFFF0]  }
0x109: {  	v21 =	vmul.f32 v26, v21;
	v26 =	vld [tilespmem:s5+$0x70];
	v16 =	vmul.f32 v24, v16  }
0x10a: {  	vm2 =	vmmov vm7;
	v25 =	vmul.f32 v27, v23;
	v14 =	vmul.f32 v28, v14;
	v27 =	vld [tilespmem:s23+$0xFFFFFFD0]  }
0x10b: {  	v34 =	vld [tilespmem:s5+$0xFFFFFF80];
	v24 =	vmul.f32 v22, v10;
	v23 =	vnsel vm8, $0x0, v16;
	v16 =	vmul.f32 v19, v12  }
0x10c: {  	v41 =	vld [tilespmem:s5+$0xFFFFFF90];
	v29 =	vmul.f32 v21, v13;
	v22 =	vnsel vm0, $0x0, v14;
	v28 =	vmul.f32 v18, v11  }
0x10d: {  	v45 =	vld [tilespmem:s5+$0xFFFFFFA0];
	v18 =	vnsel vm1, $0x0, v24;
	v0 =	vmul.f32 v25, v9;
	v25 =	vsub.s32 $0x7EF311C3, v20  }
0x10e: {  	v10 =	vld [tilespmem:s23+$0xFFFFFFF0];
	v21 =	vnsel vm5, $0x0, v16;
	v16 =	vnsel vm6, $0x0, v29;
	v33 =	vsub.s32 $0x7EF311C3, v30  }
0x10f: {  	v12 =	vld [tilespmem:s23+$0x10];
	vm1 =	vlt.f32 v30, $4.000000000e+00;
	v24 =	vshra.s32 v17, $0x4;
	v19 =	vnsel vm3, $0x0, v28  }
0x110: {  	v13 =	vld [tilespmem:s23+$0x20];
	v28 =	vshra.s32 v26, $0x4;
	v31 =	vmul.f32 v25, v20;
	v32 =	vsub.s32 $0x7EF311C3, v27  }
0x111: {  	v14 =	vld [tilespmem:s23+$0xFFFFFFC0];
	vm0 =	vlt.f32 v27, $4.000000000e+00;
	v35 =	vmul.f32 v33, v30;
	v49 =	vshll.u32 v17, $0x1  }
0x112: {  	v26 =	vshll.u32 v26, $0x1;
	v55 =	vshra.s32 v34, $0x4;
	v63 =	vshra.s32 v41, $0x4  }
0x113: {  	v11 =	vld [tilespmem:s23+$0x0];
	v58 =	vshra.s32 v45, $0x4;
	vm3 =	vlt.f32 v20, $4.000000000e+00;
	v29 =	vmul.f32 v32, v27  }
0x114: {  	v36 =	vsub.s32 $0x7EF311C3, v10;
	v60 =	vand.u32 $0x1E, v49;
	v26 =	vand.u32 $0x1E, v26  }
0x115: {  	v31 =	vsub.f32 $2.000000000e+00, v31;
	v37 =	vmul.f32 v36, v10;
	v40 =	vsub.s32 $0x7EF311C3, v12  }
0x116: {  	v43 =	vsub.s32 $0x7EF311C3, v13;
	v44 =	vsub.s32 $0x7EF311C3, v14;
	v46 =	vsub.f32 $2.000000000e+00, v35  }
0x117: {  	vm8 =	vlt.f32 v14, $4.000000000e+00;
	vm6 =	vlt.f32 v12, $4.000000000e+00;
	vm7 =	vlt.f32 v13, $4.000000000e+00  }
0x118: {  	v52 =	vld [tilespmem:s5+$0xFFFFFFC0];
	v39 =	vsub.s32 $0x7EF311C3, v11;
	v42 =	vmul.f32 v40, v12;
	v59 =	vmul.f32 v43, v13  }
0x119: {  	v35 =	vld [tilespmem:s5+$0x30];
	v38 =	vsub.f32 $2.000000000e+00, v29;
	v47 =	vmul.f32 v44, v14;
	v31 =	vmul.f32 v25, v31  }
0x11a: {  	v29 =	vmul.f32 v39, v11;
	v51 =	vsub.f32 $2.000000000e+00, v37;
	v33 =	vmul.f32 v33, v46;
	v24 =	vld.idx.msk [tilespmem:v24+s19+$0x0], $0xffff  }
0x11b: {  	v28 =	vld.idx.msk [tilespmem:v28+s19+$0x0], $0xffff;
	v47 =	vsub.f32 $2.000000000e+00, v47;
	v42 =	vsub.f32 $2.000000000e+00, v42;
	v56 =	vmul.f32 v32, v38  }
0x11c: {  	v25 =	vmul.f32 v31, v20;
	v53 =	vsub.f32 $2.000000000e+00, v29;
	v29 =	vld [tilespmem:s5+$0x20];
	v36 =	vmul.f32 v36, v51  }
0x11d: {  	v62 =	vsub.f32 $2.000000000e+00, v59;
	v30 =	vmul.f32 v33, v30;
	v44 =	vmul.f32 v44, v47;
	v47 =	vld.idx.msk [tilespmem:v55+s19+$0x0], $0xffff  }
0x11e: {  	vm5 =	vlt.f32 v11, $4.000000000e+00;
	v40 =	vmul.f32 v40, v42;
	v27 =	vmul.f32 v56, v27;
	v55 =	vld.idx.msk [tilespmem:v58+s19+$0x0], $0xffff  }
0x11f: {  	v43 =	vmul.f32 v43, v62;
	[tilespmem:v4+s6+$0x0] =	vst.idx.add.f32.msk $0xffff, v18;
	v50 =	vsub.f32 $2.000000000e+00, v25;
	v39 =	vmul.f32 v39, v53  }
0x120: {  	v25 =	vld [tilespmem:s5+$0xFFFFFFD0];
	v53 =	vshra.s32 v52, $0x4;
	v27 =	vsub.f32 $2.000000000e+00, v27;
	v37 =	vshra.s32 v24, v60  }
0x121: {  	v31 =	vmul.f32 v50, v31;
	v28 =	vshra.s32 v28, v26;
	v26 =	vld [tilespmem:s5+$0x0];
	v60 =	vmul.f32 v44, v14  }
0x122: {  	v4 =	vmovc v45;
	v62 =	vmul.f32 v39, v11;
	[tilespmem:v3+s6+$0x0] =	vst.idx.add.f32.msk $0xffff, v23;
	v23 =	vsub.f32 $2.000000000e+00, v30;
	v37 =	vshll.u32 v37, $0x2  }
0x123: {  	v61 =	vand.u32 $0x3, v28;
	v27 =	vmul.f32 v27, v56;
	v56 =	vshll.u32 v4, $0x1  }
0x124: {  	v37 =	vand.u32 $0xC, v37;
	v50 =	vmul.f32 v31, v31;
	v31 =	vmul.f32 $2.929687500e-03, v31  }
0x125: {  	v24 =	vld [tilespmem:s5+$0xFFFFFFE0];
	v51 =	vsub.f32 $2.000000000e+00, v60;
	v60 =	vmul.f32 v43, v13;
	v49 =	vor.u32 v61, v37  }
0x126: {  	v28 =	vld [tilespmem:s5+$0x10];
	v33 =	vmul.f32 v23, v33;
	v23 =	vshra.s32 v35, $0x4;
	v56 =	vand.u32 $0x1E, v56  }
0x127: {  	v48 =	vld [tilespmem:s5+$0xFFFFFFB0];
	[tilespmem:$0x1FFC0] =	vst v0;
	v61 =	vmul.f32 v36, v10;
	v20 =	vshra.s32 v25, $0x4;
	v0 =	vshll.u32 v25, $0x1  }
0x128: {  	v42 =	vld [tilespmem:s5+$0x60];
	v55 =	vshra.s32 v55, v56;
	v54 =	vmul.f32 v50, v50;
	v50 =	vmul.f32 $6.835937500e-03, v50  }
0x129: {  	v37 =	vld [tilespmem:s5+$0x40];
	v31 =	vadd.f32 $-3.204345700e-04, v31;
	v32 =	vmul.f32 v51, v44;
	v0 =	vand.u32 $0x1E, v0  }
0x12a: {  	v30 =	vsub.f32 $2.000000000e+00, v61;
	v61 =	vsub.f32 $2.000000000e+00, v62;
	v1 =	vshll.u32 v24, $0x1;
	v46 =	vld.idx.msk [tilespmem:v49+s21+$0x0], $0xffff  }
0x12b: {  	v57 =	vmul.f32 v54, v54;
	v18 =	vshra.s32 v28, $0x4;
	v45 =	vmul.f32 v32, v32;
	v49 =	vld.idx.msk [tilespmem:v63+s19+$0x0], $0xffff  }
0x12c: {  	v3 =	vmovc v34;
	v1 =	vand.u32 $0x1E, v1;
	v32 =	vmul.f32 $2.929687500e-03, v32;
	v30 =	vmul.f32 v30, v36;
	[tilespmem:v2+s6+$0x0] =	vst.idx.add.f32.msk $0xffff, v22  }
0x12d: {  	v34 =	vmul.f32 v61, v39;
	v59 =	vsub.f32 v57, v50;
	v50 =	vshra.s32 v48, $0x4;
	v2 =	vmovc v41;
	v41 =	vld.idx.msk [tilespmem:v53+s19+$0x0], $0xffff  }
0x12e: {  	v63 =	vmul.f32 v40, v12;
	v22 =	vsub.f32 $2.000000000e+00, v60;
	[tilespmem:v8+s6+$0x0] =	vst.idx.add.f32.msk $0xffff, v21;
	v21 =	vshra.s32 v37, $0x4  }
0x12f: {  	v39 =	vld.idx.msk [tilespmem:v20+s19+$0x0], $0xffff;
	v8 =	vmovc v52;
	v20 =	vshll.u32 v3, $0x1;
	v52 =	vmul.f32 v33, v33;
	v33 =	vmul.f32 $2.929687500e-03, v33  }
0x130: {  	v51 =	vshll.u32 v2, $0x1;
	v53 =	vmul.f32 v30, v30;
	v57 =	vmul.f32 v34, v34  }
0x131: {  	v61 =	vshll.u32 v8, $0x1;
	v5 =	vand.u32 $0x1E, v20;
	v31 =	vadd.f32 v59, v31  }
0x132: {  	v30 =	vmul.f32 $2.929687500e-03, v30;
	v34 =	vmul.f32 $2.929687500e-03, v34;
	v62 =	vsub.f32 $2.000000000e+00, v63  }
0x133: {  	v9 =	vld [tilespmem:$0x1FFE0];
	v63 =	vshra.s32 v24, $0x4;
	v36 =	vmul.f32 v22, v43;
	v31 =	vmul.f32 v31, v54  }
0x134: {  	v38 =	vld [tilespmem:s5+$0x50];
	v43 =	vshra.s32 v42, $0x4;
	v22 =	vmul.f32 v52, v52;
	v5 =	vshra.s32 v47, v5  }
0x135: {  	v51 =	vand.u32 $0x1E, v51;
	v5 =	vshll.u32 v5, $0x2;
	v54 =	vld.idx.msk [tilespmem:v18+s19+$0x0], $0xffff;
	v31 =	vmul.f32 v31, v46  }
0x136: {  	v61 =	vand.u32 $0x1E, v61;
	v18 =	vmul.f32 v53, v53;
	v5 =	vand.u32 $0xC, v5;
	v50 =	vld.idx.msk [tilespmem:v50+s19+$0x0], $0xffff  }
0x137: {  	[tilespmem:v7+s6+$0x0] =	vst.idx.add.f32.msk $0xffff, v19;
	v19 =	vshra.s32 v29, $0x4;
	v51 =	vshra.s32 v49, v51;
	v31 =	vnsel vm3, $0x0, v31  }
0x138: {  	v41 =	vshra.s32 v41, v61;
	v0 =	vshra.s32 v39, v0;
	[tilespmem:v17+s6+$0x0] =	vst.idx.add.f32.msk $0xffff, v31;
	v17 =	vshra.s32 v26, $0x4  }
0x139: {  	v7 =	vmovc v48;
	v61 =	vmul.f32 $6.835937500e-03, v52;
	v31 =	vmul.f32 v62, v40;
	v40 =	vshra.s32 v38, $0x4  }
0x13a: {  	v46 =	vmul.f32 v27, v27;
	v60 =	vshll.u32 v7, $0x1;
	v47 =	vmul.f32 v18, v18;
	v44 =	vld.idx.msk [tilespmem:v63+s19+$0x0], $0xffff  }
0x13b: {  	v41 =	vshll.u32 v41, $0x2;
	v0 =	vshll.u32 v0, $0x2;
	v27 =	vmul.f32 $2.929687500e-03, v27;
	v63 =	vld.idx.msk [tilespmem:v23+s19+$0x0], $0xffff  }
0x13c: {  	v60 =	vand.u32 $0x1E, v60;
	v41 =	vand.u32 $0xC, v41;
	v20 =	vmul.f32 v46, v46;
	v59 =	vld.idx.msk [tilespmem:v19+s19+$0x0], $0xffff  }
0x13d: {  	v0 =	vand.u32 $0xC, v0;
	v62 =	vmul.f32 v36, v36;
	v19 =	vmul.f32 v57, v57;
	v48 =	vld.idx.msk [tilespmem:v17+s19+$0x0], $0xffff  }
0x13e: {  	v56 =	vshra.s32 v50, v60;
	v60 =	vmul.f32 $6.835937500e-03, v46;
	v58 =	vmul.f32 v31, v31;
	v40 =	vld.idx.msk [tilespmem:v40+s19+$0x0], $0xffff  }
0x13f: {  	v23 =	vmul.f32 v62, v62;
	v1 =	vshra.s32 v44, v1;
	[tilespmem:v9+s6+$0x0] =	vst.idx.add.f32.msk $0xffff, v16;
	v16 =	vmov v25  }
0x140: {  	v44 =	vmul.f32 v22, v22;
	v49 =	vmul.f32 v19, v19;
	[tilespmem:$0x1FFE0] =	vst v16;
	v16 =	vshll.u32 v26, $0x1;
	v26 =	vld [tilespmem:$0x1FFD0]  }
0x141: {  	v6 =	vld.idx.msk [tilespmem:v21+s19+$0x0], $0xffff;
	v21 =	vmul.f32 v58, v58;
	v17 =	vmul.f32 v45, v45;
	v25 =	vshll.u32 v28, $0x1  }
0x142: {  	v28 =	vshll.u32 v38, $0x1;
	v38 =	vshll.u32 v56, $0x2;
	v56 =	vmul.f32 $6.835937500e-03, v57  }
0x143: {  	v1 =	vshll.u32 v1, $0x2;
	v9 =	vld [tilespmem:$0x1FFF0];
	v57 =	vmul.f32 $6.835937500e-03, v58;
	v58 =	vmul.f32 $6.835937500e-03, v62  }
0x144: {  	v1 =	vand.u32 $0xC, v1;
	v25 =	vand.u32 $0x1E, v25;
	v16 =	vand.u32 $0x1E, v16  }
0x145: {  	v28 =	vand.u32 $0x1E, v28;
	v50 =	vmul.f32 v21, v21;
	v16 =	vshra.s32 v48, v16  }
0x146: {  	v38 =	vand.u32 $0xC, v38;
	v39 =	vmul.f32 v17, v17;
	v16 =	vand.u32 $0x3, v16  }
0x147: {  	v43 =	vld.idx.msk [tilespmem:v43+s19+$0x0], $0xffff;
	v25 =	vshra.s32 v54, v25;
	v62 =	vsub.f32 v50, v57;
	v5 =	vor.u32 v16, v5  }
0x148: {  	v25 =	vand.u32 $0x3, v25;
	[tilespmem:v26+s6+$0x0] =	vst.idx.add.f32.msk $0xffff, v15;
	v15 =	vmovc v9;
	v9 =	vmovc v24;
	v24 =	vshll.u32 v35, $0x1;
	v26 =	vshll.u32 v37, $0x1  }
0x149: {  	v35 =	vshll.u32 v51, $0x2;
	v37 =	vshll.u32 v55, $0x2;
	v51 =	vmul.f32 v23, v23  }
0x14a: {  	[tilespmem:$0x1FFD0] =	vst v15;
	v15 =	vshll.u32 v29, $0x1;
	v29 =	vshll.u32 v42, $0x1;
	v24 =	vand.u32 $0x1E, v24  }
0x14b: {  	v26 =	vand.u32 $0x1E, v26;
	v42 =	vmul.f32 v20, v20;
	v35 =	vand.u32 $0xC, v35  }
0x14c: {  	v37 =	vand.u32 $0xC, v37;
	v15 =	vand.u32 $0x1E, v15;
	v29 =	vand.u32 $0x1E, v29  }
0x14d: {  	v24 =	vshra.s32 v63, v24;
	v6 =	vshra.s32 v6, v26;
	v26 =	vshra.s32 v40, v28  }
0x14e: {  	v28 =	vmul.f32 $6.835937500e-03, v45;
	v63 =	vmul.f32 $6.835937500e-03, v53;
	v25 =	vor.u32 v25, v35  }
0x14f: {  	v15 =	vshra.s32 v59, v15;
	v29 =	vshra.s32 v43, v29;
	v16 =	vand.u32 $0x3, v26  }
0x150: {  	v24 =	vand.u32 $0x3, v24;
	v6 =	vand.u32 $0x3, v6;
	v0 =	vor.u32 v16, v0  }
0x151: {  	v59 =	vsub.f32 v44, v61;
	v61 =	vsub.f32 v49, v56;
	v15 =	vand.u32 $0x3, v15  }
0x152: {  	v26 =	vand.u32 $0x3, v29;
	v28 =	vsub.f32 v39, v28;
	v6 =	vor.u32 v6, v41  }
0x153: {  	v29 =	vsub.f32 v42, v60;
	v60 =	vsub.f32 v47, v63;
	v16 =	vld.idx.msk [tilespmem:v5+s21+$0x0], $0xffff;
	v15 =	vor.u32 v15, v37  }
0x154: {  	v24 =	vor.u32 v24, v38;
	v5 =	vadd.f32 $-3.204345700e-04, v32;
	v63 =	vsub.f32 v51, v58;
	v14 =	vld.idx.msk [tilespmem:v25+s21+$0x0], $0xffff  }
0x155: {  	s22 =	sadd.s32 $0x8, s22;
	v1 =	vor.u32 v26, v1;
	v26 =	vadd.f32 $-3.204345700e-04, v33;
	v25 =	vadd.f32 $-3.204345700e-04, v27;
	v13 =	vld.idx.msk [tilespmem:v0+s21+$0x0], $0xffff  }
0x156: {  	p0 =	slt.u32 s22, $0x78;
	v36 =	vmul.f32 $2.929687500e-03, v36;
	v5 =	vadd.f32 v28, v5;
	v27 =	vadd.f32 $-3.204345700e-04, v34;
	v0 =	vld [tilespmem:$0x1FFC0]  }
.Ltmp6:
0x157: {  	v31 =	vmul.f32 $2.929687500e-03, v31;
	v28 =	vadd.f32 v29, v25;
	v12 =	vld.idx.msk [tilespmem:v6+s21+$0x0], $0xffff;
	v6 =	vadd.f32 v59, v26;
	(pc) =	sbr.rel @p0 .LBB2_6-.Ltmp6, $4  }
0x158: {  	vm3 =	vlt.f32 v10, $4.000000000e+00;
	v29 =	vadd.f32 v61, v27;
	v10 =	vld.idx.msk [tilespmem:v15+s21+$0x0], $0xffff;
	v15 =	vadd.f32 $-3.204345700e-04, v30  }
0x159: {  	v11 =	vld.idx.msk [tilespmem:v24+s21+$0x0], $0xffff;
	v24 =	vmul.f32 v5, v17;
	v30 =	vadd.f32 $-3.204345700e-04, v31;
	v31 =	vadd.f32 $-3.204345700e-04, v36  }
0x15a: {  	v28 =	vmul.f32 v28, v20;
	v22 =	vmul.f32 v6, v22;
	v25 =	vadd.f32 v60, v15  }
0x15b: {  	s23 =	sadd.s32 $0x80, s23;
	[tilespmem:$0x1FFF0] =	vst v9;
	v9 =	vld.idx.msk [tilespmem:v1+s21+$0x0], $0xffff;
	v26 =	vadd.f32 v62, v30;
	v27 =	vadd.f32 v63, v31;
	v15 =	vnsel vm2, $0x0, v0  }
0x15c: {  	_ = 	snop  }
0x15d: {  	v0 =	vmul.f32 v24, v16  }
0x15e: {  	v1 =	vmul.f32 v25, v18;
	v5 =	vmul.f32 v28, v14  }
0x15f: {  	v6 =	vmul.f32 v29, v19;
	v10 =	vmul.f32 v22, v10;
	v0 =	vnsel vm8, $0x0, v0  }
0x160: {  	v1 =	vmul.f32 v1, v11;
	v5 =	vnsel vm0, $0x0, v5;
	[tilespmem:v3+s6+$0x0] =	vst.idx.add.f32.msk $0xffff, v0  }
0x161: {  	v0 =	vmul.f32 v6, v12;
	v3 =	vnsel vm1, $0x0, v10;
	[tilespmem:v2+s6+$0x0] =	vst.idx.add.f32.msk $0xffff, v5  }
0x162: {  	v1 =	vnsel vm3, $0x0, v1;
	[tilespmem:v4+s6+$0x0] =	vst.idx.add.f32.msk $0xffff, v3  }
0x163: {  	v0 =	vnsel vm5, $0x0, v0;
	[tilespmem:v7+s6+$0x0] =	vst.idx.add.f32.msk $0xffff, v1  }
0x164: {  	[tilespmem:v8+s6+$0x0] =	vst.idx.add.f32.msk $0xffff, v0  }
0x165: {  	v0 =	vld [tilespmem:$0x1FFE0];
	_ =	sdelay $0x2  }
0x166: {  	v62 =	vmul.f32 v26, v21;
	_ =	sdelay $0x1  }
0x167: {  	v2 =	vmul.f32 v27, v23;
	v63 =	vmul.f32 v62, v13;
	_ =	sdelay $0x1  }
0x168: {  	v1 =	vmul.f32 v2, v9;
	v2 =	vnsel vm6, $0x0, v63  }
0x169: {  	[tilespmem:v0+s6+$0x0] =	vst.idx.add.f32.msk $0xffff, v2  }
0x16a: {  	v0 =	vld [tilespmem:$0x1FFD0];
	_ =	sdelay $0x7  }
0x16b: {  	vm15 =	vmmov vm7;
	[tilespmem:v0+s6+$0x0] =	vst.idx.add.f32.msk $0xffff, v15  }
0x16c: {  	v0 =	vnsel vm15, $0x0, v1;
	v1 =	vld [tilespmem:$0x1FFF0];
	_ =	sdelay $0x7  }
0x16d: {  	[tilespmem:v1+s6+$0x0] =	vst.idx.add.f32.msk $0xffff, v0;
	v0 =	vimm.f32 $0.0e+00  }
.LBB2_8:
0x16e: {  	s5 =	sadd.s32 $0x3, s3  }
0x16f: {  	p0 =	sge.u32 s5, s7  }
0x170: {  	s5 =	sadd.s32 @!p0 s8, s5  }
0x171: {  	s22 =	sshll.u32 @!p0 s5, $0x8  }
0x172: {  	s23 =	simm.s32 @!p0 $0x0;
	s5 =	sshll.u32 @!p0 s5, $0x9;
	s22 =	sand.u32 @!p0 $0x1FFFFF00, s22  }
0x173: {  	s24 =	simm.s32 @!p0 $0x1A000;
	s5 =	sand.u32 @!p0 $0x1FFFFE00, s5;
	s22 =	sadd.s32 @!p0 s1, s22  }
0x174: {  	[tilespmem:s24], [sflag:$0x1] =	stream.linear.gather @!p0 [hbm4b:s22+s23], $0x800, $0x38;
	[tilespmem:$0x1E800] =	vst v63  }
0x175: {  	s5 =	sadd.s32 @!p0 s2, s5;
	s22 =	simm.s32 @!p0 $0x1B800  }
0x176: {  	[tilespmem:s22], [sflag:$0x1] =	stream.linear.gather @!p0 [hbm4b:s5+s23], $0x1000, $0x38;
	[tilespmem:$0x1E800] =	vst v63  }
0x177: {  	p0 =	sge.u32 s3, s15  }
.Ltmp7:
0x178: {  	_ = 	snop;
	(pc) =	sbr.rel @p0 .LBB2_12-.Ltmp7, $1  }
0x179: {  	_ =	sdelay $0x3  }
0x17a: {  	_ =	swait.ge [sflag:s30], $0x800  }
0x17b: {  	[sflag:s30] =	ssyncset.done $0x0  }
0x17c: {  	[sflag:s30] =	ssyncadd.s32 $0xFFFFF800  }
0x17d: {  	_ =	swait.ge [sflag:s30], $0x1000  }
0x17e: {  	[sflag:s30] =	ssyncset.done $0x0  }
0x17f: {  	s22 =	simm.s32 $0x1A840;
	[sflag:s30] =	ssyncadd.s32 $0xFFFFF000  }
0x180: {  	s5 =	simm.s32 $0x1C880;
	v0 =	vld [tilespmem:s22+$0x30]  }
0x181: {  	v9 =	vld [tilespmem:s5+$0xFFFFFFF0]  }
0x182: {  	v1 =	vld [tilespmem:s5+$0x70]  }
0x183: {  	v7 =	vld [tilespmem:s22+$0xFFFFFFD0]  }
0x184: {  	v8 =	vld [tilespmem:s22+$0xFFFFFFE0]  }
0x185: {  	v5 =	vld [tilespmem:s22+$0xFFFFFFF0]  }
0x186: {  	v4 =	vld [tilespmem:s22+$0x0]  }
0x187: {  	v2 =	vld [tilespmem:s22+$0x10]  }
0x188: {  	v3 =	vld [tilespmem:s22+$0x20]  }
0x189: {  	v6 =	vld [tilespmem:s22+$0xFFFFFFC0]  }
0x18a: {  	v37 =	vld [tilespmem:s5+$0x30]  }
0x18b: {  	v40 =	vld [tilespmem:s5+$0x60];
	v10 =	vsub.s32 $0x7EF311C3, v0;
	v11 =	vshra.s32 v9, $0x4  }
0x18c: {  	v13 =	vshra.s32 v1, $0x4;
	v14 =	vsub.s32 $0x7EF311C3, v7;
	vm3 =	vlt.f32 v7, $4.000000000e+00  }
0x18d: {  	v15 =	vsub.s32 $0x7EF311C3, v8;
	vm2 =	vlt.f32 v8, $4.000000000e+00;
	v18 =	vsub.s32 $0x7EF311C3, v5  }
0x18e: {  	v19 =	vsub.s32 $0x7EF311C3, v4;
	v22 =	vsub.s32 $0x7EF311C3, v2;
	v24 =	vsub.s32 $0x7EF311C3, v3  }
0x18f: {  	v25 =	vsub.s32 $0x7EF311C3, v6;
	v29 =	vshll.u32 v9, $0x1;
	v1 =	vshll.u32 v1, $0x1  }
0x190: {  	vm0 =	vlt.f32 v0, $4.000000000e+00;
	v46 =	vshra.s32 v37, $0x4;
	v47 =	vshra.s32 v40, $0x4  }
0x191: {  	v37 =	vshll.u32 v37, $0x1;
	v40 =	vshll.u32 v40, $0x1;
	vm5 =	vlt.f32 v5, $4.000000000e+00  }
0x192: {  	vm6 =	vlt.f32 v4, $4.000000000e+00;
	v12 =	vmul.f32 v10, v0;
	v16 =	vmul.f32 v14, v7  }
0x193: {  	vm7 =	vlt.f32 v2, $4.000000000e+00;
	v17 =	vmul.f32 v15, v8;
	v21 =	vmul.f32 v19, v4  }
0x194: {  	vm4 =	vlt.f32 v3, $4.000000000e+00;
	v23 =	vmul.f32 v22, v2;
	v27 =	vmul.f32 v25, v6  }
0x195: {  	v26 =	vmul.f32 v24, v3;
	v29 =	vand.u32 $0x1E, v29;
	v12 =	vsub.f32 $2.000000000e+00, v12  }
0x196: {  	v1 =	vand.u32 $0x1E, v1;
	v16 =	vsub.f32 $2.000000000e+00, v16;
	v27 =	vsub.f32 $2.000000000e+00, v27  }
0x197: {  	v17 =	vsub.f32 $2.000000000e+00, v17;
	v21 =	vsub.f32 $2.000000000e+00, v21;
	v10 =	vmul.f32 v10, v12  }
0x198: {  	v23 =	vsub.f32 $2.000000000e+00, v23;
	v12 =	vmul.f32 v18, v5;
	v25 =	vmul.f32 v25, v27  }
0x199: {  	v26 =	vsub.f32 $2.000000000e+00, v26;
	v20 =	vld.idx.msk [tilespmem:v11+s19+$0x0], $0xffff;
	v31 =	vmul.f32 v14, v16;
	v17 =	vmul.f32 v15, v17  }
0x19a: {  	v37 =	vand.u32 $0x1E, v37;
	v13 =	vld.idx.msk [tilespmem:v13+s19+$0x0], $0xffff;
	v19 =	vmul.f32 v19, v21;
	v21 =	vmul.f32 v22, v23  }
0x19b: {  	v40 =	vand.u32 $0x1E, v40;
	v14 =	vld [tilespmem:s5+$0xFFFFFFC0];
	v22 =	vmul.f32 v24, v26;
	v11 =	vmul.f32 v10, v0  }
0x19c: {  	v15 =	vld [tilespmem:s5+$0xFFFFFFD0];
	v30 =	vsub.f32 $2.000000000e+00, v12;
	v26 =	vmul.f32 v25, v6;
	v7 =	vmul.f32 v31, v7  }
0x19d: {  	v8 =	vmul.f32 v17, v8;
	v38 =	vmul.f32 v22, v3;
	v28 =	vsub.f32 $2.000000000e+00, v11  }
0x19e: {  	v35 =	vmul.f32 v19, v4;
	v26 =	vsub.f32 $2.000000000e+00, v26;
	v7 =	vsub.f32 $2.000000000e+00, v7  }
0x19f: {  	v39 =	vld [tilespmem:s5+$0x40];
	v18 =	vmul.f32 v18, v30;
	v8 =	vsub.f32 $2.000000000e+00, v8;
	v38 =	vsub.f32 $2.000000000e+00, v38  }
0x1a0: {  	v20 =	vshra.s32 v20, v29;
	v1 =	vshra.s32 v13, v1;
	v34 =	vshra.s32 v14, $0x4  }
0x1a1: {  	v0 =	vshra.s32 v15, $0x4;
	v55 =	vshll.u32 v14, $0x1;
	v57 =	vshll.u32 v15, $0x1  }
0x1a2: {  	v12 =	vld [tilespmem:s5+$0xFFFFFF90];
	v28 =	vmul.f32 v28, v10;
	v13 =	vshll.u32 v20, $0x2;
	v25 =	vmul.f32 v26, v25  }
0x1a3: {  	v1 =	vand.u32 $0x3, v1;
	v26 =	vmul.f32 v7, v31;
	v42 =	vmul.f32 v8, v17  }
0x1a4: {  	v7 =	vmul.f32 v38, v22;
	v22 =	vshra.s32 v39, $0x4;
	v55 =	vand.u32 $0x1E, v55  }
0x1a5: {  	v11 =	vld [tilespmem:s5+$0xFFFFFF80];
	v57 =	vand.u32 $0x1E, v57;
	v39 =	vshll.u32 v39, $0x1;
	v20 =	vmul.f32 v28, v28  }
0x1a6: {  	v30 =	vld [tilespmem:s5+$0x10];
	v13 =	vand.u32 $0xC, v13;
	v16 =	vmul.f32 $2.929687500e-03, v28;
	v48 =	vmul.f32 v25, v25  }
0x1a7: {  	v32 =	vshra.s32 v12, $0x4;
	v49 =	vmul.f32 v26, v26;
	v50 =	vmul.f32 v42, v42  }
0x1a8: {  	v10 =	vld [tilespmem:s5+$0xFFFFFFA0];
	v29 =	vor.u32 v1, v13;
	v56 =	vmul.f32 v7, v7;
	v25 =	vmul.f32 $2.929687500e-03, v25  }
0x1a9: {  	v39 =	vand.u32 $0x1E, v39;
	v26 =	vmul.f32 $2.929687500e-03, v26;
	v42 =	vmul.f32 $2.929687500e-03, v42  }
0x1aa: {  	v7 =	vmul.f32 $2.929687500e-03, v7;
	v28 =	vshra.s32 v11, $0x4;
	v27 =	vmul.f32 v20, v20  }
0x1ab: {  	v13 =	vld [tilespmem:s5+$0xFFFFFFB0];
	v44 =	vshra.s32 v30, $0x4;
	v17 =	vshll.u32 v11, $0x1;
	v30 =	vshll.u32 v30, $0x1  }
0x1ac: {  	v20 =	vmul.f32 $6.835937500e-03, v20;
	v16 =	vadd.f32 $-3.204345700e-04, v16;
	v1 =	vmul.f32 v27, v27  }
0x1ad: {  	v8 =	vmul.f32 v48, v48;
	v59 =	vand.u32 $0x1E, v17;
	v33 =	vshra.s32 v10, $0x4;
	v23 =	vld.idx.msk [tilespmem:v29+s21+$0x0], $0xffff  }
0x1ae: {  	v17 =	vmul.f32 v49, v49;
	v30 =	vand.u32 $0x1E, v30;
	v29 =	vld [tilespmem:s5+$0x0];
	v20 =	vsub.f32 v1, v20  }
0x1af: {  	v25 =	vadd.f32 $-3.204345700e-04, v25;
	v26 =	vadd.f32 $-3.204345700e-04, v26;
	v51 =	vshll.u32 v10, $0x1;
	v1 =	vld [tilespmem:s5+$0xFFFFFFE0]  }
0x1b0: {  	v51 =	vand.u32 $0x1E, v51;
	v54 =	vshll.u32 v13, $0x1;
	v16 =	vadd.f32 v20, v16  }
0x1b1: {  	v24 =	vshra.s32 v13, $0x4;
	v54 =	vand.u32 $0x1E, v54;
	v20 =	vmul.f32 v18, v5  }
0x1b2: {  	v33 =	vld.idx.msk [tilespmem:v33+s19+$0x0], $0xffff;
	v5 =	vadd.f32 $-3.204345700e-04, v7;
	v16 =	vmul.f32 v16, v27;
	v27 =	vmul.f32 v21, v2  }
0x1b3: {  	v36 =	vld [tilespmem:s5+$0x20];
	v20 =	vsub.f32 $2.000000000e+00, v20;
	v41 =	vshra.s32 v29, $0x4;
	v29 =	vshll.u32 v29, $0x1  }
0x1b4: {  	v32 =	vld.idx.msk [tilespmem:v32+s19+$0x0], $0xffff;
	v31 =	vshra.s32 v1, $0x4;
	v58 =	vshll.u32 v1, $0x1;
	v29 =	vand.u32 $0x1E, v29  }
0x1b5: {  	v16 =	vmul.f32 v16, v23;
	v23 =	vsub.f32 $2.000000000e+00, v35;
	v27 =	vsub.f32 $2.000000000e+00, v27  }
0x1b6: {  	v43 =	vmul.f32 v20, v18;
	v18 =	vshll.u32 v12, $0x1;
	v58 =	vand.u32 $0x1E, v58  }
0x1b7: {  	v61 =	vand.u32 $0x1E, v18;
	v33 =	vshra.s32 v33, v51;
	v16 =	vnsel vm0, $0x0, v16  }
0x1b8: {  	v45 =	vmul.f32 v23, v19;
	v20 =	vmul.f32 v27, v21;
	v27 =	vshra.s32 v36, $0x4;
	v19 =	vld.idx.msk [tilespmem:v28+s19+$0x0], $0xffff  }
0x1b9: {  	v35 =	vld [tilespmem:s5+$0x50];
	v28 =	vmul.f32 v43, v43;
	[tilespmem:$0x1FF90] =	vst v1;
	v21 =	vmul.f32 v50, v50;
	v32 =	vshra.s32 v32, v61  }
0x1ba: {  	v36 =	vshll.u32 v36, $0x1;
	v33 =	vshll.u32 v33, $0x2;
	v43 =	vmul.f32 $2.929687500e-03, v43;
	v60 =	vld.idx.msk [tilespmem:v24+s19+$0x0], $0xffff  }
0x1bb: {  	vm0 =	vlt.f32 v6, $4.000000000e+00;
	v34 =	vld.idx.msk [tilespmem:v34+s19+$0x0], $0xffff;
	v36 =	vand.u32 $0x1E, v36;
	v32 =	vshll.u32 v32, $0x2  }
0x1bc: {  	v0 =	vld.idx.msk [tilespmem:v0+s19+$0x0], $0xffff;
	v33 =	vand.u32 $0xC, v33;
	v52 =	vmul.f32 v45, v45;
	v53 =	vmul.f32 v20, v20  }
0x1bd: {  	v41 =	vld.idx.msk [tilespmem:v41+s19+$0x0], $0xffff;
	v18 =	vmul.f32 v28, v28;
	v28 =	vmul.f32 $6.835937500e-03, v28;
	v32 =	vand.u32 $0xC, v32  }
0x1be: {  	v44 =	vld.idx.msk [tilespmem:v44+s19+$0x0], $0xffff;
	v45 =	vmul.f32 $2.929687500e-03, v45;
	v20 =	vmul.f32 $2.929687500e-03, v20;
	v38 =	vshra.s32 v35, $0x4  }
0x1bf: {  	v46 =	vld.idx.msk [tilespmem:v46+s19+$0x0], $0xffff;
	v35 =	vshll.u32 v35, $0x1;
	v23 =	vmul.f32 v52, v52;
	v24 =	vmul.f32 v53, v53  }
0x1c0: {  	v22 =	vld.idx.msk [tilespmem:v22+s19+$0x0], $0xffff;
	v35 =	vand.u32 $0x1E, v35;
	v6 =	vadd.f32 $-3.204345700e-04, v45;
	v20 =	vadd.f32 $-3.204345700e-04, v20  }
0x1c1: {  	v47 =	vld.idx.msk [tilespmem:v47+s19+$0x0], $0xffff;
	v59 =	vshra.s32 v19, v59;
	v19 =	vmul.f32 v56, v56;
	v60 =	vshra.s32 v60, v54  }
0x1c2: {  	v31 =	vld.idx.msk [tilespmem:v31+s19+$0x0], $0xffff;
	v34 =	vshra.s32 v34, v55;
	v0 =	vshra.s32 v0, v57;
	v55 =	vmul.f32 v8, v8  }
0x1c3: {  	v54 =	vshll.u32 v59, $0x2;
	v57 =	vmul.f32 v17, v17;
	v59 =	vmul.f32 v18, v18  }
0x1c4: {  	v29 =	vshra.s32 v41, v29;
	v41 =	vmul.f32 v24, v24;
	v30 =	vshra.s32 v44, v30  }
0x1c5: {  	v61 =	vshra.s32 v46, v37;
	v22 =	vshra.s32 v22, v39;
	v37 =	vmul.f32 $6.835937500e-03, v48  }
0x1c6: {  	v62 =	vshra.s32 v47, v40;
	v40 =	vmul.f32 $6.835937500e-03, v50;
	v47 =	vmul.f32 $6.835937500e-03, v52  }
0x1c7: {  	v52 =	vmul.f32 $6.835937500e-03, v53;
	v53 =	vmul.f32 $6.835937500e-03, v56;
	v31 =	vshra.s32 v31, v58  }
0x1c8: {  	v27 =	vld.idx.msk [tilespmem:v27+s19+$0x0], $0xffff;
	v58 =	vmul.f32 v21, v21;
	v51 =	vshll.u32 v60, $0x2;
	v34 =	vshll.u32 v34, $0x2  }
0x1c9: {  	v60 =	vmul.f32 v23, v23;
	v0 =	vshll.u32 v0, $0x2;
	v44 =	vmul.f32 v19, v19  }
0x1ca: {  	v63 =	vand.u32 $0xC, v54;
	v29 =	vand.u32 $0x3, v29;
	v30 =	vand.u32 $0x3, v30  }
0x1cb: {  	v22 =	vand.u32 $0x3, v22;
	v31 =	vshll.u32 v31, $0x2;
	v54 =	vand.u32 $0xC, v51  }
0x1cc: {  	s24 =	simm.s32 $0x1A8C0;
	v38 =	vld.idx.msk [tilespmem:v38+s19+$0x0], $0xffff;
	v34 =	vand.u32 $0xC, v34;
	v29 =	vor.u32 v29, v63;
	v30 =	vor.u32 v30, v32  }
0x1cd: {  	v32 =	vld [tilespmem:s24+$0xFFFFFFC0];
	v22 =	vor.u32 v22, v34;
	v27 =	vshra.s32 v27, v36;
	v36 =	vand.u32 $0x3, v61  }
0x1ce: {  	v34 =	vld [tilespmem:s24+$0x30];
	v61 =	vand.u32 $0x3, v62;
	v62 =	vsub.f32 v55, v37;
	v27 =	vand.u32 $0x3, v27  }
0x1cf: {  	s5 =	simm.s32 $0x1C980;
	v51 =	vsub.f32 v41, v52;
	v52 =	vsub.f32 v44, v53;
	v27 =	vor.u32 v27, v33;
	v33 =	vld [tilespmem:s24+$0xFFFFFFD0]  }
0x1d0: {  	v28 =	vsub.f32 v59, v28;
	v31 =	vand.u32 $0xC, v31;
	v7 =	vadd.f32 v62, v25;
	v62 =	vld [tilespmem:s5+$0xFFFFFFA0]  }
0x1d1: {  	v46 =	vsub.f32 v58, v40;
	v36 =	vor.u32 v36, v54;
	v5 =	vadd.f32 v52, v5;
	v29 =	vld.idx.msk [tilespmem:v29+s21+$0x0], $0xffff  }
0x1d2: {  	v50 =	vsub.f32 v60, v47;
	v53 =	vadd.f32 $-3.204345700e-04, v42;
	v31 =	vor.u32 v61, v31;
	v30 =	vld.idx.msk [tilespmem:v30+s21+$0x0], $0xffff  }
0x1d3: {  	v35 =	vshra.s32 v38, v35;
	v38 =	vmul.f32 $6.835937500e-03, v49;
	v3 =	vmul.f32 v5, v19;
	v19 =	vld [tilespmem:s24+$0xFFFFFFE0]  }
0x1d4: {  	v0 =	vand.u32 $0xC, v0;
	v54 =	vadd.f32 $-3.204345700e-04, v43;
	v6 =	vadd.f32 v50, v6;
	v55 =	vld.idx.msk [tilespmem:v22+s21+$0x0], $0xffff  }
0x1d5: {  	v7 =	vmul.f32 v7, v8;
	v8 =	vadd.f32 v51, v20;
	v20 =	vld [tilespmem:s24+$0x20];
	v63 =	vsub.f32 v57, v38  }
0x1d6: {  	v6 =	vmul.f32 v6, v23;
	v58 =	vsub.s32 $0x7EF311C3, v32;
	v56 =	vand.u32 $0x3, v35;
	v36 =	vld.idx.msk [tilespmem:v36+s21+$0x0], $0xffff  }
0x1d7: {  	v22 =	vadd.f32 v46, v53;
	vm8 =	vlt.f32 v34, $4.000000000e+00;
	v25 =	vld.idx.msk [tilespmem:v31+s21+$0x0], $0xffff;
	v4 =	vadd.f32 v63, v26  }
0x1d8: {  	v0 =	vor.u32 v56, v0;
	v2 =	vmul.f32 v8, v24;
	v27 =	vld.idx.msk [tilespmem:v27+s21+$0x0], $0xffff;
	v26 =	vadd.f32 v28, v54  }
0x1d9: {  	v5 =	vsub.s32 $0x7EF311C3, v33;
	v63 =	vld [tilespmem:s5+$0xFFFFFF80];
	v7 =	vmul.f32 v7, v29;
	v4 =	vmul.f32 v4, v17  }
0x1da: {  	v29 =	vld [tilespmem:s24+$0x0];
	vm1 =	vlt.f32 v19, $4.000000000e+00;
	v17 =	vmul.f32 v22, v21;
	v18 =	vmul.f32 v26, v18  }
0x1db: {  	v22 =	vld [tilespmem:s5+$0xFFFFFFF0];
	v26 =	vmul.f32 v6, v55;
	v6 =	vmul.f32 v5, v33;
	v40 =	vsub.s32 $0x7EF311C3, v20  }
0x1dc: {  	v21 =	vld [tilespmem:s5+$0x70];
	v31 =	vnsel vm0, $0x0, v7;
	vm0 =	vlt.f32 v33, $4.000000000e+00;
	v51 =	vmul.f32 v40, v20  }
0x1dd: {  	v0 =	vld.idx.msk [tilespmem:v0+s21+$0x0], $0xffff;
	v23 =	vmul.f32 v4, v30;
	v6 =	vsub.f32 $2.000000000e+00, v6;
	v28 =	vmul.f32 v17, v27  }
0x1de: {  	v27 =	vmul.f32 v18, v36;
	v17 =	vmul.f32 v3, v25;
	v18 =	vsub.s32 $0x7EF311C3, v19  }
0x1df: {  	v43 =	vsub.f32 $2.000000000e+00, v51;
	v47 =	vshra.s32 v63, $0x4;
	v51 =	vshra.s32 v62, $0x4  }
0x1e0: {  	v30 =	vld [tilespmem:s24+$0xFFFFFFF0];
	v7 =	vmul.f32 v18, v19;
	v36 =	vsub.s32 $0x7EF311C3, v29;
	v48 =	vmul.f32 v5, v6  }
0x1e1: {  	v25 =	vld [tilespmem:s24+$0x10];
	v4 =	vshra.s32 v21, $0x4;
	v56 =	vmul.f32 v36, v29;
	v52 =	vshll.u32 v22, $0x1  }
0x1e2: {  	v21 =	vshll.u32 v21, $0x1;
	v43 =	vmul.f32 v40, v43;
	v24 =	vmul.f32 v2, v0  }
0x1e3: {  	v0 =	vsub.s32 $0x7EF311C3, v34;
	v2 =	vshra.s32 v22, $0x4;
	v59 =	vsub.f32 $2.000000000e+00, v7  }
0x1e4: {  	v7 =	vmul.f32 v58, v32;
	v21 =	vand.u32 $0x1E, v21;
	v33 =	vmul.f32 v48, v33  }
0x1e5: {  	v3 =	vmul.f32 v0, v34;
	v35 =	vsub.s32 $0x7EF311C3, v30;
	v37 =	vsub.f32 $2.000000000e+00, v56  }
0x1e6: {  	v8 =	vmul.f32 v35, v30;
	v38 =	vsub.s32 $0x7EF311C3, v25;
	v55 =	vsub.f32 $2.000000000e+00, v7  }
0x1e7: {  	v18 =	vmul.f32 v18, v59;
	v3 =	vsub.f32 $2.000000000e+00, v3;
	v57 =	vmul.f32 v38, v25  }
0x1e8: {  	v1 =	vld [tilespmem:s5+$0xFFFFFFD0];
	v36 =	vmul.f32 v36, v37;
	v54 =	vsub.f32 $2.000000000e+00, v8;
	v41 =	vmul.f32 v58, v55  }
0x1e9: {  	v33 =	vsub.f32 $2.000000000e+00, v33;
	v4 =	vld.idx.msk [tilespmem:v4+s19+$0x0], $0xffff;
	v19 =	vmul.f32 v18, v19;
	v0 =	vmul.f32 v0, v3  }
0x1ea: {  	v2 =	vld.idx.msk [tilespmem:v2+s19+$0x0], $0xffff;
	v39 =	vsub.f32 $2.000000000e+00, v57;
	v61 =	vmul.f32 v36, v29;
	v35 =	vmul.f32 v35, v54  }
0x1eb: {  	v8 =	vand.u32 $0x1E, v52;
	v59 =	vmul.f32 v41, v32;
	v3 =	vmul.f32 v0, v34  }
0x1ec: {  	v54 =	vmul.f32 v43, v20;
	v19 =	vsub.f32 $2.000000000e+00, v19;
	v45 =	vmul.f32 v38, v39  }
0x1ed: {  	v61 =	vsub.f32 $2.000000000e+00, v61;
	v60 =	vmul.f32 v35, v30;
	v53 =	vsub.f32 $2.000000000e+00, v3  }
0x1ee: {  	v44 =	vld [tilespmem:s5+$0x30];
	v38 =	vsub.f32 $2.000000000e+00, v59;
	v59 =	vshra.s32 v1, $0x4;
	v54 =	vsub.f32 $2.000000000e+00, v54  }
0x1ef: {  	v7 =	vshra.s32 v4, v21;
	v8 =	vshra.s32 v2, v8;
	v2 =	vld [tilespmem:s5+$0xFFFFFF90];
	v0 =	vmul.f32 v53, v0  }
0x1f0: {  	v55 =	vld [tilespmem:s5+$0x40];
	v36 =	vmul.f32 v61, v36;
	v7 =	vand.u32 $0x3, v7;
	v60 =	vsub.f32 $2.000000000e+00, v60  }
0x1f1: {  	v3 =	vld [tilespmem:s5+$0xFFFFFFC0];
	v40 =	vmul.f32 v38, v41;
	v8 =	vshll.u32 v8, $0x2;
	v21 =	vmul.f32 v0, v0  }
0x1f2: {  	v46 =	vld [tilespmem:s5+$0x0];
	v38 =	vmul.f32 v19, v18;
	v34 =	vmul.f32 v54, v43;
	v8 =	vand.u32 $0xC, v8  }
0x1f3: {  	v53 =	vmul.f32 v45, v25;
	v56 =	vor.u32 v7, v8;
	v7 =	vld [tilespmem:s5+$0xFFFFFFB0];
	v57 =	vmul.f32 v21, v21  }
0x1f4: {  	v61 =	vmul.f32 v36, v36;
	v0 =	vmul.f32 $2.929687500e-03, v0;
	v8 =	vld [tilespmem:s5+$0xFFFFFFE0];
	v49 =	vshra.s32 v2, $0x4  }
0x1f5: {  	v47 =	vld.idx.msk [tilespmem:v47+s19+$0x0], $0xffff;
	v43 =	vshra.s32 v55, $0x4;
	v21 =	vmul.f32 $6.835937500e-03, v21;
	v58 =	vmul.f32 v57, v57  }
0x1f6: {  	v52 =	vld [tilespmem:s5+$0x20];
	v35 =	vmul.f32 v60, v35;
	v53 =	vsub.f32 $2.000000000e+00, v53;
	v50 =	vshra.s32 v3, $0x4  }
0x1f7: {  	v0 =	vadd.f32 $-3.204345700e-04, v0;
	v60 =	vshll.u32 v2, $0x1;
	v21 =	vsub.f32 v58, v21;
	v58 =	vld [tilespmem:s5+$0x60]  }
0x1f8: {  	v60 =	vand.u32 $0x1E, v60;
	v37 =	vld.idx.msk [tilespmem:v56+s21+$0x0], $0xffff;
	v42 =	vshra.s32 v7, $0x4;
	v56 =	vshll.u32 v63, $0x1  }
0x1f9: {  	v41 =	vshra.s32 v8, $0x4;
	v56 =	vand.u32 $0x1E, v56;
	v19 =	vld.idx.msk [tilespmem:v49+s19+$0x0], $0xffff;
	v0 =	vadd.f32 v21, v0  }
0x1fa: {  	v49 =	vld.idx.msk [tilespmem:v51+s19+$0x0], $0xffff;
	v51 =	vshra.s32 v44, $0x4;
	v47 =	vshra.s32 v47, v56;
	v56 =	vshll.u32 v62, $0x1  }
0x1fb: {  	v44 =	vshll.u32 v44, $0x1;
	v21 =	vld [tilespmem:s5+$0x10];
	v56 =	vand.u32 $0x1E, v56;
	v0 =	vmul.f32 v0, v57  }
0x1fc: {  	v47 =	vshll.u32 v47, $0x2;
	v57 =	vmul.f32 v40, v40;
	v54 =	vshra.s32 v58, $0x4  }
0x1fd: {  	v39 =	vmul.f32 v0, v37;
	v37 =	vmul.f32 v33, v48;
	v48 =	vshra.s32 v46, $0x4  }
0x1fe: {  	v50 =	vld.idx.msk [tilespmem:v50+s19+$0x0], $0xffff;
	v33 =	vmul.f32 v53, v45;
	v45 =	vshra.s32 v52, $0x4;
	v19 =	vshra.s32 v19, v60  }
0x1ff: {  	v42 =	vld.idx.msk [tilespmem:v42+s19+$0x0], $0xffff;
	v60 =	vshll.u32 v7, $0x1;
	v49 =	vshra.s32 v49, v56;
	v56 =	vshll.u32 v3, $0x1  }
0x200: {  	v59 =	vld.idx.msk [tilespmem:v59+s19+$0x0], $0xffff;
	v46 =	vshll.u32 v46, $0x1;
	v52 =	vshll.u32 v52, $0x1;
	v18 =	vshra.s32 v21, $0x4  }
0x201: {  	v41 =	vld.idx.msk [tilespmem:v41+s19+$0x0], $0xffff;
	v60 =	vand.u32 $0x1E, v60;
	v56 =	vand.u32 $0x1E, v56;
	v46 =	vand.u32 $0x1E, v46  }
0x202: {  	v0 =	vld [tilespmem:s5+$0x50];
	v21 =	vshll.u32 v21, $0x1;
	v52 =	vand.u32 $0x1E, v52;
	v19 =	vshll.u32 v19, $0x2  }
0x203: {  	v50 =	vshra.s32 v50, v56;
	v56 =	vshll.u32 v8, $0x1;
	v21 =	vand.u32 $0x1E, v21;
	v48 =	vld.idx.msk [tilespmem:v48+s19+$0x0], $0xffff;
	[tilespmem:$0x1FFA0] =	vst v3  }
0x204: {  	v19 =	vand.u32 $0xC, v19;
	v42 =	vshra.s32 v42, v60;
	v60 =	vshll.u32 v1, $0x1;
	[tilespmem:$0x1FFB0] =	vst v1  }
0x205: {  	v56 =	vand.u32 $0x1E, v56;
	v50 =	vshll.u32 v50, $0x2;
	v60 =	vand.u32 $0x1E, v60;
	v18 =	vld.idx.msk [tilespmem:v18+s19+$0x0], $0xffff  }
0x206: {  	v41 =	vshra.s32 v41, v56;
	v56 =	vmul.f32 v38, v38;
	v42 =	vshll.u32 v42, $0x2;
	v45 =	vld.idx.msk [tilespmem:v45+s19+$0x0], $0xffff  }
0x207: {  	v50 =	vand.u32 $0xC, v50;
	v53 =	vshra.s32 v0, $0x4;
	v59 =	vshra.s32 v59, v60;
	v51 =	vld.idx.msk [tilespmem:v51+s19+$0x0], $0xffff  }
0x208: {  	v60 =	vmul.f32 v37, v37;
	v0 =	vshll.u32 v0, $0x1;
	v41 =	vshll.u32 v41, $0x2;
	v43 =	vld.idx.msk [tilespmem:v43+s19+$0x0], $0xffff  }
0x209: {  	v0 =	vand.u32 $0x1E, v0;
	[tilespmem:v11+s6+$0x0] =	vst.idx.add.f32.msk $0xffff, v31;
	v31 =	vand.u32 $0xC, v41;
	v46 =	vshra.s32 v48, v46  }
0x20a: {  	v48 =	vmul.f32 v35, v35;
	v21 =	vshra.s32 v18, v21;
	v18 =	vand.u32 $0x1E, v44  }
0x20b: {  	v44 =	vshra.s32 v45, v52;
	v45 =	vmul.f32 v33, v33;
	v52 =	vld.idx.msk [tilespmem:v54+s19+$0x0], $0xffff;
	v54 =	vshll.u32 v55, $0x1  }
0x20c: {  	v55 =	vmul.f32 v57, v57;
	v57 =	vmul.f32 $6.835937500e-03, v57;
	v46 =	vand.u32 $0x3, v46  }
0x20d: {  	v53 =	vld.idx.msk [tilespmem:v53+s19+$0x0], $0xffff;
	v51 =	vshra.s32 v51, v18;
	v18 =	vand.u32 $0x1E, v54;
	v54 =	vmul.f32 v60, v60  }
0x20e: {  	v21 =	vand.u32 $0x3, v21;
	v44 =	vand.u32 $0x3, v44;
	v43 =	vshra.s32 v43, v18  }
0x20f: {  	v18 =	vshll.u32 v58, $0x1;
	v58 =	vmul.f32 $6.835937500e-03, v60;
	v60 =	vor.u32 v21, v19  }
0x210: {  	[tilespmem:v9+s6+$0x0] =	vst.idx.add.f32.msk $0xffff, v16;
	v19 =	vmul.f32 v61, v61;
	v21 =	vshll.u32 v49, $0x2;
	v16 =	vmul.f32 $6.835937500e-03, v45  }
0x211: {  	v18 =	vand.u32 $0x1E, v18;
	v21 =	vand.u32 $0xC, v21;
	v43 =	vand.u32 $0x3, v43  }
0x212: {  	v0 =	vshra.s32 v53, v0;
	v53 =	vmul.f32 v55, v55;
	v44 =	vor.u32 v44, v21  }
0x213: {  	v21 =	vand.u32 $0xC, v42;
	v42 =	vand.u32 $0x3, v51;
	v43 =	vor.u32 v43, v50  }
0x214: {  	v50 =	vshll.u32 v59, $0x2;
	v52 =	vshra.s32 v52, v18;
	v18 =	vand.u32 $0xC, v47  }
0x215: {  	v47 =	vmul.f32 v56, v56;
	v56 =	vmul.f32 $6.835937500e-03, v56;
	v46 =	vor.u32 v46, v18  }
0x216: {  	v18 =	vmul.f32 v48, v48;
	v53 =	vsub.f32 v53, v57;
	v57 =	vmul.f32 v54, v54  }
0x217: {  	v50 =	vand.u32 $0xC, v50;
	v0 =	vand.u32 $0x3, v0;
	v48 =	vmul.f32 $6.835937500e-03, v48  }
0x218: {  	v49 =	vsub.f32 v57, v58;
	v57 =	vmul.f32 v47, v47;
	v58 =	vmul.f32 v18, v18  }
0x219: {  	v42 =	vor.u32 v42, v21;
	v21 =	vmul.f32 v45, v45;
	v0 =	vor.u32 v0, v50  }
0x21a: {  	v51 =	vsub.f32 v57, v56;
	v56 =	vmul.f32 v34, v34;
	v48 =	vsub.f32 v58, v48  }
0x21b: {  	v57 =	vmul.f32 v19, v19;
	v58 =	vmul.f32 $6.835937500e-03, v61;
	v61 =	vnsel vm3, $0x0, v23  }
0x21c: {  	v59 =	vand.u32 $0x3, v52;
	[tilespmem:v12+s6+$0x0] =	vst.idx.add.f32.msk $0xffff, v61;
	v12 =	vnsel vm8, $0x0, v39;
	v23 =	vmul.f32 v56, v56  }
0x21d: {  	v57 =	vsub.f32 v57, v58;
	v58 =	vmul.f32 v21, v21;
	[tilespmem:v22+s6+$0x0] =	vst.idx.add.f32.msk $0xffff, v12;
	v12 =	vmul.f32 $2.929687500e-03, v37  }
0x21e: {  	v31 =	vor.u32 v59, v31;
	v11 =	vmul.f32 $6.835937500e-03, v56;
	v9 =	vmul.f32 v23, v23  }
0x21f: {  	vm3 =	vlt.f32 v30, $4.000000000e+00;
	vm8 =	vlt.f32 v32, $4.000000000e+00;
	v12 =	vadd.f32 $-3.204345700e-04, v12  }
0x220: {  	v45 =	vsub.f32 v58, v16;
	v16 =	vld.idx.msk [tilespmem:v46+s21+$0x0], $0xffff;
	v9 =	vsub.f32 v9, v11;
	v11 =	vnsel vm2, $0x0, v28  }
0x221: {  	v22 =	vadd.f32 v49, v12;
	[tilespmem:v10+s6+$0x0] =	vst.idx.add.f32.msk $0xffff, v11;
	v10 =	vnsel vm5, $0x0, v27;
	v11 =	vmul.f32 $2.929687500e-03, v40  }
0x222: {  	v12 =	vmul.f32 $2.929687500e-03, v33;
	[tilespmem:v13+s6+$0x0] =	vst.idx.add.f32.msk $0xffff, v10;
	v10 =	vnsel vm6, $0x0, v26;
	v13 =	vmul.f32 $2.929687500e-03, v38  }
0x223: {  	vm2 =	vmmov vm4;
	[tilespmem:v14+s6+$0x0] =	vst.idx.add.f32.msk $0xffff, v10;
	v10 =	vnsel vm7, $0x0, v24;
	v11 =	vadd.f32 $-3.204345700e-04, v11  }
0x224: {  	vm7 =	vlt.f32 v20, $4.000000000e+00;
	[tilespmem:v15+s6+$0x0] =	vst.idx.add.f32.msk $0xffff, v10;
	v10 =	vmul.f32 $2.929687500e-03, v35;
	v13 =	vadd.f32 $-3.204345700e-04, v13  }
0x225: {  	v14 =	vld.idx.msk [tilespmem:v60+s21+$0x0], $0xffff;
	v20 =	vadd.f32 $-3.204345700e-04, v12;
	v15 =	vadd.f32 v53, v11;
	v11 =	vmul.f32 $2.929687500e-03, v36  }
0x226: {  	v12 =	vld.idx.msk [tilespmem:v43+s21+$0x0], $0xffff;
	v24 =	vadd.f32 $-3.204345700e-04, v10;
	v27 =	vadd.f32 v51, v13;
	v13 =	vmul.f32 $2.929687500e-03, v34  }
0x227: {  	vm5 =	vlt.f32 v29, $4.000000000e+00;
	vm6 =	vlt.f32 v25, $4.000000000e+00;
	v10 =	vld.idx.msk [tilespmem:v44+s21+$0x0], $0xffff;
	v26 =	vadd.f32 $-3.204345700e-04, v11  }
0x228: {  	v11 =	vld.idx.msk [tilespmem:v42+s21+$0x0], $0xffff;
	v25 =	vadd.f32 v48, v24;
	v24 =	vmul.f32 v15, v55;
	v15 =	vadd.f32 $-3.204345700e-04, v13  }
0x229: {  	v28 =	vmul.f32 v22, v54;
	v13 =	vld.idx.msk [tilespmem:v0+s21+$0x0], $0xffff;
	v22 =	vmul.f32 v27, v47;
	v29 =	vadd.f32 v57, v26  }
0x22a: {  	s23 =	simm.s32 $0x1A940;
	s22 =	simm.s32 $0x8;
	v26 =	vadd.f32 v45, v20;
	v27 =	vadd.f32 v9, v15;
	v15 =	vnsel vm2, $0x0, v17;
	v9 =	vld.idx.msk [tilespmem:v31+s21+$0x0], $0xffff  }
.LBB2_10:
0x22b: {  	v20 =	vld [tilespmem:s23+$0x30]  }
0x22c: {  	s5 =	sadd.s32 $0x100, s5;
	v30 =	vld [tilespmem:s23+$0xFFFFFFE0];
	v0 =	vmul.f32 v25, v18  }
0x22d: {  	v18 =	vmul.f32 v29, v19;
	v17 =	vld [tilespmem:s5+$0xFFFFFFF0];
	v19 =	vmul.f32 v26, v21  }
0x22e: {  	v21 =	vmul.f32 v27, v23;
	v25 =	vld [tilespmem:s5+$0x70];
	v16 =	vmul.f32 v24, v16  }
0x22f: {  	vm2 =	vmmov vm7;
	v27 =	vld [tilespmem:s23+$0xFFFFFFD0];
	v14 =	vmul.f32 v28, v14;
	v24 =	vmul.f32 v22, v10  }
0x230: {  	v33 =	vld [tilespmem:s5+$0xFFFFFF80];
	v23 =	vnsel vm8, $0x0, v16;
	v16 =	vmul.f32 v18, v12;
	v26 =	vmul.f32 v19, v13  }
0x231: {  	v41 =	vld [tilespmem:s5+$0xFFFFFF90];
	v0 =	vmul.f32 v0, v11;
	v22 =	vnsel vm0, $0x0, v14;
	v18 =	vnsel vm1, $0x0, v24  }
0x232: {  	v44 =	vld [tilespmem:s5+$0xFFFFFFA0];
	v1 =	vmul.f32 v21, v9;
	v28 =	vsub.s32 $0x7EF311C3, v20;
	v21 =	vnsel vm5, $0x0, v16  }
0x233: {  	v10 =	vld [tilespmem:s23+$0xFFFFFFF0];
	v16 =	vnsel vm6, $0x0, v26;
	v32 =	vsub.s32 $0x7EF311C3, v30;
	vm1 =	vlt.f32 v30, $4.000000000e+00  }
0x234: {  	v12 =	vld [tilespmem:s23+$0x10];
	v24 =	vshra.s32 v17, $0x4;
	v19 =	vnsel vm3, $0x0, v0;
	v0 =	vshra.s32 v25, $0x4  }
0x235: {  	v13 =	vld [tilespmem:s23+$0x20];
	v29 =	vmul.f32 v28, v20;
	v31 =	vsub.s32 $0x7EF311C3, v27;
	vm0 =	vlt.f32 v27, $4.000000000e+00  }
0x236: {  	v34 =	vmul.f32 v32, v30;
	v48 =	vshll.u32 v17, $0x1;
	v60 =	vshll.u32 v25, $0x1  }
0x237: {  	v11 =	vld [tilespmem:s23+$0x0];
	v54 =	vshra.s32 v33, $0x4;
	v55 =	vshra.s32 v41, $0x4;
	v57 =	vshra.s32 v44, $0x4  }
0x238: {  	v14 =	vld [tilespmem:s23+$0xFFFFFFC0];
	vm3 =	vlt.f32 v20, $4.000000000e+00;
	v26 =	vmul.f32 v31, v27;
	v36 =	vsub.s32 $0x7EF311C3, v10  }
0x239: {  	v47 =	vld [tilespmem:s5+$0xFFFFFFB0];
	v59 =	vand.u32 $0x1E, v48;
	v48 =	vand.u32 $0x1E, v60;
	v29 =	vsub.f32 $2.000000000e+00, v29  }
0x23a: {  	v50 =	vld [tilespmem:s5+$0xFFFFFFC0];
	v35 =	vmul.f32 v36, v10;
	v40 =	vsub.s32 $0x7EF311C3, v12;
	v42 =	vsub.s32 $0x7EF311C3, v13  }
0x23b: {  	v9 =	vld [tilespmem:$0x1FFB0];
	v34 =	vsub.f32 $2.000000000e+00, v34;
	vm6 =	vlt.f32 v12, $4.000000000e+00;
	vm7 =	vlt.f32 v13, $4.000000000e+00  }
0x23c: {  	v25 =	vld [tilespmem:s5+$0xFFFFFFD0];
	v39 =	vsub.s32 $0x7EF311C3, v11;
	v37 =	vsub.f32 $2.000000000e+00, v26;
	v38 =	vmul.f32 v40, v12  }
0x23d: {  	[tilespmem:$0x1FF80] =	vst v1;
	v1 =	vld [tilespmem:$0x1FFA0];
	v43 =	vsub.s32 $0x7EF311C3, v14;
	v45 =	vmul.f32 v42, v13;
	v28 =	vmul.f32 v28, v29  }
0x23e: {  	v29 =	vmul.f32 v39, v11;
	v46 =	vmul.f32 v43, v14;
	v49 =	vsub.f32 $2.000000000e+00, v35;
	v24 =	vld.idx.msk [tilespmem:v24+s19+$0x0], $0xffff  }
0x23f: {  	v34 =	vmul.f32 v32, v34;
	v0 =	vld.idx.msk [tilespmem:v0+s19+$0x0], $0xffff;
	v53 =	vsub.f32 $2.000000000e+00, v38;
	v26 =	vmul.f32 v28, v20  }
0x240: {  	v45 =	vsub.f32 $2.000000000e+00, v45;
	v31 =	vmul.f32 v31, v37;
	v37 =	vld [tilespmem:s5+$0x40];
	v46 =	vsub.f32 $2.000000000e+00, v46  }
0x241: {  	v38 =	vld [tilespmem:s5+$0x50];
	v52 =	vsub.f32 $2.000000000e+00, v29;
	v36 =	vmul.f32 v36, v49;
	v26 =	vsub.f32 $2.000000000e+00, v26  }
0x242: {  	v49 =	vshra.s32 v47, $0x4;
	v30 =	vmul.f32 v34, v30;
	v42 =	vmul.f32 v42, v45;
	v45 =	vld.idx.msk [tilespmem:v54+s19+$0x0], $0xffff  }
0x243: {  	v20 =	vshra.s32 v25, $0x4;
	v40 =	vmul.f32 v40, v53;
	v51 =	vmul.f32 v26, v28;
	v26 =	vld [tilespmem:s5+$0x0]  }
0x244: {  	v27 =	vmul.f32 v31, v27;
	v54 =	vshra.s32 v50, $0x4;
	[tilespmem:v63+s6+$0x0] =	vst.idx.add.f32.msk $0xffff, v23;
	v23 =	vsub.f32 $2.000000000e+00, v30  }
0x245: {  	v29 =	vld [tilespmem:s5+$0x20];
	v43 =	vmul.f32 v43, v46;
	v39 =	vmul.f32 v39, v52;
	v35 =	vshra.s32 v24, v59  }
0x246: {  	v4 =	vmovc v33;
	v24 =	vld [tilespmem:s5+$0xFFFFFFE0];
	v61 =	vmul.f32 v51, v51;
	v33 =	vmul.f32 v23, v34;
	v23 =	vshra.s32 v38, $0x4  }
0x247: {  	v53 =	vmul.f32 v36, v10;
	v0 =	vshra.s32 v0, v48;
	v28 =	vshll.u32 v35, $0x2;
	v49 =	vld.idx.msk [tilespmem:v49+s19+$0x0], $0xffff  }
0x248: {  	v0 =	vand.u32 $0x3, v0;
	v35 =	vand.u32 $0xC, v28;
	v28 =	vld [tilespmem:s5+$0x10];
	v46 =	vmul.f32 v61, v61  }
0x249: {  	v3 =	vmovc v44;
	v27 =	vsub.f32 $2.000000000e+00, v27;
	v30 =	vsub.f32 $2.000000000e+00, v53;
	v0 =	vor.u32 v0, v35;
	v35 =	vld [tilespmem:s5+$0x30]  }
0x24a: {  	v53 =	vshll.u32 v3, $0x1;
	[tilespmem:v7+s6+$0x0] =	vst.idx.add.f32.msk $0xffff, v19;
	v48 =	vmul.f32 $6.835937500e-03, v61;
	v56 =	vmul.f32 v46, v46  }
0x24b: {  	v60 =	vmul.f32 v43, v14;
	v27 =	vmul.f32 v27, v31;
	v53 =	vand.u32 $0x1E, v53;
	v6 =	vld.idx.msk [tilespmem:v23+s19+$0x0], $0xffff  }
0x24c: {  	v51 =	vmul.f32 $2.929687500e-03, v51;
	v61 =	vmul.f32 v39, v11;
	v58 =	vsub.f32 v56, v48;
	v48 =	vld.idx.msk [tilespmem:v55+s19+$0x0], $0xffff  }
0x24d: {  	v52 =	vsub.f32 $2.000000000e+00, v60;
	v60 =	vmul.f32 v42, v13;
	v30 =	vmul.f32 v30, v36;
	v55 =	vld.idx.msk [tilespmem:v57+s19+$0x0], $0xffff  }
0x24e: {  	v44 =	vmul.f32 v27, v27;
	v27 =	vmul.f32 $2.929687500e-03, v27;
	v61 =	vsub.f32 $2.000000000e+00, v61;
	[tilespmem:v2+s6+$0x0] =	vst.idx.add.f32.msk $0xffff, v22  }
0x24f: {  	v7 =	vmovc v47;
	v59 =	vadd.f32 $-3.204345700e-04, v51;
	v47 =	vmul.f32 v33, v33;
	v33 =	vmul.f32 $2.929687500e-03, v33;
	v2 =	vmovc v41;
	v41 =	vld.idx.msk [tilespmem:v54+s19+$0x0], $0xffff  }
0x250: {  	v63 =	vshra.s32 v24, $0x4;
	v22 =	vsub.f32 $2.000000000e+00, v60;
	[tilespmem:v62+s6+$0x0] =	vst.idx.add.f32.msk $0xffff, v18;
	v34 =	vmul.f32 v61, v39  }
0x251: {  	v18 =	vshra.s32 v29, $0x4;
	v19 =	vshra.s32 v35, $0x4;
	[tilespmem:v1+s6+$0x0] =	vst.idx.add.f32.msk $0xffff, v21;
	v21 =	vshra.s32 v37, $0x4  }
0x252: {  	v39 =	vld.idx.msk [tilespmem:v20+s19+$0x0], $0xffff;
	v1 =	vmovc v50;
	v20 =	vshll.u32 v4, $0x1;
	v50 =	vmul.f32 v30, v30;
	v62 =	vshll.u32 v25, $0x1  }
0x253: {  	[tilespmem:v9+s6+$0x0] =	vst.idx.add.f32.msk $0xffff, v16;
	v16 =	vmovc v25;
	v25 =	vshll.u32 v28, $0x1;
	v30 =	vmul.f32 $2.929687500e-03, v30;
	v62 =	vand.u32 $0x1E, v62  }
0x254: {  	[tilespmem:$0x1FFB0] =	vst v16;
	v16 =	vshll.u32 v26, $0x1;
	v25 =	vand.u32 $0x1E, v25;
	v32 =	vadd.f32 v58, v59  }
0x255: {  	v36 =	vmul.f32 v22, v42;
	v54 =	vmul.f32 v34, v34;
	v58 =	vshll.u32 v7, $0x1  }
0x256: {  	[tilespmem:$0x1FFA0] =	vst v1;
	v59 =	vshll.u32 v1, $0x1;
	v1 =	vand.u32 $0x1E, v20;
	v20 =	vmul.f32 v44, v44  }
0x257: {  	v22 =	vmul.f32 v47, v47;
	v16 =	vand.u32 $0x1E, v16;
	v58 =	vand.u32 $0x1E, v58  }
0x258: {  	v0 =	vld.idx.msk [tilespmem:v0+s21+$0x0], $0xffff;
	v59 =	vand.u32 $0x1E, v59;
	v32 =	vmul.f32 v32, v46;
	v46 =	vmul.f32 v40, v12  }
0x259: {  	v1 =	vshra.s32 v45, v1;
	v60 =	vmul.f32 v36, v36;
	v36 =	vmul.f32 $2.929687500e-03, v36;
	v57 =	vld.idx.msk [tilespmem:v18+s19+$0x0], $0xffff  }
0x25a: {  	v1 =	vshll.u32 v1, $0x2;
	v61 =	vld.idx.msk [tilespmem:v19+s19+$0x0], $0xffff;
	v18 =	vmul.f32 v50, v50;
	v19 =	vmul.f32 v54, v54  }
0x25b: {  	v53 =	vshra.s32 v55, v53;
	v55 =	vshra.s32 v49, v58;
	v41 =	vshra.s32 v41, v59  }
0x25c: {  	v39 =	vshra.s32 v39, v62;
	v1 =	vand.u32 $0xC, v1;
	v54 =	vmul.f32 $6.835937500e-03, v54  }
0x25d: {  	v51 =	vld [tilespmem:s5+$0x60];
	v0 =	vmul.f32 v32, v0;
	v46 =	vsub.f32 $2.000000000e+00, v46;
	v32 =	vmul.f32 v52, v43  }
0x25e: {  	v43 =	vld.idx.msk [tilespmem:v63+s19+$0x0], $0xffff;
	v63 =	vshll.u32 v24, $0x1;
	v23 =	vmul.f32 v60, v60;
	v45 =	vshll.u32 v55, $0x2  }
0x25f: {  	v41 =	vshll.u32 v41, $0x2;
	v39 =	vshll.u32 v39, $0x2;
	v58 =	vmul.f32 v18, v18  }
0x260: {  	v59 =	vmul.f32 v19, v19;
	v45 =	vand.u32 $0xC, v45;
	v41 =	vand.u32 $0xC, v41  }
0x261: {  	v39 =	vand.u32 $0xC, v39;
	v0 =	vnsel vm3, $0x0, v0;
	v31 =	vmul.f32 v46, v40  }
0x262: {  	v40 =	vshra.s32 v51, $0x4;
	v42 =	vmul.f32 v32, v32;
	v46 =	vshll.u32 v2, $0x1  }
0x263: {  	v9 =	vld [tilespmem:$0x1FF90];
	v55 =	vmul.f32 v23, v23;
	v32 =	vmul.f32 $2.929687500e-03, v32;
	vm3 =	vlt.f32 v10, $4.000000000e+00  }
0x264: {  	[tilespmem:v17+s6+$0x0] =	vst.idx.add.f32.msk $0xffff, v0;
	v0 =	vshra.s32 v26, $0x4;
	v17 =	vshra.s32 v28, $0x4;
	v46 =	vand.u32 $0x1E, v46  }
0x265: {  	v5 =	vld.idx.msk [tilespmem:v21+s19+$0x0], $0xffff;
	v26 =	vand.u32 $0x1E, v63;
	v63 =	vmovc v4;
	v4 =	vmovc v8;
	v8 =	vmov v24;
	v24 =	vshll.u32 v35, $0x1  }
0x266: {  	v28 =	vshll.u32 v37, $0x1;
	v35 =	vshll.u32 v51, $0x1;
	v59 =	vsub.f32 v59, v54  }
0x267: {  	v56 =	vmul.f32 v31, v31;
	v51 =	vshra.s32 v48, v46;
	v24 =	vand.u32 $0x1E, v24  }
0x268: {  	v28 =	vand.u32 $0x1E, v28;
	v35 =	vand.u32 $0x1E, v35;
	v46 =	vmul.f32 v20, v20  }
0x269: {  	v48 =	vmul.f32 v22, v22;
	v31 =	vmul.f32 $2.929687500e-03, v31;
	v26 =	vshra.s32 v43, v26  }
0x26a: {  	v37 =	vshll.u32 v51, $0x2;
	v5 =	vshra.s32 v5, v28;
	v28 =	vmul.f32 $6.835937500e-03, v44  }
0x26b: {  	v24 =	vshra.s32 v61, v24;
	v61 =	vmul.f32 $6.835937500e-03, v47;
	v21 =	vmul.f32 v56, v56;
	v40 =	vld.idx.msk [tilespmem:v40+s19+$0x0], $0xffff  }
0x26c: {  	v26 =	vshll.u32 v26, $0x2;
	v37 =	vand.u32 $0xC, v37;
	v56 =	vmul.f32 $6.835937500e-03, v56;
	[tilespmem:v9+s6+$0x0] =	vst.idx.add.f32.msk $0xffff, v15  }
0x26d: {  	v24 =	vand.u32 $0x3, v24;
	v5 =	vand.u32 $0x3, v5;
	v15 =	vshll.u32 v29, $0x1;
	v0 =	vld.idx.msk [tilespmem:v0+s19+$0x0], $0xffff  }
0x26e: {  	v29 =	vshll.u32 v38, $0x1;
	v38 =	vshll.u32 v53, $0x2;
	v26 =	vand.u32 $0xC, v26  }
0x26f: {  	v28 =	vsub.f32 v46, v28;
	v5 =	vor.u32 v5, v41;
	v52 =	vld.idx.msk [tilespmem:v17+s19+$0x0], $0xffff;
	v17 =	vmul.f32 v42, v42  }
0x270: {  	v15 =	vand.u32 $0x1E, v15;
	v29 =	vand.u32 $0x1E, v29;
	v53 =	vmul.f32 v21, v21  }
0x271: {  	v38 =	vand.u32 $0xC, v38;
	v15 =	vshra.s32 v57, v15;
	v6 =	vshra.s32 v6, v29  }
0x272: {  	v57 =	vmul.f32 $6.835937500e-03, v60;
	v43 =	vmul.f32 v17, v17;
	v0 =	vshra.s32 v0, v16  }
0x273: {  	v15 =	vand.u32 $0x3, v15;
	v60 =	vsub.f32 v53, v56;
	v0 =	vand.u32 $0x3, v0  }
0x274: {  	v15 =	vor.u32 v15, v38;
	v0 =	vor.u32 v0, v1;
	v1 =	vand.u32 $0x3, v6  }
0x275: {  	v29 =	vshra.s32 v40, v35;
	v35 =	vsub.f32 v48, v61;
	v1 =	vor.u32 v1, v39  }
0x276: {  	v16 =	vshra.s32 v52, v25;
	v25 =	vmul.f32 $6.835937500e-03, v42;
	v52 =	vmul.f32 $6.835937500e-03, v50  }
0x277: {  	v61 =	vsub.f32 v55, v57;
	v16 =	vand.u32 $0x3, v16;
	v6 =	vand.u32 $0x3, v29  }
0x278: {  	v12 =	vld.idx.msk [tilespmem:v5+s21+$0x0], $0xffff;
	v25 =	vsub.f32 v43, v25;
	v29 =	vor.u32 v16, v37;
	v58 =	vsub.f32 v58, v52  }
0x279: {  	v6 =	vor.u32 v6, v26;
	v26 =	vadd.f32 $-3.204345700e-04, v27;
	v27 =	vadd.f32 $-3.204345700e-04, v33;
	v10 =	vld.idx.msk [tilespmem:v15+s21+$0x0], $0xffff  }
0x27a: {  	s22 =	sadd.s32 $0x8, s22;
	v24 =	vor.u32 v24, v45;
	v15 =	vadd.f32 $-3.204345700e-04, v30;
	v30 =	vadd.f32 $-3.204345700e-04, v31;
	v13 =	vld.idx.msk [tilespmem:v1+s21+$0x0], $0xffff  }
0x27b: {  	p0 =	slt.u32 s22, $0x78;
	v31 =	vadd.f32 $-3.204345700e-04, v36;
	v28 =	vadd.f32 v28, v26;
	v1 =	vld [tilespmem:$0x1FF80]  }
.Ltmp8:
0x27c: {  	v34 =	vmul.f32 $2.929687500e-03, v34;
	v5 =	vadd.f32 v35, v27;
	v16 =	vld.idx.msk [tilespmem:v0+s21+$0x0], $0xffff;
	v0 =	vadd.f32 $-3.204345700e-04, v32;
	(pc) =	sbr.rel @p0 .LBB2_10-.Ltmp8, $4  }
0x27d: {  	vm8 =	vlt.f32 v14, $4.000000000e+00;
	v26 =	vadd.f32 v60, v30;
	v27 =	vadd.f32 v61, v31  }
0x27e: {  	vm5 =	vlt.f32 v11, $4.000000000e+00;
	v62 =	vmovc v3;
	v14 =	vld.idx.msk [tilespmem:v29+s21+$0x0], $0xffff;
	v29 =	vadd.f32 $-3.204345700e-04, v34;
	v0 =	vadd.f32 v25, v0  }
0x27f: {  	v11 =	vld.idx.msk [tilespmem:v24+s21+$0x0], $0xffff;
	v28 =	vmul.f32 v28, v20;
	v22 =	vmul.f32 v5, v22;
	v25 =	vadd.f32 v58, v15  }
0x280: {  	s23 =	sadd.s32 $0x80, s23;
	[tilespmem:$0x1FF90] =	vst v4;
	v9 =	vld.idx.msk [tilespmem:v6+s21+$0x0], $0xffff;
	v29 =	vadd.f32 v59, v29;
	v24 =	vmul.f32 v0, v17;
	v15 =	vnsel vm2, $0x0, v1  }
0x281: {  	_ = 	snop  }
0x282: {  	v10 =	vmul.f32 v22, v10  }
0x283: {  	v1 =	vmul.f32 v25, v18;
	v0 =	vmul.f32 v24, v16  }
0x284: {  	v5 =	vmul.f32 v28, v14;
	v3 =	vnsel vm1, $0x0, v10  }
0x285: {  	v0 =	vnsel vm8, $0x0, v0;
	v1 =	vmul.f32 v1, v11;
	[tilespmem:v62+s6+$0x0] =	vst.idx.add.f32.msk $0xffff, v3  }
0x286: {  	v5 =	vnsel vm0, $0x0, v5;
	[tilespmem:v63+s6+$0x0] =	vst.idx.add.f32.msk $0xffff, v0  }
0x287: {  	[tilespmem:v2+s6+$0x0] =	vst.idx.add.f32.msk $0xffff, v5;
	v1 =	vnsel vm3, $0x0, v1  }
0x288: {  	[tilespmem:v7+s6+$0x0] =	vst.idx.add.f32.msk $0xffff, v1  }
0x289: {  	v3 =	vld [tilespmem:$0x1FFA0];
	_ =	sdelay $0x2  }
0x28a: {  	v6 =	vmul.f32 v29, v19;
	_ =	sdelay $0x1  }
0x28b: {  	v0 =	vmul.f32 v6, v12;
	_ =	sdelay $0x1  }
0x28c: {  	v0 =	vnsel vm5, $0x0, v0  }
0x28d: {  	[tilespmem:v3+s6+$0x0] =	vst.idx.add.f32.msk $0xffff, v0  }
0x28e: {  	v0 =	vld [tilespmem:$0x1FFB0];
	_ =	sdelay $0x2  }
0x28f: {  	v61 =	vmul.f32 v26, v21;
	_ =	sdelay $0x1  }
0x290: {  	v63 =	vmul.f32 v61, v13;
	v2 =	vmul.f32 v27, v23;
	_ =	sdelay $0x1  }
0x291: {  	v1 =	vmul.f32 v2, v9;
	v2 =	vnsel vm6, $0x0, v63  }
0x292: {  	[tilespmem:v0+s6+$0x0] =	vst.idx.add.f32.msk $0xffff, v2  }
0x293: {  	v0 =	vld [tilespmem:$0x1FF90];
	_ =	sdelay $0x6  }
0x294: {  	vm15 =	vmmov vm7  }
0x295: {  	[tilespmem:v0+s6+$0x0] =	vst.idx.add.f32.msk $0xffff, v15;
	v0 =	vnsel vm15, $0x0, v1  }
0x296: {  	[tilespmem:v8+s6+$0x0] =	vst.idx.add.f32.msk $0xffff, v0;
	v0 =	vimm.f32 $0.0e+00  }
.LBB2_12:
0x297: {  	s5 =	sadd.s32 $0x4, s3  }
0x298: {  	p0 =	sge.u32 s5, s7  }
0x299: {  	s5 =	sadd.s32 @!p0 s8, s5  }
0x29a: {  	s22 =	sshll.u32 @!p0 s5, $0x8  }
0x29b: {  	s23 =	simm.s32 @!p0 $0x0;
	s5 =	sshll.u32 @!p0 s5, $0x9;
	s22 =	sand.u32 @!p0 $0x1FFFFF00, s22  }
0x29c: {  	s24 =	simm.s32 @!p0 $0x1A800;
	s5 =	sand.u32 @!p0 $0x1FFFFE00, s5;
	s22 =	sadd.s32 @!p0 s1, s22  }
0x29d: {  	[tilespmem:s24], [sflag:$0x2] =	stream.linear.gather @!p0 [hbm4b:s22+s23], $0x800, $0x38;
	[tilespmem:$0x1E800] =	vst v63  }
0x29e: {  	s5 =	sadd.s32 @!p0 s2, s5;
	s22 =	simm.s32 @!p0 $0x1C800  }
0x29f: {  	[tilespmem:s22], [sflag:$0x2] =	stream.linear.gather @!p0 [hbm4b:s5+s23], $0x1000, $0x38;
	[tilespmem:$0x1E800] =	vst v63  }
0x2a0: {  	p0 =	sge.u32 s3, s16  }
.Ltmp9:
0x2a1: {  	_ = 	snop;
	(pc) =	sbr.rel @p0 .LBB2_16-.Ltmp9, $1  }
0x2a2: {  	_ =	sdelay $0x3  }
0x2a3: {  	_ =	swait.ge [sflag:s31], $0x800  }
0x2a4: {  	[sflag:s31] =	ssyncset.done $0x0  }
0x2a5: {  	[sflag:s31] =	ssyncadd.s32 $0xFFFFF800  }
0x2a6: {  	_ =	swait.ge [sflag:s31], $0x1000  }
0x2a7: {  	[sflag:s31] =	ssyncset.done $0x0  }
0x2a8: {  	s22 =	simm.s32 $0x1B040;
	[sflag:s31] =	ssyncadd.s32 $0xFFFFF000  }
0x2a9: {  	s5 =	simm.s32 $0x1D880;
	v0 =	vld [tilespmem:s22+$0x30]  }
0x2aa: {  	v9 =	vld [tilespmem:s5+$0xFFFFFFF0]  }
0x2ab: {  	v1 =	vld [tilespmem:s5+$0x70]  }
0x2ac: {  	v7 =	vld [tilespmem:s22+$0xFFFFFFD0]  }
0x2ad: {  	v8 =	vld [tilespmem:s22+$0xFFFFFFE0]  }
0x2ae: {  	v5 =	vld [tilespmem:s22+$0xFFFFFFF0]  }
0x2af: {  	v4 =	vld [tilespmem:s22+$0x0]  }
0x2b0: {  	v2 =	vld [tilespmem:s22+$0x10]  }
0x2b1: {  	v3 =	vld [tilespmem:s22+$0x20]  }
0x2b2: {  	v6 =	vld [tilespmem:s22+$0xFFFFFFC0]  }
0x2b3: {  	v37 =	vld [tilespmem:s5+$0x30]  }
0x2b4: {  	v40 =	vld [tilespmem:s5+$0x60];
	v10 =	vsub.s32 $0x7EF311C3, v0;
	v11 =	vshra.s32 v9, $0x4  }
0x2b5: {  	v13 =	vshra.s32 v1, $0x4;
	v14 =	vsub.s32 $0x7EF311C3, v7;
	vm3 =	vlt.f32 v7, $4.000000000e+00  }
0x2b6: {  	v15 =	vsub.s32 $0x7EF311C3, v8;
	vm2 =	vlt.f32 v8, $4.000000000e+00;
	v18 =	vsub.s32 $0x7EF311C3, v5  }
0x2b7: {  	v19 =	vsub.s32 $0x7EF311C3, v4;
	v22 =	vsub.s32 $0x7EF311C3, v2;
	v24 =	vsub.s32 $0x7EF311C3, v3  }
0x2b8: {  	v25 =	vsub.s32 $0x7EF311C3, v6;
	v29 =	vshll.u32 v9, $0x1;
	v1 =	vshll.u32 v1, $0x1  }
0x2b9: {  	vm0 =	vlt.f32 v0, $4.000000000e+00;
	v46 =	vshra.s32 v37, $0x4;
	v47 =	vshra.s32 v40, $0x4  }
0x2ba: {  	v37 =	vshll.u32 v37, $0x1;
	v40 =	vshll.u32 v40, $0x1;
	vm5 =	vlt.f32 v5, $4.000000000e+00  }
0x2bb: {  	vm6 =	vlt.f32 v4, $4.000000000e+00;
	v12 =	vmul.f32 v10, v0;
	v16 =	vmul.f32 v14, v7  }
0x2bc: {  	vm7 =	vlt.f32 v2, $4.000000000e+00;
	v17 =	vmul.f32 v15, v8;
	v21 =	vmul.f32 v19, v4  }
0x2bd: {  	vm4 =	vlt.f32 v3, $4.000000000e+00;
	v23 =	vmul.f32 v22, v2;
	v27 =	vmul.f32 v25, v6  }
0x2be: {  	v26 =	vmul.f32 v24, v3;
	v29 =	vand.u32 $0x1E, v29;
	v12 =	vsub.f32 $2.000000000e+00, v12  }
0x2bf: {  	v1 =	vand.u32 $0x1E, v1;
	v16 =	vsub.f32 $2.000000000e+00, v16;
	v27 =	vsub.f32 $2.000000000e+00, v27  }
0x2c0: {  	v17 =	vsub.f32 $2.000000000e+00, v17;
	v21 =	vsub.f32 $2.000000000e+00, v21;
	v10 =	vmul.f32 v10, v12  }
0x2c1: {  	v23 =	vsub.f32 $2.000000000e+00, v23;
	v12 =	vmul.f32 v18, v5;
	v25 =	vmul.f32 v25, v27  }
0x2c2: {  	v26 =	vsub.f32 $2.000000000e+00, v26;
	v20 =	vld.idx.msk [tilespmem:v11+s19+$0x0], $0xffff;
	v31 =	vmul.f32 v14, v16;
	v17 =	vmul.f32 v15, v17  }
0x2c3: {  	v37 =	vand.u32 $0x1E, v37;
	v13 =	vld.idx.msk [tilespmem:v13+s19+$0x0], $0xffff;
	v19 =	vmul.f32 v19, v21;
	v21 =	vmul.f32 v22, v23  }
0x2c4: {  	v40 =	vand.u32 $0x1E, v40;
	v14 =	vld [tilespmem:s5+$0xFFFFFFC0];
	v22 =	vmul.f32 v24, v26;
	v11 =	vmul.f32 v10, v0  }
0x2c5: {  	v15 =	vld [tilespmem:s5+$0xFFFFFFD0];
	v30 =	vsub.f32 $2.000000000e+00, v12;
	v26 =	vmul.f32 v25, v6;
	v7 =	vmul.f32 v31, v7  }
0x2c6: {  	v8 =	vmul.f32 v17, v8;
	v38 =	vmul.f32 v22, v3;
	v28 =	vsub.f32 $2.000000000e+00, v11  }
0x2c7: {  	v35 =	vmul.f32 v19, v4;
	v26 =	vsub.f32 $2.000000000e+00, v26;
	v7 =	vsub.f32 $2.000000000e+00, v7  }
0x2c8: {  	v39 =	vld [tilespmem:s5+$0x40];
	v18 =	vmul.f32 v18, v30;
	v8 =	vsub.f32 $2.000000000e+00, v8;
	v38 =	vsub.f32 $2.000000000e+00, v38  }
0x2c9: {  	v20 =	vshra.s32 v20, v29;
	v1 =	vshra.s32 v13, v1;
	v34 =	vshra.s32 v14, $0x4  }
0x2ca: {  	v0 =	vshra.s32 v15, $0x4;
	v55 =	vshll.u32 v14, $0x1;
	v57 =	vshll.u32 v15, $0x1  }
0x2cb: {  	v12 =	vld [tilespmem:s5+$0xFFFFFF90];
	v28 =	vmul.f32 v28, v10;
	v13 =	vshll.u32 v20, $0x2;
	v25 =	vmul.f32 v26, v25  }
0x2cc: {  	v1 =	vand.u32 $0x3, v1;
	v26 =	vmul.f32 v7, v31;
	v42 =	vmul.f32 v8, v17  }
0x2cd: {  	v7 =	vmul.f32 v38, v22;
	v22 =	vshra.s32 v39, $0x4;
	v55 =	vand.u32 $0x1E, v55  }
0x2ce: {  	v11 =	vld [tilespmem:s5+$0xFFFFFF80];
	v57 =	vand.u32 $0x1E, v57;
	v39 =	vshll.u32 v39, $0x1;
	v20 =	vmul.f32 v28, v28  }
0x2cf: {  	v30 =	vld [tilespmem:s5+$0x10];
	v13 =	vand.u32 $0xC, v13;
	v16 =	vmul.f32 $2.929687500e-03, v28;
	v48 =	vmul.f32 v25, v25  }
0x2d0: {  	v32 =	vshra.s32 v12, $0x4;
	v49 =	vmul.f32 v26, v26;
	v50 =	vmul.f32 v42, v42  }
0x2d1: {  	v10 =	vld [tilespmem:s5+$0xFFFFFFA0];
	v29 =	vor.u32 v1, v13;
	v56 =	vmul.f32 v7, v7;
	v25 =	vmul.f32 $2.929687500e-03, v25  }
0x2d2: {  	v39 =	vand.u32 $0x1E, v39;
	v26 =	vmul.f32 $2.929687500e-03, v26;
	v42 =	vmul.f32 $2.929687500e-03, v42  }
0x2d3: {  	v7 =	vmul.f32 $2.929687500e-03, v7;
	v28 =	vshra.s32 v11, $0x4;
	v27 =	vmul.f32 v20, v20  }
0x2d4: {  	v13 =	vld [tilespmem:s5+$0xFFFFFFB0];
	v44 =	vshra.s32 v30, $0x4;
	v17 =	vshll.u32 v11, $0x1;
	v30 =	vshll.u32 v30, $0x1  }
0x2d5: {  	v20 =	vmul.f32 $6.835937500e-03, v20;
	v16 =	vadd.f32 $-3.204345700e-04, v16;
	v1 =	vmul.f32 v27, v27  }
0x2d6: {  	v8 =	vmul.f32 v48, v48;
	v59 =	vand.u32 $0x1E, v17;
	v33 =	vshra.s32 v10, $0x4;
	v23 =	vld.idx.msk [tilespmem:v29+s21+$0x0], $0xffff  }
0x2d7: {  	v17 =	vmul.f32 v49, v49;
	v30 =	vand.u32 $0x1E, v30;
	v29 =	vld [tilespmem:s5+$0x0];
	v20 =	vsub.f32 v1, v20  }
0x2d8: {  	v25 =	vadd.f32 $-3.204345700e-04, v25;
	v26 =	vadd.f32 $-3.204345700e-04, v26;
	v51 =	vshll.u32 v10, $0x1;
	v1 =	vld [tilespmem:s5+$0xFFFFFFE0]  }
0x2d9: {  	v51 =	vand.u32 $0x1E, v51;
	v54 =	vshll.u32 v13, $0x1;
	v16 =	vadd.f32 v20, v16  }
0x2da: {  	v24 =	vshra.s32 v13, $0x4;
	v54 =	vand.u32 $0x1E, v54;
	v20 =	vmul.f32 v18, v5  }
0x2db: {  	v33 =	vld.idx.msk [tilespmem:v33+s19+$0x0], $0xffff;
	v5 =	vadd.f32 $-3.204345700e-04, v7;
	v16 =	vmul.f32 v16, v27;
	v27 =	vmul.f32 v21, v2  }
0x2dc: {  	v36 =	vld [tilespmem:s5+$0x20];
	v20 =	vsub.f32 $2.000000000e+00, v20;
	v41 =	vshra.s32 v29, $0x4;
	v29 =	vshll.u32 v29, $0x1  }
0x2dd: {  	v32 =	vld.idx.msk [tilespmem:v32+s19+$0x0], $0xffff;
	v31 =	vshra.s32 v1, $0x4;
	v58 =	vshll.u32 v1, $0x1;
	v29 =	vand.u32 $0x1E, v29  }
0x2de: {  	v16 =	vmul.f32 v16, v23;
	v23 =	vsub.f32 $2.000000000e+00, v35;
	v27 =	vsub.f32 $2.000000000e+00, v27  }
0x2df: {  	v43 =	vmul.f32 v20, v18;
	v18 =	vshll.u32 v12, $0x1;
	v58 =	vand.u32 $0x1E, v58  }
0x2e0: {  	v61 =	vand.u32 $0x1E, v18;
	v33 =	vshra.s32 v33, v51;
	v16 =	vnsel vm0, $0x0, v16  }
0x2e1: {  	v45 =	vmul.f32 v23, v19;
	v20 =	vmul.f32 v27, v21;
	v27 =	vshra.s32 v36, $0x4;
	v19 =	vld.idx.msk [tilespmem:v28+s19+$0x0], $0xffff  }
0x2e2: {  	v35 =	vld [tilespmem:s5+$0x50];
	v28 =	vmul.f32 v43, v43;
	[tilespmem:$0x1FF50] =	vst v1;
	v21 =	vmul.f32 v50, v50;
	v32 =	vshra.s32 v32, v61  }
0x2e3: {  	v36 =	vshll.u32 v36, $0x1;
	v33 =	vshll.u32 v33, $0x2;
	v43 =	vmul.f32 $2.929687500e-03, v43;
	v60 =	vld.idx.msk [tilespmem:v24+s19+$0x0], $0xffff  }
0x2e4: {  	vm0 =	vlt.f32 v6, $4.000000000e+00;
	v34 =	vld.idx.msk [tilespmem:v34+s19+$0x0], $0xffff;
	v36 =	vand.u32 $0x1E, v36;
	v32 =	vshll.u32 v32, $0x2  }
0x2e5: {  	v0 =	vld.idx.msk [tilespmem:v0+s19+$0x0], $0xffff;
	v33 =	vand.u32 $0xC, v33;
	v52 =	vmul.f32 v45, v45;
	v53 =	vmul.f32 v20, v20  }
0x2e6: {  	v41 =	vld.idx.msk [tilespmem:v41+s19+$0x0], $0xffff;
	v18 =	vmul.f32 v28, v28;
	v28 =	vmul.f32 $6.835937500e-03, v28;
	v32 =	vand.u32 $0xC, v32  }
0x2e7: {  	v44 =	vld.idx.msk [tilespmem:v44+s19+$0x0], $0xffff;
	v45 =	vmul.f32 $2.929687500e-03, v45;
	v20 =	vmul.f32 $2.929687500e-03, v20;
	v38 =	vshra.s32 v35, $0x4  }
0x2e8: {  	v46 =	vld.idx.msk [tilespmem:v46+s19+$0x0], $0xffff;
	v35 =	vshll.u32 v35, $0x1;
	v23 =	vmul.f32 v52, v52;
	v24 =	vmul.f32 v53, v53  }
0x2e9: {  	v22 =	vld.idx.msk [tilespmem:v22+s19+$0x0], $0xffff;
	v35 =	vand.u32 $0x1E, v35;
	v6 =	vadd.f32 $-3.204345700e-04, v45;
	v20 =	vadd.f32 $-3.204345700e-04, v20  }
0x2ea: {  	v47 =	vld.idx.msk [tilespmem:v47+s19+$0x0], $0xffff;
	v59 =	vshra.s32 v19, v59;
	v19 =	vmul.f32 v56, v56;
	v60 =	vshra.s32 v60, v54  }
0x2eb: {  	v31 =	vld.idx.msk [tilespmem:v31+s19+$0x0], $0xffff;
	v34 =	vshra.s32 v34, v55;
	v0 =	vshra.s32 v0, v57;
	v55 =	vmul.f32 v8, v8  }
0x2ec: {  	v54 =	vshll.u32 v59, $0x2;
	v57 =	vmul.f32 v17, v17;
	v59 =	vmul.f32 v18, v18  }
0x2ed: {  	v29 =	vshra.s32 v41, v29;
	v41 =	vmul.f32 v24, v24;
	v30 =	vshra.s32 v44, v30  }
0x2ee: {  	v61 =	vshra.s32 v46, v37;
	v22 =	vshra.s32 v22, v39;
	v37 =	vmul.f32 $6.835937500e-03, v48  }
0x2ef: {  	v62 =	vshra.s32 v47, v40;
	v40 =	vmul.f32 $6.835937500e-03, v50;
	v47 =	vmul.f32 $6.835937500e-03, v52  }
0x2f0: {  	v52 =	vmul.f32 $6.835937500e-03, v53;
	v53 =	vmul.f32 $6.835937500e-03, v56;
	v31 =	vshra.s32 v31, v58  }
0x2f1: {  	v27 =	vld.idx.msk [tilespmem:v27+s19+$0x0], $0xffff;
	v58 =	vmul.f32 v21, v21;
	v51 =	vshll.u32 v60, $0x2;
	v34 =	vshll.u32 v34, $0x2  }
0x2f2: {  	v60 =	vmul.f32 v23, v23;
	v0 =	vshll.u32 v0, $0x2;
	v44 =	vmul.f32 v19, v19  }
0x2f3: {  	v63 =	vand.u32 $0xC, v54;
	v29 =	vand.u32 $0x3, v29;
	v30 =	vand.u32 $0x3, v30  }
0x2f4: {  	v22 =	vand.u32 $0x3, v22;
	v31 =	vshll.u32 v31, $0x2;
	v54 =	vand.u32 $0xC, v51  }
0x2f5: {  	s24 =	simm.s32 $0x1B0C0;
	v38 =	vld.idx.msk [tilespmem:v38+s19+$0x0], $0xffff;
	v34 =	vand.u32 $0xC, v34;
	v29 =	vor.u32 v29, v63;
	v30 =	vor.u32 v30, v32  }
0x2f6: {  	v32 =	vld [tilespmem:s24+$0xFFFFFFC0];
	v22 =	vor.u32 v22, v34;
	v27 =	vshra.s32 v27, v36;
	v36 =	vand.u32 $0x3, v61  }
0x2f7: {  	v34 =	vld [tilespmem:s24+$0x30];
	v61 =	vand.u32 $0x3, v62;
	v62 =	vsub.f32 v55, v37;
	v27 =	vand.u32 $0x3, v27  }
0x2f8: {  	s5 =	simm.s32 $0x1D980;
	v51 =	vsub.f32 v41, v52;
	v52 =	vsub.f32 v44, v53;
	v27 =	vor.u32 v27, v33;
	v33 =	vld [tilespmem:s24+$0xFFFFFFD0]  }
0x2f9: {  	v28 =	vsub.f32 v59, v28;
	v31 =	vand.u32 $0xC, v31;
	v7 =	vadd.f32 v62, v25;
	v62 =	vld [tilespmem:s5+$0xFFFFFFA0]  }
0x2fa: {  	v46 =	vsub.f32 v58, v40;
	v36 =	vor.u32 v36, v54;
	v5 =	vadd.f32 v52, v5;
	v29 =	vld.idx.msk [tilespmem:v29+s21+$0x0], $0xffff  }
0x2fb: {  	v50 =	vsub.f32 v60, v47;
	v53 =	vadd.f32 $-3.204345700e-04, v42;
	v31 =	vor.u32 v61, v31;
	v30 =	vld.idx.msk [tilespmem:v30+s21+$0x0], $0xffff  }
0x2fc: {  	v35 =	vshra.s32 v38, v35;
	v38 =	vmul.f32 $6.835937500e-03, v49;
	v3 =	vmul.f32 v5, v19;
	v19 =	vld [tilespmem:s24+$0xFFFFFFE0]  }
0x2fd: {  	v0 =	vand.u32 $0xC, v0;
	v54 =	vadd.f32 $-3.204345700e-04, v43;
	v6 =	vadd.f32 v50, v6;
	v55 =	vld.idx.msk [tilespmem:v22+s21+$0x0], $0xffff  }
0x2fe: {  	v7 =	vmul.f32 v7, v8;
	v8 =	vadd.f32 v51, v20;
	v20 =	vld [tilespmem:s24+$0x20];
	v63 =	vsub.f32 v57, v38  }
0x2ff: {  	v6 =	vmul.f32 v6, v23;
	v58 =	vsub.s32 $0x7EF311C3, v32;
	v56 =	vand.u32 $0x3, v35;
	v36 =	vld.idx.msk [tilespmem:v36+s21+$0x0], $0xffff  }
0x300: {  	v22 =	vadd.f32 v46, v53;
	vm8 =	vlt.f32 v34, $4.000000000e+00;
	v25 =	vld.idx.msk [tilespmem:v31+s21+$0x0], $0xffff;
	v4 =	vadd.f32 v63, v26  }
0x301: {  	v0 =	vor.u32 v56, v0;
	v2 =	vmul.f32 v8, v24;
	v27 =	vld.idx.msk [tilespmem:v27+s21+$0x0], $0xffff;
	v26 =	vadd.f32 v28, v54  }
0x302: {  	v5 =	vsub.s32 $0x7EF311C3, v33;
	v63 =	vld [tilespmem:s5+$0xFFFFFF80];
	v7 =	vmul.f32 v7, v29;
	v4 =	vmul.f32 v4, v17  }
0x303: {  	v29 =	vld [tilespmem:s24+$0x0];
	vm1 =	vlt.f32 v19, $4.000000000e+00;
	v17 =	vmul.f32 v22, v21;
	v18 =	vmul.f32 v26, v18  }
0x304: {  	v22 =	vld [tilespmem:s5+$0xFFFFFFF0];
	v26 =	vmul.f32 v6, v55;
	v6 =	vmul.f32 v5, v33;
	v40 =	vsub.s32 $0x7EF311C3, v20  }
0x305: {  	v21 =	vld [tilespmem:s5+$0x70];
	v31 =	vnsel vm0, $0x0, v7;
	vm0 =	vlt.f32 v33, $4.000000000e+00;
	v51 =	vmul.f32 v40, v20  }
0x306: {  	v0 =	vld.idx.msk [tilespmem:v0+s21+$0x0], $0xffff;
	v23 =	vmul.f32 v4, v30;
	v6 =	vsub.f32 $2.000000000e+00, v6;
	v28 =	vmul.f32 v17, v27  }
0x307: {  	v27 =	vmul.f32 v18, v36;
	v17 =	vmul.f32 v3, v25;
	v18 =	vsub.s32 $0x7EF311C3, v19  }
0x308: {  	v43 =	vsub.f32 $2.000000000e+00, v51;
	v47 =	vshra.s32 v63, $0x4;
	v51 =	vshra.s32 v62, $0x4  }
0x309: {  	v30 =	vld [tilespmem:s24+$0xFFFFFFF0];
	v7 =	vmul.f32 v18, v19;
	v36 =	vsub.s32 $0x7EF311C3, v29;
	v48 =	vmul.f32 v5, v6  }
0x30a: {  	v25 =	vld [tilespmem:s24+$0x10];
	v4 =	vshra.s32 v21, $0x4;
	v56 =	vmul.f32 v36, v29;
	v52 =	vshll.u32 v22, $0x1  }
0x30b: {  	v21 =	vshll.u32 v21, $0x1;
	v43 =	vmul.f32 v40, v43;
	v24 =	vmul.f32 v2, v0  }
0x30c: {  	v0 =	vsub.s32 $0x7EF311C3, v34;
	v2 =	vshra.s32 v22, $0x4;
	v59 =	vsub.f32 $2.000000000e+00, v7  }
0x30d: {  	v7 =	vmul.f32 v58, v32;
	v21 =	vand.u32 $0x1E, v21;
	v33 =	vmul.f32 v48, v33  }
0x30e: {  	v3 =	vmul.f32 v0, v34;
	v35 =	vsub.s32 $0x7EF311C3, v30;
	v37 =	vsub.f32 $2.000000000e+00, v56  }
0x30f: {  	v8 =	vmul.f32 v35, v30;
	v38 =	vsub.s32 $0x7EF311C3, v25;
	v55 =	vsub.f32 $2.000000000e+00, v7  }
0x310: {  	v18 =	vmul.f32 v18, v59;
	v3 =	vsub.f32 $2.000000000e+00, v3;
	v57 =	vmul.f32 v38, v25  }
0x311: {  	v1 =	vld [tilespmem:s5+$0xFFFFFFD0];
	v36 =	vmul.f32 v36, v37;
	v54 =	vsub.f32 $2.000000000e+00, v8;
	v41 =	vmul.f32 v58, v55  }
0x312: {  	v33 =	vsub.f32 $2.000000000e+00, v33;
	v4 =	vld.idx.msk [tilespmem:v4+s19+$0x0], $0xffff;
	v19 =	vmul.f32 v18, v19;
	v0 =	vmul.f32 v0, v3  }
0x313: {  	v2 =	vld.idx.msk [tilespmem:v2+s19+$0x0], $0xffff;
	v39 =	vsub.f32 $2.000000000e+00, v57;
	v61 =	vmul.f32 v36, v29;
	v35 =	vmul.f32 v35, v54  }
0x314: {  	v8 =	vand.u32 $0x1E, v52;
	v59 =	vmul.f32 v41, v32;
	v3 =	vmul.f32 v0, v34  }
0x315: {  	v54 =	vmul.f32 v43, v20;
	v19 =	vsub.f32 $2.000000000e+00, v19;
	v45 =	vmul.f32 v38, v39  }
0x316: {  	v61 =	vsub.f32 $2.000000000e+00, v61;
	v60 =	vmul.f32 v35, v30;
	v53 =	vsub.f32 $2.000000000e+00, v3  }
0x317: {  	v44 =	vld [tilespmem:s5+$0x30];
	v38 =	vsub.f32 $2.000000000e+00, v59;
	v59 =	vshra.s32 v1, $0x4;
	v54 =	vsub.f32 $2.000000000e+00, v54  }
0x318: {  	v7 =	vshra.s32 v4, v21;
	v8 =	vshra.s32 v2, v8;
	v2 =	vld [tilespmem:s5+$0xFFFFFF90];
	v0 =	vmul.f32 v53, v0  }
0x319: {  	v55 =	vld [tilespmem:s5+$0x40];
	v36 =	vmul.f32 v61, v36;
	v7 =	vand.u32 $0x3, v7;
	v60 =	vsub.f32 $2.000000000e+00, v60  }
0x31a: {  	v3 =	vld [tilespmem:s5+$0xFFFFFFC0];
	v40 =	vmul.f32 v38, v41;
	v8 =	vshll.u32 v8, $0x2;
	v21 =	vmul.f32 v0, v0  }
0x31b: {  	v46 =	vld [tilespmem:s5+$0x0];
	v38 =	vmul.f32 v19, v18;
	v34 =	vmul.f32 v54, v43;
	v8 =	vand.u32 $0xC, v8  }
0x31c: {  	v53 =	vmul.f32 v45, v25;
	v56 =	vor.u32 v7, v8;
	v7 =	vld [tilespmem:s5+$0xFFFFFFB0];
	v57 =	vmul.f32 v21, v21  }
0x31d: {  	v61 =	vmul.f32 v36, v36;
	v0 =	vmul.f32 $2.929687500e-03, v0;
	v8 =	vld [tilespmem:s5+$0xFFFFFFE0];
	v49 =	vshra.s32 v2, $0x4  }
0x31e: {  	v47 =	vld.idx.msk [tilespmem:v47+s19+$0x0], $0xffff;
	v43 =	vshra.s32 v55, $0x4;
	v21 =	vmul.f32 $6.835937500e-03, v21;
	v58 =	vmul.f32 v57, v57  }
0x31f: {  	v52 =	vld [tilespmem:s5+$0x20];
	v35 =	vmul.f32 v60, v35;
	v53 =	vsub.f32 $2.000000000e+00, v53;
	v50 =	vshra.s32 v3, $0x4  }
0x320: {  	v0 =	vadd.f32 $-3.204345700e-04, v0;
	v60 =	vshll.u32 v2, $0x1;
	v21 =	vsub.f32 v58, v21;
	v58 =	vld [tilespmem:s5+$0x60]  }
0x321: {  	v60 =	vand.u32 $0x1E, v60;
	v37 =	vld.idx.msk [tilespmem:v56+s21+$0x0], $0xffff;
	v42 =	vshra.s32 v7, $0x4;
	v56 =	vshll.u32 v63, $0x1  }
0x322: {  	v41 =	vshra.s32 v8, $0x4;
	v56 =	vand.u32 $0x1E, v56;
	v19 =	vld.idx.msk [tilespmem:v49+s19+$0x0], $0xffff;
	v0 =	vadd.f32 v21, v0  }
0x323: {  	v49 =	vld.idx.msk [tilespmem:v51+s19+$0x0], $0xffff;
	v51 =	vshra.s32 v44, $0x4;
	v47 =	vshra.s32 v47, v56;
	v56 =	vshll.u32 v62, $0x1  }
0x324: {  	v44 =	vshll.u32 v44, $0x1;
	v21 =	vld [tilespmem:s5+$0x10];
	v56 =	vand.u32 $0x1E, v56;
	v0 =	vmul.f32 v0, v57  }
0x325: {  	v47 =	vshll.u32 v47, $0x2;
	v57 =	vmul.f32 v40, v40;
	v54 =	vshra.s32 v58, $0x4  }
0x326: {  	v39 =	vmul.f32 v0, v37;
	v37 =	vmul.f32 v33, v48;
	v48 =	vshra.s32 v46, $0x4  }
0x327: {  	v50 =	vld.idx.msk [tilespmem:v50+s19+$0x0], $0xffff;
	v33 =	vmul.f32 v53, v45;
	v45 =	vshra.s32 v52, $0x4;
	v19 =	vshra.s32 v19, v60  }
0x328: {  	v42 =	vld.idx.msk [tilespmem:v42+s19+$0x0], $0xffff;
	v60 =	vshll.u32 v7, $0x1;
	v49 =	vshra.s32 v49, v56;
	v56 =	vshll.u32 v3, $0x1  }
0x329: {  	v59 =	vld.idx.msk [tilespmem:v59+s19+$0x0], $0xffff;
	v46 =	vshll.u32 v46, $0x1;
	v52 =	vshll.u32 v52, $0x1;
	v18 =	vshra.s32 v21, $0x4  }
0x32a: {  	v41 =	vld.idx.msk [tilespmem:v41+s19+$0x0], $0xffff;
	v60 =	vand.u32 $0x1E, v60;
	v56 =	vand.u32 $0x1E, v56;
	v46 =	vand.u32 $0x1E, v46  }
0x32b: {  	v0 =	vld [tilespmem:s5+$0x50];
	v21 =	vshll.u32 v21, $0x1;
	v52 =	vand.u32 $0x1E, v52;
	v19 =	vshll.u32 v19, $0x2  }
0x32c: {  	v50 =	vshra.s32 v50, v56;
	v56 =	vshll.u32 v8, $0x1;
	v21 =	vand.u32 $0x1E, v21;
	v48 =	vld.idx.msk [tilespmem:v48+s19+$0x0], $0xffff;
	[tilespmem:$0x1FF60] =	vst v3  }
0x32d: {  	v19 =	vand.u32 $0xC, v19;
	v42 =	vshra.s32 v42, v60;
	v60 =	vshll.u32 v1, $0x1;
	[tilespmem:$0x1FF70] =	vst v1  }
0x32e: {  	v56 =	vand.u32 $0x1E, v56;
	v50 =	vshll.u32 v50, $0x2;
	v60 =	vand.u32 $0x1E, v60;
	v18 =	vld.idx.msk [tilespmem:v18+s19+$0x0], $0xffff  }
0x32f: {  	v41 =	vshra.s32 v41, v56;
	v56 =	vmul.f32 v38, v38;
	v42 =	vshll.u32 v42, $0x2;
	v45 =	vld.idx.msk [tilespmem:v45+s19+$0x0], $0xffff  }
0x330: {  	v50 =	vand.u32 $0xC, v50;
	v53 =	vshra.s32 v0, $0x4;
	v59 =	vshra.s32 v59, v60;
	v51 =	vld.idx.msk [tilespmem:v51+s19+$0x0], $0xffff  }
0x331: {  	v60 =	vmul.f32 v37, v37;
	v0 =	vshll.u32 v0, $0x1;
	v41 =	vshll.u32 v41, $0x2;
	v43 =	vld.idx.msk [tilespmem:v43+s19+$0x0], $0xffff  }
0x332: {  	v0 =	vand.u32 $0x1E, v0;
	[tilespmem:v11+s6+$0x0] =	vst.idx.add.f32.msk $0xffff, v31;
	v31 =	vand.u32 $0xC, v41;
	v46 =	vshra.s32 v48, v46  }
0x333: {  	v48 =	vmul.f32 v35, v35;
	v21 =	vshra.s32 v18, v21;
	v18 =	vand.u32 $0x1E, v44  }
0x334: {  	v44 =	vshra.s32 v45, v52;
	v45 =	vmul.f32 v33, v33;
	v52 =	vld.idx.msk [tilespmem:v54+s19+$0x0], $0xffff;
	v54 =	vshll.u32 v55, $0x1  }
0x335: {  	v55 =	vmul.f32 v57, v57;
	v57 =	vmul.f32 $6.835937500e-03, v57;
	v46 =	vand.u32 $0x3, v46  }
0x336: {  	v53 =	vld.idx.msk [tilespmem:v53+s19+$0x0], $0xffff;
	v51 =	vshra.s32 v51, v18;
	v18 =	vand.u32 $0x1E, v54;
	v54 =	vmul.f32 v60, v60  }
0x337: {  	v21 =	vand.u32 $0x3, v21;
	v44 =	vand.u32 $0x3, v44;
	v43 =	vshra.s32 v43, v18  }
0x338: {  	v18 =	vshll.u32 v58, $0x1;
	v58 =	vmul.f32 $6.835937500e-03, v60;
	v60 =	vor.u32 v21, v19  }
0x339: {  	[tilespmem:v9+s6+$0x0] =	vst.idx.add.f32.msk $0xffff, v16;
	v19 =	vmul.f32 v61, v61;
	v21 =	vshll.u32 v49, $0x2;
	v16 =	vmul.f32 $6.835937500e-03, v45  }
0x33a: {  	v18 =	vand.u32 $0x1E, v18;
	v21 =	vand.u32 $0xC, v21;
	v43 =	vand.u32 $0x3, v43  }
0x33b: {  	v0 =	vshra.s32 v53, v0;
	v53 =	vmul.f32 v55, v55;
	v44 =	vor.u32 v44, v21  }
0x33c: {  	v21 =	vand.u32 $0xC, v42;
	v42 =	vand.u32 $0x3, v51;
	v43 =	vor.u32 v43, v50  }
0x33d: {  	v50 =	vshll.u32 v59, $0x2;
	v52 =	vshra.s32 v52, v18;
	v18 =	vand.u32 $0xC, v47  }
0x33e: {  	v47 =	vmul.f32 v56, v56;
	v56 =	vmul.f32 $6.835937500e-03, v56;
	v46 =	vor.u32 v46, v18  }
0x33f: {  	v18 =	vmul.f32 v48, v48;
	v53 =	vsub.f32 v53, v57;
	v57 =	vmul.f32 v54, v54  }
0x340: {  	v50 =	vand.u32 $0xC, v50;
	v0 =	vand.u32 $0x3, v0;
	v48 =	vmul.f32 $6.835937500e-03, v48  }
0x341: {  	v49 =	vsub.f32 v57, v58;
	v57 =	vmul.f32 v47, v47;
	v58 =	vmul.f32 v18, v18  }
0x342: {  	v42 =	vor.u32 v42, v21;
	v21 =	vmul.f32 v45, v45;
	v0 =	vor.u32 v0, v50  }
0x343: {  	v51 =	vsub.f32 v57, v56;
	v56 =	vmul.f32 v34, v34;
	v48 =	vsub.f32 v58, v48  }
0x344: {  	v57 =	vmul.f32 v19, v19;
	v58 =	vmul.f32 $6.835937500e-03, v61;
	v61 =	vnsel vm3, $0x0, v23  }
0x345: {  	v59 =	vand.u32 $0x3, v52;
	[tilespmem:v12+s6+$0x0] =	vst.idx.add.f32.msk $0xffff, v61;
	v12 =	vnsel vm8, $0x0, v39;
	v23 =	vmul.f32 v56, v56  }
0x346: {  	v57 =	vsub.f32 v57, v58;
	v58 =	vmul.f32 v21, v21;
	[tilespmem:v22+s6+$0x0] =	vst.idx.add.f32.msk $0xffff, v12;
	v12 =	vmul.f32 $2.929687500e-03, v37  }
0x347: {  	v31 =	vor.u32 v59, v31;
	v11 =	vmul.f32 $6.835937500e-03, v56;
	v9 =	vmul.f32 v23, v23  }
0x348: {  	vm3 =	vlt.f32 v30, $4.000000000e+00;
	vm8 =	vlt.f32 v32, $4.000000000e+00;
	v12 =	vadd.f32 $-3.204345700e-04, v12  }
0x349: {  	v45 =	vsub.f32 v58, v16;
	v16 =	vld.idx.msk [tilespmem:v46+s21+$0x0], $0xffff;
	v9 =	vsub.f32 v9, v11;
	v11 =	vnsel vm2, $0x0, v28  }
0x34a: {  	v22 =	vadd.f32 v49, v12;
	[tilespmem:v10+s6+$0x0] =	vst.idx.add.f32.msk $0xffff, v11;
	v10 =	vnsel vm5, $0x0, v27;
	v11 =	vmul.f32 $2.929687500e-03, v40  }
0x34b: {  	v12 =	vmul.f32 $2.929687500e-03, v33;
	[tilespmem:v13+s6+$0x0] =	vst.idx.add.f32.msk $0xffff, v10;
	v10 =	vnsel vm6, $0x0, v26;
	v13 =	vmul.f32 $2.929687500e-03, v38  }
0x34c: {  	vm2 =	vmmov vm4;
	[tilespmem:v14+s6+$0x0] =	vst.idx.add.f32.msk $0xffff, v10;
	v10 =	vnsel vm7, $0x0, v24;
	v11 =	vadd.f32 $-3.204345700e-04, v11  }
0x34d: {  	vm7 =	vlt.f32 v20, $4.000000000e+00;
	[tilespmem:v15+s6+$0x0] =	vst.idx.add.f32.msk $0xffff, v10;
	v10 =	vmul.f32 $2.929687500e-03, v35;
	v13 =	vadd.f32 $-3.204345700e-04, v13  }
0x34e: {  	v14 =	vld.idx.msk [tilespmem:v60+s21+$0x0], $0xffff;
	v20 =	vadd.f32 $-3.204345700e-04, v12;
	v15 =	vadd.f32 v53, v11;
	v11 =	vmul.f32 $2.929687500e-03, v36  }
0x34f: {  	v12 =	vld.idx.msk [tilespmem:v43+s21+$0x0], $0xffff;
	v24 =	vadd.f32 $-3.204345700e-04, v10;
	v27 =	vadd.f32 v51, v13;
	v13 =	vmul.f32 $2.929687500e-03, v34  }
0x350: {  	vm5 =	vlt.f32 v29, $4.000000000e+00;
	vm6 =	vlt.f32 v25, $4.000000000e+00;
	v10 =	vld.idx.msk [tilespmem:v44+s21+$0x0], $0xffff;
	v26 =	vadd.f32 $-3.204345700e-04, v11  }
0x351: {  	v11 =	vld.idx.msk [tilespmem:v42+s21+$0x0], $0xffff;
	v25 =	vadd.f32 v48, v24;
	v24 =	vmul.f32 v15, v55;
	v15 =	vadd.f32 $-3.204345700e-04, v13  }
0x352: {  	v28 =	vmul.f32 v22, v54;
	v13 =	vld.idx.msk [tilespmem:v0+s21+$0x0], $0xffff;
	v22 =	vmul.f32 v27, v47;
	v29 =	vadd.f32 v57, v26  }
0x353: {  	s23 =	simm.s32 $0x1B140;
	s22 =	simm.s32 $0x8;
	v26 =	vadd.f32 v45, v20;
	v27 =	vadd.f32 v9, v15;
	v15 =	vnsel vm2, $0x0, v17;
	v9 =	vld.idx.msk [tilespmem:v31+s21+$0x0], $0xffff  }
.LBB2_14:
0x354: {  	v20 =	vld [tilespmem:s23+$0x30]  }
0x355: {  	s5 =	sadd.s32 $0x100, s5;
	v30 =	vld [tilespmem:s23+$0xFFFFFFE0];
	v0 =	vmul.f32 v25, v18  }
0x356: {  	v18 =	vmul.f32 v29, v19;
	v17 =	vld [tilespmem:s5+$0xFFFFFFF0];
	v19 =	vmul.f32 v26, v21  }
0x357: {  	v21 =	vmul.f32 v27, v23;
	v25 =	vld [tilespmem:s5+$0x70];
	v16 =	vmul.f32 v24, v16  }
0x358: {  	vm2 =	vmmov vm7;
	v27 =	vld [tilespmem:s23+$0xFFFFFFD0];
	v14 =	vmul.f32 v28, v14;
	v24 =	vmul.f32 v22, v10  }
0x359: {  	v33 =	vld [tilespmem:s5+$0xFFFFFF80];
	v23 =	vnsel vm8, $0x0, v16;
	v16 =	vmul.f32 v18, v12;
	v26 =	vmul.f32 v19, v13  }
0x35a: {  	v41 =	vld [tilespmem:s5+$0xFFFFFF90];
	v0 =	vmul.f32 v0, v11;
	v22 =	vnsel vm0, $0x0, v14;
	v18 =	vnsel vm1, $0x0, v24  }
0x35b: {  	v44 =	vld [tilespmem:s5+$0xFFFFFFA0];
	v1 =	vmul.f32 v21, v9;
	v28 =	vsub.s32 $0x7EF311C3, v20;
	v21 =	vnsel vm5, $0x0, v16  }
0x35c: {  	v10 =	vld [tilespmem:s23+$0xFFFFFFF0];
	v16 =	vnsel vm6, $0x0, v26;
	v32 =	vsub.s32 $0x7EF311C3, v30;
	vm1 =	vlt.f32 v30, $4.000000000e+00  }
0x35d: {  	v12 =	vld [tilespmem:s23+$0x10];
	v24 =	vshra.s32 v17, $0x4;
	v19 =	vnsel vm3, $0x0, v0;
	v0 =	vshra.s32 v25, $0x4  }
0x35e: {  	v13 =	vld [tilespmem:s23+$0x20];
	v29 =	vmul.f32 v28, v20;
	v31 =	vsub.s32 $0x7EF311C3, v27;
	vm0 =	vlt.f32 v27, $4.000000000e+00  }
0x35f: {  	v34 =	vmul.f32 v32, v30;
	v48 =	vshll.u32 v17, $0x1;
	v60 =	vshll.u32 v25, $0x1  }
0x360: {  	v11 =	vld [tilespmem:s23+$0x0];
	v54 =	vshra.s32 v33, $0x4;
	v55 =	vshra.s32 v41, $0x4;
	v57 =	vshra.s32 v44, $0x4  }
0x361: {  	v14 =	vld [tilespmem:s23+$0xFFFFFFC0];
	vm3 =	vlt.f32 v20, $4.000000000e+00;
	v26 =	vmul.f32 v31, v27;
	v36 =	vsub.s32 $0x7EF311C3, v10  }
0x362: {  	v47 =	vld [tilespmem:s5+$0xFFFFFFB0];
	v59 =	vand.u32 $0x1E, v48;
	v48 =	vand.u32 $0x1E, v60;
	v29 =	vsub.f32 $2.000000000e+00, v29  }
0x363: {  	v50 =	vld [tilespmem:s5+$0xFFFFFFC0];
	v35 =	vmul.f32 v36, v10;
	v40 =	vsub.s32 $0x7EF311C3, v12;
	v42 =	vsub.s32 $0x7EF311C3, v13  }
0x364: {  	v9 =	vld [tilespmem:$0x1FF70];
	v34 =	vsub.f32 $2.000000000e+00, v34;
	vm6 =	vlt.f32 v12, $4.000000000e+00;
	vm7 =	vlt.f32 v13, $4.000000000e+00  }
0x365: {  	v25 =	vld [tilespmem:s5+$0xFFFFFFD0];
	v39 =	vsub.s32 $0x7EF311C3, v11;
	v37 =	vsub.f32 $2.000000000e+00, v26;
	v38 =	vmul.f32 v40, v12  }
0x366: {  	[tilespmem:$0x1FF40] =	vst v1;
	v1 =	vld [tilespmem:$0x1FF60];
	v43 =	vsub.s32 $0x7EF311C3, v14;
	v45 =	vmul.f32 v42, v13;
	v28 =	vmul.f32 v28, v29  }
0x367: {  	v29 =	vmul.f32 v39, v11;
	v46 =	vmul.f32 v43, v14;
	v49 =	vsub.f32 $2.000000000e+00, v35;
	v24 =	vld.idx.msk [tilespmem:v24+s19+$0x0], $0xffff  }
0x368: {  	v34 =	vmul.f32 v32, v34;
	v0 =	vld.idx.msk [tilespmem:v0+s19+$0x0], $0xffff;
	v53 =	vsub.f32 $2.000000000e+00, v38;
	v26 =	vmul.f32 v28, v20  }
0x369: {  	v45 =	vsub.f32 $2.000000000e+00, v45;
	v31 =	vmul.f32 v31, v37;
	v37 =	vld [tilespmem:s5+$0x40];
	v46 =	vsub.f32 $2.000000000e+00, v46  }
0x36a: {  	v38 =	vld [tilespmem:s5+$0x50];
	v52 =	vsub.f32 $2.000000000e+00, v29;
	v36 =	vmul.f32 v36, v49;
	v26 =	vsub.f32 $2.000000000e+00, v26  }
0x36b: {  	v49 =	vshra.s32 v47, $0x4;
	v30 =	vmul.f32 v34, v30;
	v42 =	vmul.f32 v42, v45;
	v45 =	vld.idx.msk [tilespmem:v54+s19+$0x0], $0xffff  }
0x36c: {  	v20 =	vshra.s32 v25, $0x4;
	v40 =	vmul.f32 v40, v53;
	v51 =	vmul.f32 v26, v28;
	v26 =	vld [tilespmem:s5+$0x0]  }
0x36d: {  	v27 =	vmul.f32 v31, v27;
	v54 =	vshra.s32 v50, $0x4;
	[tilespmem:v63+s6+$0x0] =	vst.idx.add.f32.msk $0xffff, v23;
	v23 =	vsub.f32 $2.000000000e+00, v30  }
0x36e: {  	v29 =	vld [tilespmem:s5+$0x20];
	v43 =	vmul.f32 v43, v46;
	v39 =	vmul.f32 v39, v52;
	v35 =	vshra.s32 v24, v59  }
0x36f: {  	v4 =	vmovc v33;
	v24 =	vld [tilespmem:s5+$0xFFFFFFE0];
	v61 =	vmul.f32 v51, v51;
	v33 =	vmul.f32 v23, v34;
	v23 =	vshra.s32 v38, $0x4  }
0x370: {  	v53 =	vmul.f32 v36, v10;
	v0 =	vshra.s32 v0, v48;
	v28 =	vshll.u32 v35, $0x2;
	v49 =	vld.idx.msk [tilespmem:v49+s19+$0x0], $0xffff  }
0x371: {  	v0 =	vand.u32 $0x3, v0;
	v35 =	vand.u32 $0xC, v28;
	v28 =	vld [tilespmem:s5+$0x10];
	v46 =	vmul.f32 v61, v61  }
0x372: {  	v3 =	vmovc v44;
	v27 =	vsub.f32 $2.000000000e+00, v27;
	v30 =	vsub.f32 $2.000000000e+00, v53;
	v0 =	vor.u32 v0, v35;
	v35 =	vld [tilespmem:s5+$0x30]  }
0x373: {  	v53 =	vshll.u32 v3, $0x1;
	[tilespmem:v7+s6+$0x0] =	vst.idx.add.f32.msk $0xffff, v19;
	v48 =	vmul.f32 $6.835937500e-03, v61;
	v56 =	vmul.f32 v46, v46  }
0x374: {  	v60 =	vmul.f32 v43, v14;
	v27 =	vmul.f32 v27, v31;
	v53 =	vand.u32 $0x1E, v53;
	v6 =	vld.idx.msk [tilespmem:v23+s19+$0x0], $0xffff  }
0x375: {  	v51 =	vmul.f32 $2.929687500e-03, v51;
	v61 =	vmul.f32 v39, v11;
	v58 =	vsub.f32 v56, v48;
	v48 =	vld.idx.msk [tilespmem:v55+s19+$0x0], $0xffff  }
0x376: {  	v52 =	vsub.f32 $2.000000000e+00, v60;
	v60 =	vmul.f32 v42, v13;
	v30 =	vmul.f32 v30, v36;
	v55 =	vld.idx.msk [tilespmem:v57+s19+$0x0], $0xffff  }
0x377: {  	v44 =	vmul.f32 v27, v27;
	v27 =	vmul.f32 $2.929687500e-03, v27;
	v61 =	vsub.f32 $2.000000000e+00, v61;
	[tilespmem:v2+s6+$0x0] =	vst.idx.add.f32.msk $0xffff, v22  }
0x378: {  	v7 =	vmovc v47;
	v59 =	vadd.f32 $-3.204345700e-04, v51;
	v47 =	vmul.f32 v33, v33;
	v33 =	vmul.f32 $2.929687500e-03, v33;
	v2 =	vmovc v41;
	v41 =	vld.idx.msk [tilespmem:v54+s19+$0x0], $0xffff  }
0x379: {  	v63 =	vshra.s32 v24, $0x4;
	v22 =	vsub.f32 $2.000000000e+00, v60;
	[tilespmem:v62+s6+$0x0] =	vst.idx.add.f32.msk $0xffff, v18;
	v34 =	vmul.f32 v61, v39  }
0x37a: {  	v18 =	vshra.s32 v29, $0x4;
	v19 =	vshra.s32 v35, $0x4;
	[tilespmem:v1+s6+$0x0] =	vst.idx.add.f32.msk $0xffff, v21;
	v21 =	vshra.s32 v37, $0x4  }
0x37b: {  	v39 =	vld.idx.msk [tilespmem:v20+s19+$0x0], $0xffff;
	v1 =	vmovc v50;
	v20 =	vshll.u32 v4, $0x1;
	v50 =	vmul.f32 v30, v30;
	v62 =	vshll.u32 v25, $0x1  }
0x37c: {  	[tilespmem:v9+s6+$0x0] =	vst.idx.add.f32.msk $0xffff, v16;
	v16 =	vmovc v25;
	v25 =	vshll.u32 v28, $0x1;
	v30 =	vmul.f32 $2.929687500e-03, v30;
	v62 =	vand.u32 $0x1E, v62  }
0x37d: {  	[tilespmem:$0x1FF70] =	vst v16;
	v16 =	vshll.u32 v26, $0x1;
	v25 =	vand.u32 $0x1E, v25;
	v32 =	vadd.f32 v58, v59  }
0x37e: {  	v36 =	vmul.f32 v22, v42;
	v54 =	vmul.f32 v34, v34;
	v58 =	vshll.u32 v7, $0x1  }
0x37f: {  	[tilespmem:$0x1FF60] =	vst v1;
	v59 =	vshll.u32 v1, $0x1;
	v1 =	vand.u32 $0x1E, v20;
	v20 =	vmul.f32 v44, v44  }
0x380: {  	v22 =	vmul.f32 v47, v47;
	v16 =	vand.u32 $0x1E, v16;
	v58 =	vand.u32 $0x1E, v58  }
0x381: {  	v0 =	vld.idx.msk [tilespmem:v0+s21+$0x0], $0xffff;
	v59 =	vand.u32 $0x1E, v59;
	v32 =	vmul.f32 v32, v46;
	v46 =	vmul.f32 v40, v12  }
0x382: {  	v1 =	vshra.s32 v45, v1;
	v60 =	vmul.f32 v36, v36;
	v36 =	vmul.f32 $2.929687500e-03, v36;
	v57 =	vld.idx.msk [tilespmem:v18+s19+$0x0], $0xffff  }
0x383: {  	v1 =	vshll.u32 v1, $0x2;
	v61 =	vld.idx.msk [tilespmem:v19+s19+$0x0], $0xffff;
	v18 =	vmul.f32 v50, v50;
	v19 =	vmul.f32 v54, v54  }
0x384: {  	v53 =	vshra.s32 v55, v53;
	v55 =	vshra.s32 v49, v58;
	v41 =	vshra.s32 v41, v59  }
0x385: {  	v39 =	vshra.s32 v39, v62;
	v1 =	vand.u32 $0xC, v1;
	v54 =	vmul.f32 $6.835937500e-03, v54  }
0x386: {  	v51 =	vld [tilespmem:s5+$0x60];
	v0 =	vmul.f32 v32, v0;
	v46 =	vsub.f32 $2.000000000e+00, v46;
	v32 =	vmul.f32 v52, v43  }
0x387: {  	v43 =	vld.idx.msk [tilespmem:v63+s19+$0x0], $0xffff;
	v63 =	vshll.u32 v24, $0x1;
	v23 =	vmul.f32 v60, v60;
	v45 =	vshll.u32 v55, $0x2  }
0x388: {  	v41 =	vshll.u32 v41, $0x2;
	v39 =	vshll.u32 v39, $0x2;
	v58 =	vmul.f32 v18, v18  }
0x389: {  	v59 =	vmul.f32 v19, v19;
	v45 =	vand.u32 $0xC, v45;
	v41 =	vand.u32 $0xC, v41  }
0x38a: {  	v39 =	vand.u32 $0xC, v39;
	v0 =	vnsel vm3, $0x0, v0;
	v31 =	vmul.f32 v46, v40  }
0x38b: {  	v40 =	vshra.s32 v51, $0x4;
	v42 =	vmul.f32 v32, v32;
	v46 =	vshll.u32 v2, $0x1  }
0x38c: {  	v9 =	vld [tilespmem:$0x1FF50];
	v55 =	vmul.f32 v23, v23;
	v32 =	vmul.f32 $2.929687500e-03, v32;
	vm3 =	vlt.f32 v10, $4.000000000e+00  }
0x38d: {  	[tilespmem:v17+s6+$0x0] =	vst.idx.add.f32.msk $0xffff, v0;
	v0 =	vshra.s32 v26, $0x4;
	v17 =	vshra.s32 v28, $0x4;
	v46 =	vand.u32 $0x1E, v46  }
0x38e: {  	v5 =	vld.idx.msk [tilespmem:v21+s19+$0x0], $0xffff;
	v26 =	vand.u32 $0x1E, v63;
	v63 =	vmovc v4;
	v4 =	vmovc v8;
	v8 =	vmov v24;
	v24 =	vshll.u32 v35, $0x1  }
0x38f: {  	v28 =	vshll.u32 v37, $0x1;
	v35 =	vshll.u32 v51, $0x1;
	v59 =	vsub.f32 v59, v54  }
0x390: {  	v56 =	vmul.f32 v31, v31;
	v51 =	vshra.s32 v48, v46;
	v24 =	vand.u32 $0x1E, v24  }
0x391: {  	v28 =	vand.u32 $0x1E, v28;
	v35 =	vand.u32 $0x1E, v35;
	v46 =	vmul.f32 v20, v20  }
0x392: {  	v48 =	vmul.f32 v22, v22;
	v31 =	vmul.f32 $2.929687500e-03, v31;
	v26 =	vshra.s32 v43, v26  }
0x393: {  	v37 =	vshll.u32 v51, $0x2;
	v5 =	vshra.s32 v5, v28;
	v28 =	vmul.f32 $6.835937500e-03, v44  }
0x394: {  	v24 =	vshra.s32 v61, v24;
	v61 =	vmul.f32 $6.835937500e-03, v47;
	v21 =	vmul.f32 v56, v56;
	v40 =	vld.idx.msk [tilespmem:v40+s19+$0x0], $0xffff  }
0x395: {  	v26 =	vshll.u32 v26, $0x2;
	v37 =	vand.u32 $0xC, v37;
	v56 =	vmul.f32 $6.835937500e-03, v56;
	[tilespmem:v9+s6+$0x0] =	vst.idx.add.f32.msk $0xffff, v15  }
0x396: {  	v24 =	vand.u32 $0x3, v24;
	v5 =	vand.u32 $0x3, v5;
	v15 =	vshll.u32 v29, $0x1;
	v0 =	vld.idx.msk [tilespmem:v0+s19+$0x0], $0xffff  }
0x397: {  	v29 =	vshll.u32 v38, $0x1;
	v38 =	vshll.u32 v53, $0x2;
	v26 =	vand.u32 $0xC, v26  }
0x398: {  	v28 =	vsub.f32 v46, v28;
	v5 =	vor.u32 v5, v41;
	v52 =	vld.idx.msk [tilespmem:v17+s19+$0x0], $0xffff;
	v17 =	vmul.f32 v42, v42  }
0x399: {  	v15 =	vand.u32 $0x1E, v15;
	v29 =	vand.u32 $0x1E, v29;
	v53 =	vmul.f32 v21, v21  }
0x39a: {  	v38 =	vand.u32 $0xC, v38;
	v15 =	vshra.s32 v57, v15;
	v6 =	vshra.s32 v6, v29  }
0x39b: {  	v57 =	vmul.f32 $6.835937500e-03, v60;
	v43 =	vmul.f32 v17, v17;
	v0 =	vshra.s32 v0, v16  }
0x39c: {  	v15 =	vand.u32 $0x3, v15;
	v60 =	vsub.f32 v53, v56;
	v0 =	vand.u32 $0x3, v0  }
0x39d: {  	v15 =	vor.u32 v15, v38;
	v0 =	vor.u32 v0, v1;
	v1 =	vand.u32 $0x3, v6  }
0x39e: {  	v29 =	vshra.s32 v40, v35;
	v35 =	vsub.f32 v48, v61;
	v1 =	vor.u32 v1, v39  }
0x39f: {  	v16 =	vshra.s32 v52, v25;
	v25 =	vmul.f32 $6.835937500e-03, v42;
	v52 =	vmul.f32 $6.835937500e-03, v50  }
0x3a0: {  	v61 =	vsub.f32 v55, v57;
	v16 =	vand.u32 $0x3, v16;
	v6 =	vand.u32 $0x3, v29  }
0x3a1: {  	v12 =	vld.idx.msk [tilespmem:v5+s21+$0x0], $0xffff;
	v25 =	vsub.f32 v43, v25;
	v29 =	vor.u32 v16, v37;
	v58 =	vsub.f32 v58, v52  }
0x3a2: {  	v6 =	vor.u32 v6, v26;
	v26 =	vadd.f32 $-3.204345700e-04, v27;
	v27 =	vadd.f32 $-3.204345700e-04, v33;
	v10 =	vld.idx.msk [tilespmem:v15+s21+$0x0], $0xffff  }
0x3a3: {  	s22 =	sadd.s32 $0x8, s22;
	v24 =	vor.u32 v24, v45;
	v15 =	vadd.f32 $-3.204345700e-04, v30;
	v30 =	vadd.f32 $-3.204345700e-04, v31;
	v13 =	vld.idx.msk [tilespmem:v1+s21+$0x0], $0xffff  }
0x3a4: {  	p0 =	slt.u32 s22, $0x78;
	v31 =	vadd.f32 $-3.204345700e-04, v36;
	v28 =	vadd.f32 v28, v26;
	v1 =	vld [tilespmem:$0x1FF40]  }
.Ltmp10:
0x3a5: {  	v34 =	vmul.f32 $2.929687500e-03, v34;
	v5 =	vadd.f32 v35, v27;
	v16 =	vld.idx.msk [tilespmem:v0+s21+$0x0], $0xffff;
	v0 =	vadd.f32 $-3.204345700e-04, v32;
	(pc) =	sbr.rel @p0 .LBB2_14-.Ltmp10, $4  }
0x3a6: {  	vm8 =	vlt.f32 v14, $4.000000000e+00;
	v26 =	vadd.f32 v60, v30;
	v27 =	vadd.f32 v61, v31  }
0x3a7: {  	vm5 =	vlt.f32 v11, $4.000000000e+00;
	v62 =	vmovc v3;
	v14 =	vld.idx.msk [tilespmem:v29+s21+$0x0], $0xffff;
	v29 =	vadd.f32 $-3.204345700e-04, v34;
	v0 =	vadd.f32 v25, v0  }
0x3a8: {  	v11 =	vld.idx.msk [tilespmem:v24+s21+$0x0], $0xffff;
	v28 =	vmul.f32 v28, v20;
	v22 =	vmul.f32 v5, v22;
	v25 =	vadd.f32 v58, v15  }
0x3a9: {  	s23 =	sadd.s32 $0x80, s23;
	[tilespmem:$0x1FF50] =	vst v4;
	v9 =	vld.idx.msk [tilespmem:v6+s21+$0x0], $0xffff;
	v29 =	vadd.f32 v59, v29;
	v24 =	vmul.f32 v0, v17;
	v15 =	vnsel vm2, $0x0, v1  }
0x3aa: {  	_ = 	snop  }
0x3ab: {  	v10 =	vmul.f32 v22, v10  }
0x3ac: {  	v1 =	vmul.f32 v25, v18;
	v0 =	vmul.f32 v24, v16  }
0x3ad: {  	v5 =	vmul.f32 v28, v14;
	v3 =	vnsel vm1, $0x0, v10  }
0x3ae: {  	v0 =	vnsel vm8, $0x0, v0;
	v1 =	vmul.f32 v1, v11;
	[tilespmem:v62+s6+$0x0] =	vst.idx.add.f32.msk $0xffff, v3  }
0x3af: {  	v5 =	vnsel vm0, $0x0, v5;
	[tilespmem:v63+s6+$0x0] =	vst.idx.add.f32.msk $0xffff, v0  }
0x3b0: {  	[tilespmem:v2+s6+$0x0] =	vst.idx.add.f32.msk $0xffff, v5;
	v1 =	vnsel vm3, $0x0, v1  }
0x3b1: {  	[tilespmem:v7+s6+$0x0] =	vst.idx.add.f32.msk $0xffff, v1  }
0x3b2: {  	v3 =	vld [tilespmem:$0x1FF60];
	_ =	sdelay $0x2  }
0x3b3: {  	v6 =	vmul.f32 v29, v19;
	_ =	sdelay $0x1  }
0x3b4: {  	v0 =	vmul.f32 v6, v12;
	_ =	sdelay $0x1  }
0x3b5: {  	v0 =	vnsel vm5, $0x0, v0  }
0x3b6: {  	[tilespmem:v3+s6+$0x0] =	vst.idx.add.f32.msk $0xffff, v0  }
0x3b7: {  	v0 =	vld [tilespmem:$0x1FF70];
	_ =	sdelay $0x2  }
0x3b8: {  	v61 =	vmul.f32 v26, v21;
	_ =	sdelay $0x1  }
0x3b9: {  	v63 =	vmul.f32 v61, v13;
	v2 =	vmul.f32 v27, v23;
	_ =	sdelay $0x1  }
0x3ba: {  	v1 =	vmul.f32 v2, v9;
	v2 =	vnsel vm6, $0x0, v63  }
0x3bb: {  	[tilespmem:v0+s6+$0x0] =	vst.idx.add.f32.msk $0xffff, v2  }
0x3bc: {  	v0 =	vld [tilespmem:$0x1FF50];
	_ =	sdelay $0x4  }
.Ltmp11:
0x3bd: {  	_ = 	snop;
	(pc) =	sbr.rel .LBB2_16-.Ltmp11, $4  }
0x3be: {  	_ = 	snop  }
0x3bf: {  	vm15 =	vmmov vm7  }
0x3c0: {  	[tilespmem:v0+s6+$0x0] =	vst.idx.add.f32.msk $0xffff, v15;
	v0 =	vnsel vm15, $0x0, v1  }
0x3c1: {  	[tilespmem:v8+s6+$0x0] =	vst.idx.add.f32.msk $0xffff, v0;
	v0 =	vimm.f32 $0.0e+00  }
.LBB2_18:
0x3c2: {  	_ =	sfence.sel $0x180000  }
0x3c3: {  	[bflag:$0x0] =	sbarrier.arrive $0xFFFF  }
0x3c4: {  	_ =	strace $0x90000047  }
0x3c5: {  	s0 =	stileid.u32;
	[bflag:$0x2] =	sbarrier.arrive $0xFFFF  }
0x3c6: {  	p0 =	sne.s32 s0, $0x0;
	s0 =	rddreg [dreg:$0x5]  }
0x3c7: {  	s0 =	sadd.s32 @!p0 $0x100000, s0  }
0x3c8: {  	[sflag:s0] =	ssyncadd.tile.s32 @!p0 $0x1;
	_ =	shalt  }
.Lfunc_end2:
_tile_overlayer_lowered:
.L_overlay_start_2:
0x3c9: {  	(tag) =	ssettag $0x2  }
0x3ca: {  	s0 =	rddreg [dreg:$0x0];
	s2 =	stileid.u32  }
0x3cb: {  	s1 =	rddreg [dreg:$0x1];
	p0 =	sne.s32 s2, $0x0  }
0x3cc: {  	s3 =	rddreg [dreg:$0x2];
	[bflag:$0x3] =	sbarrier.arrive $0xFFFF;
	s2 =	simm.s32 @!p0 $0x1C04  }
0x3cd: {  	[timem:s3], [sflag:s2] =	dma.local @!p0 [hbm:s0], s1  }
0x3ce: {  	s0 =	simm.s32 @!p0 $0x4  }
0x3cf: {  	_ =	swait.ge @!p0 [sflag:s0], s1  }
0x3d0: {  	s1 =	ssub.s32 @!p0 $0x0, s1;
	[sflag:s0] =	ssyncset.done @!p0 $0x0  }
0x3d1: {  	[sflag:s0] =	ssyncadd.s32 @!p0 s1  }
0x3d2: {  	[bflag:$0x3] =	sbarrier.arrive $0xFFFF  }
0x3d3: {  	_ =	shalt  }

</sc_bundles>
